<compile_context>
chip_gen: v7x
topology: tpu7x:2x2x1
jax: 0.10.2.dev20260603
libtpu: 0.0.44.dev20260713+nightly
codegen_flags: <defaults>
</compile_context>

<pallas_src>
import functools

import jax
import jax.numpy as jnp
from jax import lax
from jax.experimental import pallas as pl
from jax.experimental.pallas import tpu as pltpu
from jax.experimental.pallas import tpu_sc as plsc

N, D, K, O = 10000, 128, 32, 128
NC, NS, L = 2, 16, 16
NW = NC * NS
C = 8
CH = C // 2
CK = CH * K
NCHUNK = N // C
NG = (NCHUNK + NW - 1) // NW
DV = D // L
NBUF = 3

_mesh = plsc.VectorSubcoreMesh(core_axis_name="c", subcore_axis_name="s")


@functools.partial(
    pl.kernel,
    out_type=jax.ShapeDtypeStruct((N, D), jnp.float32),
    mesh=_mesh,
    scratch_types=[
        pltpu.VMEM((2 * NBUF, CK), jnp.int32),
        pltpu.VMEM((2 * NBUF, CK, D), jnp.float32),
        pltpu.VMEM((NBUF, C, D), jnp.float32),
    ] + [pltpu.SemaphoreType.DMA] * (4 * NBUF),
)
def _gather_sum(adj_hbm, x_hbm, out_hbm, idx_v, rows_v, acc_v, *sems):
    isem = sems[0:NBUF]
    gsem = sems[NBUF:3 * NBUF]
    ssem = sems[3 * NBUF:4 * NBUF]
    w = lax.axis_index("s") * NC + lax.axis_index("c")
    ngw = (NCHUNK - w + NW - 1) // NW

    def base_of(gg):
        return (gg * NW + w) * C

    def fetch_idx(gg, b):
        return pltpu.make_async_copy(
            adj_hbm.at[pl.ds((gg * NW + w) * 2, 2)],
            idx_v.at[pl.ds(2 * b, 2)], isem[b])

    def gather(gg, b, h):
        return pltpu.make_async_copy(
            x_hbm.at[idx_v.at[2 * b + h]], rows_v.at[2 * b + h],
            gsem[2 * b + h])

    def store(gg, b):
        return pltpu.make_async_copy(
            acc_v.at[b], out_hbm.at[pl.ds(base_of(gg), C)], ssem[b])

    for b in range(NBUF):
        fetch_idx(b, b).start()
    for b in range(NBUF - 1):
        fetch_idx(b, b).wait()
        gather(b, b, 0).start()
        gather(b, b, 1).start()

    def chunk_body(gg, b):
        gather(gg, b, 0).wait()
        gather(gg, b, 1).wait()

        @pl.when(gg + NBUF < ngw)
        def _():
            fetch_idx(gg + NBUF, b).start()

        pre = gg + NBUF - 1
        bpre = (b + NBUF - 1) % NBUF

        @pl.when(pre < ngw)
        def _():
            fetch_idx(pre, bpre).wait()
            gather(pre, bpre, 0).start()
            gather(pre, bpre, 1).start()

        @pl.when(gg >= NBUF)
        def _():
            store(gg - NBUF, b).wait()

        def node_body(c, carry):
            h = c // CH
            cc = c - h * CH

            def kstep(kk, acc):
                a = acc
                for u in range(4):
                    r = cc * K + kk * 4 + u
                    a = tuple(a[d] + rows_v[2 * b + h, r, pl.ds(d * L, L)]
                              for d in range(DV))
                return a
            acc0 = tuple(jnp.zeros((L,), jnp.float32) for _ in range(DV))
            accs = lax.fori_loop(0, K // 4, kstep, acc0)
            for d in range(DV):
                acc_v[b, c, pl.ds(d * L, L)] = accs[d]
            return carry

        lax.fori_loop(0, C, node_body, 0)

        store(gg, b).start()

    def ring_body(i, carry):
        for b in range(NBUF):
            gg = i * NBUF + b

            @pl.when(gg < ngw)
            def _():
                chunk_body(gg, b)
        return carry

    lax.fori_loop(0, (NG + NBUF - 1) // NBUF, ring_body, 0)

    for b in range(NBUF):
        gl = ngw - NBUF + jnp.remainder(b - (ngw - NBUF), NBUF)
        store(gl, b).wait()


RB = 5000
_DN = (((1,), (1,)), ((), ()))


def _linear_body(x_ref, agg_ref, w_ref, b_ref, o_ref):
    h = (lax.dot_general(x_ref[...], w_ref[:, :D], _DN,
                         preferred_element_type=jnp.float32)
         + lax.dot_general(agg_ref[...] * (1.0 / K), w_ref[:, D:], _DN,
                           preferred_element_type=jnp.float32)
         + b_ref[...])
    o_ref[...] = jnp.maximum(h, 0.0)


@jax.jit
def kernel(x, adj_lists, W, b):
    agg_sum = _gather_sum(adj_lists.reshape(N * K // CK, CK), x)
    out = pl.pallas_call(
        _linear_body,
        grid=(N // RB,),
        in_specs=[
            pl.BlockSpec((RB, D), lambda i: (i, 0)),
            pl.BlockSpec((RB, D), lambda i: (i, 0)),
            pl.BlockSpec((O, 2 * D), lambda i: (0, 0)),
            pl.BlockSpec((1, O), lambda i: (0, 0)),
        ],
        out_specs=pl.BlockSpec((RB, O), lambda i: (i, 0)),
        out_shape=jax.ShapeDtypeStruct((N, O), jnp.float32),
    )(x, agg_sum, W, b.reshape(1, O))
    return out

# --- scband reference (transcript-rebuilt; emitter-appended) ---
"""Pipeline reference for scband-graph-sagelayer-11038065951060 (READ-ONLY COPY).

The authoritative reference and input builder live on the scoring server;
editing this copy changes nothing except your own understanding.
"""

import jax, jax.numpy as jnp
import numpy as np

N, D, K, O = 10000, 128, 32, 128

def setup_inputs(seed: int = 0) -> dict:
    key = jax.random.key(seed)
    k1, k2, k3 = jax.random.split(key, 3)
    x = jax.random.normal(k1, (N, D), dtype=jnp.float32)
    adj_lists = jax.random.randint(k2, (N, K), 0, N, dtype=jnp.int32)
    # nn.Linear(in_dim*2, out_dim): weight (O, 2D), bias (O,)
    bound = 1.0 / np.sqrt(2 * D)
    kW, kb = jax.random.split(k3)
    W = jax.random.uniform(kW, (O, 2 * D), minval=-bound, maxval=bound, dtype=jnp.float32)
    b = jax.random.uniform(kb, (O,), minval=-bound, maxval=bound, dtype=jnp.float32)
    return {"x": x, "adj_lists": adj_lists, "W": W, "b": b}

def reference(x, adj_lists, W, b):
    # Vectorized GraphSAGE mean aggregation (faithful to per-node loop: every
    # node has exactly K neighbors, so the empty-neighbor branch never triggers).
    neigh = jnp.take(x, adj_lists, axis=0)          # (N, K, D) gather
    neigh_agg = jnp.mean(neigh, axis=1)             # (N, D) mean over neighbors
    h = jnp.concatenate([x, neigh_agg], axis=-1)    # (N, 2D)
    out = h @ W.T + b                               # (N, O) linear
    return jax.nn.relu(out)

if __name__ == "__main__":
    import jax
    _d = setup_inputs()
    print(jax.jit(kernel)(*tuple(_d.values())))

</pallas_src>

<mosaic_0001>
#map = affine_map<(d0, d1) -> (0, 0)>
module attributes {stable_mosaic.version = 14 : i64} {
  func.func @_gather_sum(%arg0: i32, %arg1: i32, %arg2: memref<2500x128xi32, #tpu.memory_space<hbm>>, %arg3: memref<10000x128xf32, #tpu.memory_space<hbm>>, %arg4: memref<10000x128xf32, #tpu.memory_space<hbm>>, %arg5: memref<6x128xi32, #tpu.memory_space<vmem>>, %arg6: memref<6x128x128xf32, #tpu.memory_space<vmem>>, %arg7: memref<3x8x128xf32, #tpu.memory_space<vmem>>, %arg8: memref<!tpu.dma_semaphore, #tpu.memory_space<semaphore_mem>>, %arg9: memref<!tpu.dma_semaphore, #tpu.memory_space<semaphore_mem>>, %arg10: memref<!tpu.dma_semaphore, #tpu.memory_space<semaphore_mem>>, %arg11: memref<!tpu.dma_semaphore, #tpu.memory_space<semaphore_mem>>, %arg12: memref<!tpu.dma_semaphore, #tpu.memory_space<semaphore_mem>>, %arg13: memref<!tpu.dma_semaphore, #tpu.memory_space<semaphore_mem>>, %arg14: memref<!tpu.dma_semaphore, #tpu.memory_space<semaphore_mem>>, %arg15: memref<!tpu.dma_semaphore, #tpu.memory_space<semaphore_mem>>, %arg16: memref<!tpu.dma_semaphore, #tpu.memory_space<semaphore_mem>>, %arg17: memref<!tpu.dma_semaphore, #tpu.memory_space<semaphore_mem>>, %arg18: memref<!tpu.dma_semaphore, #tpu.memory_space<semaphore_mem>>, %arg19: memref<!tpu.dma_semaphore, #tpu.memory_space<semaphore_mem>>) attributes {dimension_semantics = [#tpu.dimension_semantics<core_parallel>, #tpu.dimension_semantics<subcore_parallel>], iteration_bounds = array<i64: 2, 16>, scalar_prefetch = 0 : i64, scratch_operands = 15 : i64, tpu.core_type = #tpu.core_type<sc_vector_subcore>, window_params = [{transform_indices = #map}, {transform_indices = #map}, {transform_indices = #map}]} {
    %mul3A = arith.constant 2 : i32
    %mul3A_0 = arith.muli %arg1, %mul3A : i32
    %add3A = arith.addi %mul3A_0, %arg0 : i32
    %sub3A = arith.constant 1250 : i32
    %sub3A_1 = arith.subi %sub3A, %add3A : i32
    %add3A_2 = arith.constant 32 : i32
    %add3A_3 = arith.addi %sub3A_1, %add3A_2 : i32
    %sub3A_4 = arith.constant 1 : i32
    %sub3A_5 = arith.subi %add3A_3, %sub3A_4 : i32
    %jit3A = arith.constant 32 : i32
    %div3A = arith.divsi %sub3A_5, %jit3A : i32
    %sign3A = arith.constant 0 : i32
    %sign3A_6 = arith.cmpi sgt, %sub3A_5, %sign3A : i32
    %sign3A_7 = arith.extui %sign3A_6 : i1 to i32
    %sign3A_8 = arith.constant 0 : i32
    %sign3A_9 = arith.cmpi slt, %sub3A_5, %sign3A_8 : i32
    %sign3A_10 = arith.extui %sign3A_9 : i1 to i32
    %sign3A_11 = arith.subi %sign3A_7, %sign3A_10 : i32
    %sign3A_12 = arith.constant 0 : i32
    %sign3A_13 = arith.cmpi sgt, %jit3A, %sign3A_12 : i32
    %sign3A_14 = arith.extui %sign3A_13 : i1 to i32
    %sign3A_15 = arith.constant 0 : i32
    %sign3A_16 = arith.cmpi slt, %jit3A, %sign3A_15 : i32
    %sign3A_17 = arith.extui %sign3A_16 : i1 to i32
    %sign3A_18 = arith.subi %sign3A_14, %sign3A_17 : i32
    %ne3A = arith.cmpi ne, %sign3A_11, %sign3A_18 : i32
    %rem3A = arith.remsi %sub3A_5, %jit3A : i32
    %ne3A_19 = arith.constant 0 : i32
    %ne3A_20 = arith.cmpi ne, %rem3A, %ne3A_19 : i32
    %and3A = arith.andi %ne3A, %ne3A_20 : i1
    %sub3A_21 = arith.constant 1 : i32
    %sub3A_22 = arith.subi %div3A, %sub3A_21 : i32
    %select_n3A = arith.select %and3A, %sub3A_22, %div3A : i32
    %add3A_23 = arith.constant 0 : i32
    %add3A_24 = arith.addi %add3A_23, %add3A : i32
    %mul3A_25 = arith.constant 2 : i32
    %mul3A_26 = arith.muli %add3A_24, %mul3A_25 : i32
    %dma_start3A = arith.constant 0 : i32
    %dma_start3A_27 = arith.constant 0 : i32
    %dma_start3A_28 = tpu.memref_slice %arg5[%dma_start3A, %dma_start3A_27] : memref<6x128xi32, #tpu.memory_space<vmem>> -> memref<2x128xi32, #tpu.memory_space<vmem>>
    %dma_start3A_29 = arith.constant 0 : i32
    %dma_start3A_30 = tpu.memref_slice %arg2[%mul3A_26, %dma_start3A_29] : memref<2500x128xi32, #tpu.memory_space<hbm>> -> memref<2x128xi32, #tpu.memory_space<hbm>>
    %dma_start3A_31 = arith.constant 0 : i32
    %dma_start3A_32 = arith.constant 0 : i32
    %dma_start3A_33 = tpu.memref_slice %arg5[%dma_start3A_31, %dma_start3A_32] : memref<6x128xi32, #tpu.memory_space<vmem>> -> memref<2x128xi32, #tpu.memory_space<vmem>>
    %dma_start3A_34 = arith.constant 0 : i32
    %dma_start3A_35 = tpu.memref_slice %arg2[%mul3A_26, %dma_start3A_34] : memref<2500x128xi32, #tpu.memory_space<hbm>> -> memref<2x128xi32, #tpu.memory_space<hbm>>
    tpu.enqueue_dma source(%dma_start3A_35 : memref<2x128xi32, #tpu.memory_space<hbm>>) target(%dma_start3A_33 : memref<2x128xi32, #tpu.memory_space<vmem>>) target_semaphore(%arg8 : memref<!tpu.dma_semaphore, #tpu.memory_space<semaphore_mem>>)
    %add3A_36 = arith.constant 32 : i32
    %add3A_37 = arith.addi %add3A_36, %add3A : i32
    %mul3A_38 = arith.constant 2 : i32
    %mul3A_39 = arith.muli %add3A_37, %mul3A_38 : i32
    %dma_start3A_40 = arith.constant 2 : i32
    %dma_start3A_41 = arith.constant 0 : i32
    %dma_start3A_42 = tpu.memref_slice %arg5[%dma_start3A_40, %dma_start3A_41] : memref<6x128xi32, #tpu.memory_space<vmem>> -> memref<2x128xi32, #tpu.memory_space<vmem>>
    %dma_start3A_43 = arith.constant 0 : i32
    %dma_start3A_44 = tpu.memref_slice %arg2[%mul3A_39, %dma_start3A_43] : memref<2500x128xi32, #tpu.memory_space<hbm>> -> memref<2x128xi32, #tpu.memory_space<hbm>>
    %dma_start3A_45 = arith.constant 2 : i32
    %dma_start3A_46 = arith.constant 0 : i32
    %dma_start3A_47 = tpu.memref_slice %arg5[%dma_start3A_45, %dma_start3A_46] : memref<6x128xi32, #tpu.memory_space<vmem>> -> memref<2x128xi32, #tpu.memory_space<vmem>>
    %dma_start3A_48 = arith.constant 0 : i32
    %dma_start3A_49 = tpu.memref_slice %arg2[%mul3A_39, %dma_start3A_48] : memref<2500x128xi32, #tpu.memory_space<hbm>> -> memref<2x128xi32, #tpu.memory_space<hbm>>
    tpu.enqueue_dma source(%dma_start3A_49 : memref<2x128xi32, #tpu.memory_space<hbm>>) target(%dma_start3A_47 : memref<2x128xi32, #tpu.memory_space<vmem>>) target_semaphore(%arg9 : memref<!tpu.dma_semaphore, #tpu.memory_space<semaphore_mem>>)
    %add3A_50 = arith.constant 64 : i32
    %add3A_51 = arith.addi %add3A_50, %add3A : i32
    %mul3A_52 = arith.constant 2 : i32
    %mul3A_53 = arith.muli %add3A_51, %mul3A_52 : i32
    %dma_start3A_54 = arith.constant 4 : i32
    %dma_start3A_55 = arith.constant 0 : i32
    %dma_start3A_56 = tpu.memref_slice %arg5[%dma_start3A_54, %dma_start3A_55] : memref<6x128xi32, #tpu.memory_space<vmem>> -> memref<2x128xi32, #tpu.memory_space<vmem>>
    %dma_start3A_57 = arith.constant 0 : i32
    %dma_start3A_58 = tpu.memref_slice %arg2[%mul3A_53, %dma_start3A_57] : memref<2500x128xi32, #tpu.memory_space<hbm>> -> memref<2x128xi32, #tpu.memory_space<hbm>>
    %dma_start3A_59 = arith.constant 4 : i32
    %dma_start3A_60 = arith.constant 0 : i32
    %dma_start3A_61 = tpu.memref_slice %arg5[%dma_start3A_59, %dma_start3A_60] : memref<6x128xi32, #tpu.memory_space<vmem>> -> memref<2x128xi32, #tpu.memory_space<vmem>>
    %dma_start3A_62 = arith.constant 0 : i32
    %dma_start3A_63 = tpu.memref_slice %arg2[%mul3A_53, %dma_start3A_62] : memref<2500x128xi32, #tpu.memory_space<hbm>> -> memref<2x128xi32, #tpu.memory_space<hbm>>
    tpu.enqueue_dma source(%dma_start3A_63 : memref<2x128xi32, #tpu.memory_space<hbm>>) target(%dma_start3A_61 : memref<2x128xi32, #tpu.memory_space<vmem>>) target_semaphore(%arg10 : memref<!tpu.dma_semaphore, #tpu.memory_space<semaphore_mem>>)
    %add3A_64 = arith.constant 0 : i32
    %add3A_65 = arith.addi %add3A_64, %add3A : i32
    %mul3A_66 = arith.constant 2 : i32
    %mul3A_67 = arith.muli %add3A_65, %mul3A_66 : i32
    %dma_wait3A = arith.constant 0 : i32
    %dma_wait3A_68 = arith.constant 0 : i32
    %dma_wait3A_69 = tpu.memref_slice %arg5[%dma_wait3A, %dma_wait3A_68] : memref<6x128xi32, #tpu.memory_space<vmem>> -> memref<2x128xi32, #tpu.memory_space<vmem>>
    %dma_wait3A_70 = arith.constant 0 : i32
    %dma_wait3A_71 = tpu.memref_slice %arg2[%mul3A_67, %dma_wait3A_70] : memref<2500x128xi32, #tpu.memory_space<hbm>> -> memref<2x128xi32, #tpu.memory_space<hbm>>
    %dma_wait3A_72 = arith.constant 0 : i32
    %dma_wait3A_73 = arith.constant 0 : i32
    %dma_wait3A_74 = tpu.memref_slice %arg5[%dma_wait3A_72, %dma_wait3A_73] : memref<6x128xi32, #tpu.memory_space<vmem>> -> memref<2x128xi32, #tpu.memory_space<vmem>>
    %dma_wait3A_75 = arith.constant 0 : i32
    %dma_wait3A_76 = tpu.memref_slice %arg2[%mul3A_67, %dma_wait3A_75] : memref<2500x128xi32, #tpu.memory_space<hbm>> -> memref<2x128xi32, #tpu.memory_space<hbm>>
    tpu.wait_dma2 semaphore(%arg8 : memref<!tpu.dma_semaphore, #tpu.memory_space<semaphore_mem>>) src(%dma_wait3A_76 : memref<2x128xi32, #tpu.memory_space<hbm>>) dst(%dma_wait3A_74 : memref<2x128xi32, #tpu.memory_space<vmem>>)
    %dma_start3A_77 = arith.constant 0 : i32
    %dma_start3A_78 = arith.constant 0 : i32
    %dma_start3A_79 = arith.constant 0 : i32
    %dma_start3A_80 = arith.constant 0 : i32
    %dma_start3A_81 = tpu.memref_slice %arg6[%dma_start3A_78, %dma_start3A_79, %dma_start3A_80] : memref<6x128x128xf32, #tpu.memory_space<vmem>> -> memref<1x128x128xf32, #tpu.memory_space<vmem>>
    %dma_start3A_82 = tpu.memref_squeeze %dma_start3A_81 : memref<1x128x128xf32, #tpu.memory_space<vmem>> -> memref<128x128xf32, #tpu.memory_space<vmem>>
    %dma_start3A_83 = arith.constant 0 : i32
    %dma_start3A_84 = tpu.memref_slice %arg5[%dma_start3A_77, %dma_start3A_83] : memref<6x128xi32, #tpu.memory_space<vmem>> -> memref<1x128xi32, #tpu.memory_space<vmem>>
    %dma_start3A_85 = tpu.memref_squeeze %dma_start3A_84 : memref<1x128xi32, #tpu.memory_space<vmem>> -> memref<128xi32, #tpu.memory_space<vmem>>
    %dma_start3A_86 = arith.constant 0 : i32
    %dma_start3A_87 = arith.constant 0 : i32
    %dma_start3A_88 = tpu.memref_slice %arg3[%dma_start3A_86, %dma_start3A_87] : memref<10000x128xf32, #tpu.memory_space<hbm>> -> memref<10000x128xf32, #tpu.memory_space<hbm>>
    tpu.enqueue_indirect_dma source(%dma_start3A_88 : memref<10000x128xf32, #tpu.memory_space<hbm>>) target(%dma_start3A_82 : memref<128x128xf32, #tpu.memory_space<vmem>>) offsets(%dma_start3A_85 : memref<128xi32, #tpu.memory_space<vmem>>) semaphore(%arg11 : memref<!tpu.dma_semaphore, #tpu.memory_space<semaphore_mem>>)
    %dma_start3A_89 = arith.constant 1 : i32
    %dma_start3A_90 = arith.constant 1 : i32
    %dma_start3A_91 = arith.constant 0 : i32
    %dma_start3A_92 = arith.constant 0 : i32
    %dma_start3A_93 = tpu.memref_slice %arg6[%dma_start3A_90, %dma_start3A_91, %dma_start3A_92] : memref<6x128x128xf32, #tpu.memory_space<vmem>> -> memref<1x128x128xf32, #tpu.memory_space<vmem>>
    %dma_start3A_94 = tpu.memref_squeeze %dma_start3A_93 : memref<1x128x128xf32, #tpu.memory_space<vmem>> -> memref<128x128xf32, #tpu.memory_space<vmem>>
    %dma_start3A_95 = arith.constant 0 : i32
    %dma_start3A_96 = tpu.memref_slice %arg5[%dma_start3A_89, %dma_start3A_95] : memref<6x128xi32, #tpu.memory_space<vmem>> -> memref<1x128xi32, #tpu.memory_space<vmem>>
    %dma_start3A_97 = tpu.memref_squeeze %dma_start3A_96 : memref<1x128xi32, #tpu.memory_space<vmem>> -> memref<128xi32, #tpu.memory_space<vmem>>
    %dma_start3A_98 = arith.constant 0 : i32
    %dma_start3A_99 = arith.constant 0 : i32
    %dma_start3A_100 = tpu.memref_slice %arg3[%dma_start3A_98, %dma_start3A_99] : memref<10000x128xf32, #tpu.memory_space<hbm>> -> memref<10000x128xf32, #tpu.memory_space<hbm>>
    tpu.enqueue_indirect_dma source(%dma_start3A_100 : memref<10000x128xf32, #tpu.memory_space<hbm>>) target(%dma_start3A_94 : memref<128x128xf32, #tpu.memory_space<vmem>>) offsets(%dma_start3A_97 : memref<128xi32, #tpu.memory_space<vmem>>) semaphore(%arg12 : memref<!tpu.dma_semaphore, #tpu.memory_space<semaphore_mem>>)
    %add3A_101 = arith.constant 32 : i32
    %add3A_102 = arith.addi %add3A_101, %add3A : i32
    %mul3A_103 = arith.constant 2 : i32
    %mul3A_104 = arith.muli %add3A_102, %mul3A_103 : i32
    %dma_wait3A_105 = arith.constant 2 : i32
    %dma_wait3A_106 = arith.constant 0 : i32
    %dma_wait3A_107 = tpu.memref_slice %arg5[%dma_wait3A_105, %dma_wait3A_106] : memref<6x128xi32, #tpu.memory_space<vmem>> -> memref<2x128xi32, #tpu.memory_space<vmem>>
    %dma_wait3A_108 = arith.constant 0 : i32
    %dma_wait3A_109 = tpu.memref_slice %arg2[%mul3A_104, %dma_wait3A_108] : memref<2500x128xi32, #tpu.memory_space<hbm>> -> memref<2x128xi32, #tpu.memory_space<hbm>>
    %dma_wait3A_110 = arith.constant 2 : i32
    %dma_wait3A_111 = arith.constant 0 : i32
    %dma_wait3A_112 = tpu.memref_slice %arg5[%dma_wait3A_110, %dma_wait3A_111] : memref<6x128xi32, #tpu.memory_space<vmem>> -> memref<2x128xi32, #tpu.memory_space<vmem>>
    %dma_wait3A_113 = arith.constant 0 : i32
    %dma_wait3A_114 = tpu.memref_slice %arg2[%mul3A_104, %dma_wait3A_113] : memref<2500x128xi32, #tpu.memory_space<hbm>> -> memref<2x128xi32, #tpu.memory_space<hbm>>
    tpu.wait_dma2 semaphore(%arg9 : memref<!tpu.dma_semaphore, #tpu.memory_space<semaphore_mem>>) src(%dma_wait3A_114 : memref<2x128xi32, #tpu.memory_space<hbm>>) dst(%dma_wait3A_112 : memref<2x128xi32, #tpu.memory_space<vmem>>)
    %dma_start3A_115 = arith.constant 2 : i32
    %dma_start3A_116 = arith.constant 2 : i32
    %dma_start3A_117 = arith.constant 0 : i32
    %dma_start3A_118 = arith.constant 0 : i32
    %dma_start3A_119 = tpu.memref_slice %arg6[%dma_start3A_116, %dma_start3A_117, %dma_start3A_118] : memref<6x128x128xf32, #tpu.memory_space<vmem>> -> memref<1x128x128xf32, #tpu.memory_space<vmem>>
    %dma_start3A_120 = tpu.memref_squeeze %dma_start3A_119 : memref<1x128x128xf32, #tpu.memory_space<vmem>> -> memref<128x128xf32, #tpu.memory_space<vmem>>
    %dma_start3A_121 = arith.constant 0 : i32
    %dma_start3A_122 = tpu.memref_slice %arg5[%dma_start3A_115, %dma_start3A_121] : memref<6x128xi32, #tpu.memory_space<vmem>> -> memref<1x128xi32, #tpu.memory_space<vmem>>
    %dma_start3A_123 = tpu.memref_squeeze %dma_start3A_122 : memref<1x128xi32, #tpu.memory_space<vmem>> -> memref<128xi32, #tpu.memory_space<vmem>>
    %dma_start3A_124 = arith.constant 0 : i32
    %dma_start3A_125 = arith.constant 0 : i32
    %dma_start3A_126 = tpu.memref_slice %arg3[%dma_start3A_124, %dma_start3A_125] : memref<10000x128xf32, #tpu.memory_space<hbm>> -> memref<10000x128xf32, #tpu.memory_space<hbm>>
    tpu.enqueue_indirect_dma source(%dma_start3A_126 : memref<10000x128xf32, #tpu.memory_space<hbm>>) target(%dma_start3A_120 : memref<128x128xf32, #tpu.memory_space<vmem>>) offsets(%dma_start3A_123 : memref<128xi32, #tpu.memory_space<vmem>>) semaphore(%arg13 : memref<!tpu.dma_semaphore, #tpu.memory_space<semaphore_mem>>)
    %dma_start3A_127 = arith.constant 3 : i32
    %dma_start3A_128 = arith.constant 3 : i32
    %dma_start3A_129 = arith.constant 0 : i32
    %dma_start3A_130 = arith.constant 0 : i32
    %dma_start3A_131 = tpu.memref_slice %arg6[%dma_start3A_128, %dma_start3A_129, %dma_start3A_130] : memref<6x128x128xf32, #tpu.memory_space<vmem>> -> memref<1x128x128xf32, #tpu.memory_space<vmem>>
    %dma_start3A_132 = tpu.memref_squeeze %dma_start3A_131 : memref<1x128x128xf32, #tpu.memory_space<vmem>> -> memref<128x128xf32, #tpu.memory_space<vmem>>
    %dma_start3A_133 = arith.constant 0 : i32
    %dma_start3A_134 = tpu.memref_slice %arg5[%dma_start3A_127, %dma_start3A_133] : memref<6x128xi32, #tpu.memory_space<vmem>> -> memref<1x128xi32, #tpu.memory_space<vmem>>
    %dma_start3A_135 = tpu.memref_squeeze %dma_start3A_134 : memref<1x128xi32, #tpu.memory_space<vmem>> -> memref<128xi32, #tpu.memory_space<vmem>>
    %dma_start3A_136 = arith.constant 0 : i32
    %dma_start3A_137 = arith.constant 0 : i32
    %dma_start3A_138 = tpu.memref_slice %arg3[%dma_start3A_136, %dma_start3A_137] : memref<10000x128xf32, #tpu.memory_space<hbm>> -> memref<10000x128xf32, #tpu.memory_space<hbm>>
    tpu.enqueue_indirect_dma source(%dma_start3A_138 : memref<10000x128xf32, #tpu.memory_space<hbm>>) target(%dma_start3A_132 : memref<128x128xf32, #tpu.memory_space<vmem>>) offsets(%dma_start3A_135 : memref<128xi32, #tpu.memory_space<vmem>>) semaphore(%arg14 : memref<!tpu.dma_semaphore, #tpu.memory_space<semaphore_mem>>)
    %scan3A = arith.constant 0 : i32
    %scan3A_139 = arith.constant 0 : i32
    %scan3A_140 = arith.constant 14 : i32
    %scan3A_141 = arith.addi %scan3A_139, %scan3A_140 : i32
    %scan3A_142 = arith.constant 1 : i32
    scf.for %scan3A_265 = %scan3A_139 to %scan3A_141 step %scan3A_142  : i32 {
      %mul3A_266 = arith.constant 3 : i32
      %mul3A_267 = arith.muli %scan3A_265, %mul3A_266 : i32
      %add3A_268 = arith.constant 0 : i32
      %add3A_269 = arith.addi %mul3A_267, %add3A_268 : i32
      %lt3A_270 = arith.cmpi slt, %add3A_269, %select_n3A : i32
      %convert_element_type3A = arith.extui %lt3A_270 : i1 to i32
      %cond3A = arith.constant 0 : i32
      %cond3A_271 = arith.cmpi ne, %convert_element_type3A, %cond3A : i32
      scf.if %cond3A_271 {
        %dma_wait3A_288 = arith.constant 0 : i32
        %dma_wait3A_289 = arith.constant 0 : i32
        %dma_wait3A_290 = arith.constant 0 : i32
        %dma_wait3A_291 = arith.constant 0 : i32
        %dma_wait3A_292 = tpu.memref_slice %arg6[%dma_wait3A_289, %dma_wait3A_290, %dma_wait3A_291] : memref<6x128x128xf32, #tpu.memory_space<vmem>> -> memref<1x128x128xf32, #tpu.memory_space<vmem>>
        %dma_wait3A_293 = tpu.memref_squeeze %dma_wait3A_292 : memref<1x128x128xf32, #tpu.memory_space<vmem>> -> memref<128x128xf32, #tpu.memory_space<vmem>>
        %dma_wait3A_294 = arith.constant 0 : i32
        %dma_wait3A_295 = tpu.memref_slice %arg5[%dma_wait3A_288, %dma_wait3A_294] : memref<6x128xi32, #tpu.memory_space<vmem>> -> memref<1x128xi32, #tpu.memory_space<vmem>>
        %dma_wait3A_296 = tpu.memref_squeeze %dma_wait3A_295 : memref<1x128xi32, #tpu.memory_space<vmem>> -> memref<128xi32, #tpu.memory_space<vmem>>
        %dma_wait3A_297 = arith.constant 0 : i32
        %dma_wait3A_298 = arith.constant 0 : i32
        %dma_wait3A_299 = tpu.memref_slice %arg3[%dma_wait3A_297, %dma_wait3A_298] : memref<10000x128xf32, #tpu.memory_space<hbm>> -> memref<10000x128xf32, #tpu.memory_space<hbm>>
        tpu.wait_indirect_dma semaphore(%arg11 : memref<!tpu.dma_semaphore, #tpu.memory_space<semaphore_mem>>) src(%dma_wait3A_299 : memref<10000x128xf32, #tpu.memory_space<hbm>>) dst(%dma_wait3A_293 : memref<128x128xf32, #tpu.memory_space<vmem>>)
        %dma_wait3A_300 = arith.constant 1 : i32
        %dma_wait3A_301 = arith.constant 1 : i32
        %dma_wait3A_302 = arith.constant 0 : i32
        %dma_wait3A_303 = arith.constant 0 : i32
        %dma_wait3A_304 = tpu.memref_slice %arg6[%dma_wait3A_301, %dma_wait3A_302, %dma_wait3A_303] : memref<6x128x128xf32, #tpu.memory_space<vmem>> -> memref<1x128x128xf32, #tpu.memory_space<vmem>>
        %dma_wait3A_305 = tpu.memref_squeeze %dma_wait3A_304 : memref<1x128x128xf32, #tpu.memory_space<vmem>> -> memref<128x128xf32, #tpu.memory_space<vmem>>
        %dma_wait3A_306 = arith.constant 0 : i32
        %dma_wait3A_307 = tpu.memref_slice %arg5[%dma_wait3A_300, %dma_wait3A_306] : memref<6x128xi32, #tpu.memory_space<vmem>> -> memref<1x128xi32, #tpu.memory_space<vmem>>
        %dma_wait3A_308 = tpu.memref_squeeze %dma_wait3A_307 : memref<1x128xi32, #tpu.memory_space<vmem>> -> memref<128xi32, #tpu.memory_space<vmem>>
        %dma_wait3A_309 = arith.constant 0 : i32
        %dma_wait3A_310 = arith.constant 0 : i32
        %dma_wait3A_311 = tpu.memref_slice %arg3[%dma_wait3A_309, %dma_wait3A_310] : memref<10000x128xf32, #tpu.memory_space<hbm>> -> memref<10000x128xf32, #tpu.memory_space<hbm>>
        tpu.wait_indirect_dma semaphore(%arg12 : memref<!tpu.dma_semaphore, #tpu.memory_space<semaphore_mem>>) src(%dma_wait3A_311 : memref<10000x128xf32, #tpu.memory_space<hbm>>) dst(%dma_wait3A_305 : memref<128x128xf32, #tpu.memory_space<vmem>>)
        %add3A_312 = arith.constant 3 : i32
        %add3A_313 = arith.addi %add3A_269, %add3A_312 : i32
        %lt3A_314 = arith.cmpi slt, %add3A_313, %select_n3A : i32
        %convert_element_type3A_315 = arith.extui %lt3A_314 : i1 to i32
        %cond3A_316 = arith.constant 0 : i32
        %cond3A_317 = arith.cmpi ne, %convert_element_type3A_315, %cond3A_316 : i32
        scf.if %cond3A_317 {
          %add3A_354 = arith.constant 3 : i32
          %add3A_355 = arith.addi %add3A_269, %add3A_354 : i32
          %mul3A_356 = arith.constant 32 : i32
          %mul3A_357 = arith.muli %add3A_355, %mul3A_356 : i32
          %add3A_358 = arith.addi %mul3A_357, %add3A : i32
          %mul3A_359 = arith.constant 2 : i32
          %mul3A_360 = arith.muli %add3A_358, %mul3A_359 : i32
          %dma_start3A_361 = arith.constant 0 : i32
          %dma_start3A_362 = arith.constant 0 : i32
          %dma_start3A_363 = tpu.memref_slice %arg5[%dma_start3A_361, %dma_start3A_362] : memref<6x128xi32, #tpu.memory_space<vmem>> -> memref<2x128xi32, #tpu.memory_space<vmem>>
          %dma_start3A_364 = arith.constant 0 : i32
          %dma_start3A_365 = tpu.memref_slice %arg2[%mul3A_360, %dma_start3A_364] : memref<2500x128xi32, #tpu.memory_space<hbm>> -> memref<2x128xi32, #tpu.memory_space<hbm>>
          %dma_start3A_366 = arith.constant 0 : i32
          %dma_start3A_367 = arith.constant 0 : i32
          %dma_start3A_368 = tpu.memref_slice %arg5[%dma_start3A_366, %dma_start3A_367] : memref<6x128xi32, #tpu.memory_space<vmem>> -> memref<2x128xi32, #tpu.memory_space<vmem>>
          %dma_start3A_369 = arith.constant 0 : i32
          %dma_start3A_370 = tpu.memref_slice %arg2[%mul3A_360, %dma_start3A_369] : memref<2500x128xi32, #tpu.memory_space<hbm>> -> memref<2x128xi32, #tpu.memory_space<hbm>>
          tpu.enqueue_dma source(%dma_start3A_370 : memref<2x128xi32, #tpu.memory_space<hbm>>) target(%dma_start3A_368 : memref<2x128xi32, #tpu.memory_space<vmem>>) target_semaphore(%arg8 : memref<!tpu.dma_semaphore, #tpu.memory_space<semaphore_mem>>)
        } else {
        }
        %add3A_318 = arith.constant 3 : i32
        %add3A_319 = arith.addi %add3A_269, %add3A_318 : i32
        %sub3A_320 = arith.constant 1 : i32
        %sub3A_321 = arith.subi %add3A_319, %sub3A_320 : i32
        %lt3A_322 = arith.cmpi slt, %sub3A_321, %select_n3A : i32
        %convert_element_type3A_323 = arith.extui %lt3A_322 : i1 to i32
        %cond3A_324 = arith.constant 0 : i32
        %cond3A_325 = arith.cmpi ne, %convert_element_type3A_323, %cond3A_324 : i32
        scf.if %cond3A_325 {
          %mul3A_354 = arith.constant 32 : i32
          %mul3A_355 = arith.muli %sub3A_321, %mul3A_354 : i32
          %add3A_356 = arith.addi %mul3A_355, %add3A : i32
          %mul3A_357 = arith.constant 2 : i32
          %mul3A_358 = arith.muli %add3A_356, %mul3A_357 : i32
          %dma_wait3A_359 = arith.constant 4 : i32
          %dma_wait3A_360 = arith.constant 0 : i32
          %dma_wait3A_361 = tpu.memref_slice %arg5[%dma_wait3A_359, %dma_wait3A_360] : memref<6x128xi32, #tpu.memory_space<vmem>> -> memref<2x128xi32, #tpu.memory_space<vmem>>
          %dma_wait3A_362 = arith.constant 0 : i32
          %dma_wait3A_363 = tpu.memref_slice %arg2[%mul3A_358, %dma_wait3A_362] : memref<2500x128xi32, #tpu.memory_space<hbm>> -> memref<2x128xi32, #tpu.memory_space<hbm>>
          %dma_wait3A_364 = arith.constant 4 : i32
          %dma_wait3A_365 = arith.constant 0 : i32
          %dma_wait3A_366 = tpu.memref_slice %arg5[%dma_wait3A_364, %dma_wait3A_365] : memref<6x128xi32, #tpu.memory_space<vmem>> -> memref<2x128xi32, #tpu.memory_space<vmem>>
          %dma_wait3A_367 = arith.constant 0 : i32
          %dma_wait3A_368 = tpu.memref_slice %arg2[%mul3A_358, %dma_wait3A_367] : memref<2500x128xi32, #tpu.memory_space<hbm>> -> memref<2x128xi32, #tpu.memory_space<hbm>>
          tpu.wait_dma2 semaphore(%arg10 : memref<!tpu.dma_semaphore, #tpu.memory_space<semaphore_mem>>) src(%dma_wait3A_368 : memref<2x128xi32, #tpu.memory_space<hbm>>) dst(%dma_wait3A_366 : memref<2x128xi32, #tpu.memory_space<vmem>>)
          %dma_start3A_369 = arith.constant 4 : i32
          %dma_start3A_370 = arith.constant 4 : i32
          %dma_start3A_371 = arith.constant 0 : i32
          %dma_start3A_372 = arith.constant 0 : i32
          %dma_start3A_373 = tpu.memref_slice %arg6[%dma_start3A_370, %dma_start3A_371, %dma_start3A_372] : memref<6x128x128xf32, #tpu.memory_space<vmem>> -> memref<1x128x128xf32, #tpu.memory_space<vmem>>
          %dma_start3A_374 = tpu.memref_squeeze %dma_start3A_373 : memref<1x128x128xf32, #tpu.memory_space<vmem>> -> memref<128x128xf32, #tpu.memory_space<vmem>>
          %dma_start3A_375 = arith.constant 0 : i32
          %dma_start3A_376 = tpu.memref_slice %arg5[%dma_start3A_369, %dma_start3A_375] : memref<6x128xi32, #tpu.memory_space<vmem>> -> memref<1x128xi32, #tpu.memory_space<vmem>>
          %dma_start3A_377 = tpu.memref_squeeze %dma_start3A_376 : memref<1x128xi32, #tpu.memory_space<vmem>> -> memref<128xi32, #tpu.memory_space<vmem>>
          %dma_start3A_378 = arith.constant 0 : i32
          %dma_start3A_379 = arith.constant 0 : i32
          %dma_start3A_380 = tpu.memref_slice %arg3[%dma_start3A_378, %dma_start3A_379] : memref<10000x128xf32, #tpu.memory_space<hbm>> -> memref<10000x128xf32, #tpu.memory_space<hbm>>
          tpu.enqueue_indirect_dma source(%dma_start3A_380 : memref<10000x128xf32, #tpu.memory_space<hbm>>) target(%dma_start3A_374 : memref<128x128xf32, #tpu.memory_space<vmem>>) offsets(%dma_start3A_377 : memref<128xi32, #tpu.memory_space<vmem>>) semaphore(%arg15 : memref<!tpu.dma_semaphore, #tpu.memory_space<semaphore_mem>>)
          %dma_start3A_381 = arith.constant 5 : i32
          %dma_start3A_382 = arith.constant 5 : i32
          %dma_start3A_383 = arith.constant 0 : i32
          %dma_start3A_384 = arith.constant 0 : i32
          %dma_start3A_385 = tpu.memref_slice %arg6[%dma_start3A_382, %dma_start3A_383, %dma_start3A_384] : memref<6x128x128xf32, #tpu.memory_space<vmem>> -> memref<1x128x128xf32, #tpu.memory_space<vmem>>
          %dma_start3A_386 = tpu.memref_squeeze %dma_start3A_385 : memref<1x128x128xf32, #tpu.memory_space<vmem>> -> memref<128x128xf32, #tpu.memory_space<vmem>>
          %dma_start3A_387 = arith.constant 0 : i32
          %dma_start3A_388 = tpu.memref_slice %arg5[%dma_start3A_381, %dma_start3A_387] : memref<6x128xi32, #tpu.memory_space<vmem>> -> memref<1x128xi32, #tpu.memory_space<vmem>>
          %dma_start3A_389 = tpu.memref_squeeze %dma_start3A_388 : memref<1x128xi32, #tpu.memory_space<vmem>> -> memref<128xi32, #tpu.memory_space<vmem>>
          %dma_start3A_390 = arith.constant 0 : i32
          %dma_start3A_391 = arith.constant 0 : i32
          %dma_start3A_392 = tpu.memref_slice %arg3[%dma_start3A_390, %dma_start3A_391] : memref<10000x128xf32, #tpu.memory_space<hbm>> -> memref<10000x128xf32, #tpu.memory_space<hbm>>
          tpu.enqueue_indirect_dma source(%dma_start3A_392 : memref<10000x128xf32, #tpu.memory_space<hbm>>) target(%dma_start3A_386 : memref<128x128xf32, #tpu.memory_space<vmem>>) offsets(%dma_start3A_389 : memref<128xi32, #tpu.memory_space<vmem>>) semaphore(%arg16 : memref<!tpu.dma_semaphore, #tpu.memory_space<semaphore_mem>>)
        } else {
        }
        %ge3A = arith.constant 3 : i32
        %ge3A_326 = arith.cmpi sge, %add3A_269, %ge3A : i32
        %convert_element_type3A_327 = arith.extui %ge3A_326 : i1 to i32
        %cond3A_328 = arith.constant 0 : i32
        %cond3A_329 = arith.cmpi ne, %convert_element_type3A_327, %cond3A_328 : i32
        scf.if %cond3A_329 {
          %sub3A_354 = arith.constant 3 : i32
          %sub3A_355 = arith.subi %add3A_269, %sub3A_354 : i32
          %mul3A_356 = arith.constant 32 : i32
          %mul3A_357 = arith.muli %sub3A_355, %mul3A_356 : i32
          %add3A_358 = arith.addi %mul3A_357, %add3A : i32
          %mul3A_359 = arith.constant 8 : i32
          %mul3A_360 = arith.muli %add3A_358, %mul3A_359 : i32
          %dma_wait3A_361 = arith.constant 0 : i32
          %dma_wait3A_362 = arith.constant 0 : i32
          %dma_wait3A_363 = arith.constant 0 : i32
          %dma_wait3A_364 = tpu.memref_slice %arg7[%dma_wait3A_361, %dma_wait3A_362, %dma_wait3A_363] : memref<3x8x128xf32, #tpu.memory_space<vmem>> -> memref<1x8x128xf32, #tpu.memory_space<vmem>>
          %dma_wait3A_365 = tpu.memref_squeeze %dma_wait3A_364 : memref<1x8x128xf32, #tpu.memory_space<vmem>> -> memref<8x128xf32, #tpu.memory_space<vmem>>
          %dma_wait3A_366 = arith.constant 0 : i32
          %dma_wait3A_367 = tpu.memref_slice %arg4[%mul3A_360, %dma_wait3A_366] : memref<10000x128xf32, #tpu.memory_space<hbm>> -> memref<8x128xf32, #tpu.memory_space<hbm>>
          %dma_wait3A_368 = arith.constant 0 : i32
          %dma_wait3A_369 = tpu.memref_slice %arg4[%mul3A_360, %dma_wait3A_368] : memref<10000x128xf32, #tpu.memory_space<hbm>> -> memref<8x128xf32, #tpu.memory_space<hbm>>
          %dma_wait3A_370 = arith.constant 0 : i32
          %dma_wait3A_371 = arith.constant 0 : i32
          %dma_wait3A_372 = tpu.memref_slice %arg7[%dma_wait3A_361, %dma_wait3A_370, %dma_wait3A_371] : memref<3x8x128xf32, #tpu.memory_space<vmem>> -> memref<1x8x128xf32, #tpu.memory_space<vmem>>
          %dma_wait3A_373 = tpu.memref_squeeze %dma_wait3A_372 : memref<1x8x128xf32, #tpu.memory_space<vmem>> -> memref<8x128xf32, #tpu.memory_space<vmem>>
          tpu.wait_dma2 semaphore(%arg17 : memref<!tpu.dma_semaphore, #tpu.memory_space<semaphore_mem>>) src(%dma_wait3A_373 : memref<8x128xf32, #tpu.memory_space<vmem>>) dst(%dma_wait3A_369 : memref<8x128xf32, #tpu.memory_space<hbm>>)
        } else {
        }
        %scan3A_330 = arith.constant 0 : i32
        %scan3A_331 = arith.constant 0 : i32
        %scan3A_332 = arith.constant 8 : i32
        %scan3A_333 = arith.addi %scan3A_331, %scan3A_332 : i32
        %scan3A_334 = arith.constant 1 : i32
        scf.for %scan3A_354 = %scan3A_331 to %scan3A_333 step %scan3A_334  : i32 {
          %jit3A_355 = arith.constant 4 : i32
          %div3A_356 = arith.divsi %scan3A_354, %jit3A_355 : i32
          %sign3A_357 = arith.constant 0 : i32
          %sign3A_358 = arith.cmpi sgt, %scan3A_354, %sign3A_357 : i32
          %sign3A_359 = arith.extui %sign3A_358 : i1 to i32
          %sign3A_360 = arith.constant 0 : i32
          %sign3A_361 = arith.cmpi slt, %scan3A_354, %sign3A_360 : i32
          %sign3A_362 = arith.extui %sign3A_361 : i1 to i32
          %sign3A_363 = arith.subi %sign3A_359, %sign3A_362 : i32
          %sign3A_364 = arith.constant 0 : i32
          %sign3A_365 = arith.cmpi sgt, %jit3A_355, %sign3A_364 : i32
          %sign3A_366 = arith.extui %sign3A_365 : i1 to i32
          %sign3A_367 = arith.constant 0 : i32
          %sign3A_368 = arith.cmpi slt, %jit3A_355, %sign3A_367 : i32
          %sign3A_369 = arith.extui %sign3A_368 : i1 to i32
          %sign3A_370 = arith.subi %sign3A_366, %sign3A_369 : i32
          %ne3A_371 = arith.cmpi ne, %sign3A_363, %sign3A_370 : i32
          %rem3A_372 = arith.remsi %scan3A_354, %jit3A_355 : i32
          %ne3A_373 = arith.constant 0 : i32
          %ne3A_374 = arith.cmpi ne, %rem3A_372, %ne3A_373 : i32
          %and3A_375 = arith.andi %ne3A_371, %ne3A_374 : i1
          %sub3A_376 = arith.constant 1 : i32
          %sub3A_377 = arith.subi %div3A_356, %sub3A_376 : i32
          %select_n3A_378 = arith.select %and3A_375, %sub3A_377, %div3A_356 : i32
          %mul3A_379 = arith.constant 4 : i32
          %mul3A_380 = arith.muli %select_n3A_378, %mul3A_379 : i32
          %sub3A_381 = arith.subi %scan3A_354, %mul3A_380 : i32
          %broadcast_in_dim3A = arith.constant 0.000000e+00 : f32
          %broadcast_in_dim3A_382 = vector.broadcast %broadcast_in_dim3A : f32 to vector<16xf32>
          %broadcast_in_dim3A_383 = arith.constant 0.000000e+00 : f32
          %broadcast_in_dim3A_384 = vector.broadcast %broadcast_in_dim3A_383 : f32 to vector<16xf32>
          %broadcast_in_dim3A_385 = arith.constant 0.000000e+00 : f32
          %broadcast_in_dim3A_386 = vector.broadcast %broadcast_in_dim3A_385 : f32 to vector<16xf32>
          %broadcast_in_dim3A_387 = arith.constant 0.000000e+00 : f32
          %broadcast_in_dim3A_388 = vector.broadcast %broadcast_in_dim3A_387 : f32 to vector<16xf32>
          %broadcast_in_dim3A_389 = arith.constant 0.000000e+00 : f32
          %broadcast_in_dim3A_390 = vector.broadcast %broadcast_in_dim3A_389 : f32 to vector<16xf32>
          %broadcast_in_dim3A_391 = arith.constant 0.000000e+00 : f32
          %broadcast_in_dim3A_392 = vector.broadcast %broadcast_in_dim3A_391 : f32 to vector<16xf32>
          %broadcast_in_dim3A_393 = arith.constant 0.000000e+00 : f32
          %broadcast_in_dim3A_394 = vector.broadcast %broadcast_in_dim3A_393 : f32 to vector<16xf32>
          %broadcast_in_dim3A_395 = arith.constant 0.000000e+00 : f32
          %broadcast_in_dim3A_396 = vector.broadcast %broadcast_in_dim3A_395 : f32 to vector<16xf32>
          %scan3A_397 = arith.constant 0 : i32
          %scan3A_398 = arith.constant 8 : i32
          %scan3A_399 = arith.addi %scan3A_397, %scan3A_398 : i32
          %scan3A_400 = arith.constant 1 : i32
          %scan3A_401:8 = scf.for %scan3A_458 = %scan3A_397 to %scan3A_399 step %scan3A_400 iter_args(%scan3A_459 = %broadcast_in_dim3A_382, %scan3A_460 = %broadcast_in_dim3A_384, %scan3A_461 = %broadcast_in_dim3A_386, %scan3A_462 = %broadcast_in_dim3A_388, %scan3A_463 = %broadcast_in_dim3A_390, %scan3A_464 = %broadcast_in_dim3A_392, %scan3A_465 = %broadcast_in_dim3A_394, %scan3A_466 = %broadcast_in_dim3A_396) -> (vector<16xf32>, vector<16xf32>, vector<16xf32>, vector<16xf32>, vector<16xf32>, vector<16xf32>, vector<16xf32>, vector<16xf32>)  : i32 {
            %mul3A_467 = arith.constant 32 : i32
            %mul3A_468 = arith.muli %sub3A_381, %mul3A_467 : i32
            %mul3A_469 = arith.constant 4 : i32
            %mul3A_470 = arith.muli %scan3A_458, %mul3A_469 : i32
            %add3A_471 = arith.addi %mul3A_468, %mul3A_470 : i32
            %add3A_472 = arith.constant 0 : i32
            %add3A_473 = arith.addi %add3A_471, %add3A_472 : i32
            %add3A_474 = arith.constant 0 : i32
            %add3A_475 = arith.addi %add3A_474, %select_n3A_378 : i32
            %get3A = arith.index_cast %add3A_475 : i32 to index
            %get3A_476 = arith.index_cast %add3A_473 : i32 to index
            %get3A_477 = arith.constant 0 : index
            %get3A_478 = tpu.vector_load %arg6[%get3A, %get3A_476, %get3A_477] {strides = array<i32>} : memref<6x128x128xf32, #tpu.memory_space<vmem>>, vector<1x1x16xf32>,
            %get3A_479 = vector.shape_cast %get3A_478 : vector<1x1x16xf32> to vector<16xf32>
            %add3A_480 = arith.addf %scan3A_459, %get3A_479 : vector<16xf32>
            %add3A_481 = arith.constant 0 : i32
            %add3A_482 = arith.addi %add3A_481, %select_n3A_378 : i32
            %get3A_483 = arith.index_cast %add3A_482 : i32 to index
            %get3A_484 = arith.index_cast %add3A_473 : i32 to index
            %get3A_485 = arith.constant 16 : index
            %get3A_486 = tpu.vector_load %arg6[%get3A_483, %get3A_484, %get3A_485] {strides = array<i32>} : memref<6x128x128xf32, #tpu.memory_space<vmem>>, vector<1x1x16xf32>,
            %get3A_487 = vector.shape_cast %get3A_486 : vector<1x1x16xf32> to vector<16xf32>
            %add3A_488 = arith.addf %scan3A_460, %get3A_487 : vector<16xf32>
            %add3A_489 = arith.constant 0 : i32
            %add3A_490 = arith.addi %add3A_489, %select_n3A_378 : i32
            %get3A_491 = arith.index_cast %add3A_490 : i32 to index
            %get3A_492 = arith.index_cast %add3A_473 : i32 to index
            %get3A_493 = arith.constant 32 : index
            %get3A_494 = tpu.vector_load %arg6[%get3A_491, %get3A_492, %get3A_493] {strides = array<i32>} : memref<6x128x128xf32, #tpu.memory_space<vmem>>, vector<1x1x16xf32>,
            %get3A_495 = vector.shape_cast %get3A_494 : vector<1x1x16xf32> to vector<16xf32>
            %add3A_496 = arith.addf %scan3A_461, %get3A_495 : vector<16xf32>
            %add3A_497 = arith.constant 0 : i32
            %add3A_498 = arith.addi %add3A_497, %select_n3A_378 : i32
            %get3A_499 = arith.index_cast %add3A_498 : i32 to index
            %get3A_500 = arith.index_cast %add3A_473 : i32 to index
            %get3A_501 = arith.constant 48 : index
            %get3A_502 = tpu.vector_load %arg6[%get3A_499, %get3A_500, %get3A_501] {strides = array<i32>} : memref<6x128x128xf32, #tpu.memory_space<vmem>>, vector<1x1x16xf32>,
            %get3A_503 = vector.shape_cast %get3A_502 : vector<1x1x16xf32> to vector<16xf32>
            %add3A_504 = arith.addf %scan3A_462, %get3A_503 : vector<16xf32>
            %add3A_505 = arith.constant 0 : i32
            %add3A_506 = arith.addi %add3A_505, %select_n3A_378 : i32
            %get3A_507 = arith.index_cast %add3A_506 : i32 to index
            %get3A_508 = arith.index_cast %add3A_473 : i32 to index
            %get3A_509 = arith.constant 64 : index
            %get3A_510 = tpu.vector_load %arg6[%get3A_507, %get3A_508, %get3A_509] {strides = array<i32>} : memref<6x128x128xf32, #tpu.memory_space<vmem>>, vector<1x1x16xf32>,
            %get3A_511 = vector.shape_cast %get3A_510 : vector<1x1x16xf32> to vector<16xf32>
            %add3A_512 = arith.addf %scan3A_463, %get3A_511 : vector<16xf32>
            %add3A_513 = arith.constant 0 : i32
            %add3A_514 = arith.addi %add3A_513, %select_n3A_378 : i32
            %get3A_515 = arith.index_cast %add3A_514 : i32 to index
            %get3A_516 = arith.index_cast %add3A_473 : i32 to index
            %get3A_517 = arith.constant 80 : index
            %get3A_518 = tpu.vector_load %arg6[%get3A_515, %get3A_516, %get3A_517] {strides = array<i32>} : memref<6x128x128xf32, #tpu.memory_space<vmem>>, vector<1x1x16xf32>,
            %get3A_519 = vector.shape_cast %get3A_518 : vector<1x1x16xf32> to vector<16xf32>
            %add3A_520 = arith.addf %scan3A_464, %get3A_519 : vector<16xf32>
            %add3A_521 = arith.constant 0 : i32
            %add3A_522 = arith.addi %add3A_521, %select_n3A_378 : i32
            %get3A_523 = arith.index_cast %add3A_522 : i32 to index
            %get3A_524 = arith.index_cast %add3A_473 : i32 to index
            %get3A_525 = arith.constant 96 : index
            %get3A_526 = tpu.vector_load %arg6[%get3A_523, %get3A_524, %get3A_525] {strides = array<i32>} : memref<6x128x128xf32, #tpu.memory_space<vmem>>, vector<1x1x16xf32>,
            %get3A_527 = vector.shape_cast %get3A_526 : vector<1x1x16xf32> to vector<16xf32>
            %add3A_528 = arith.addf %scan3A_465, %get3A_527 : vector<16xf32>
            %add3A_529 = arith.constant 0 : i32
            %add3A_530 = arith.addi %add3A_529, %select_n3A_378 : i32
            %get3A_531 = arith.index_cast %add3A_530 : i32 to index
            %get3A_532 = arith.index_cast %add3A_473 : i32 to index
            %get3A_533 = arith.constant 112 : index
            %get3A_534 = tpu.vector_load %arg6[%get3A_531, %get3A_532, %get3A_533] {strides = array<i32>} : memref<6x128x128xf32, #tpu.memory_space<vmem>>, vector<1x1x16xf32>,
            %get3A_535 = vector.shape_cast %get3A_534 : vector<1x1x16xf32> to vector<16xf32>
            %add3A_536 = arith.addf %scan3A_466, %get3A_535 : vector<16xf32>
            %mul3A_537 = arith.constant 32 : i32
            %mul3A_538 = arith.muli %sub3A_381, %mul3A_537 : i32
            %mul3A_539 = arith.constant 4 : i32
            %mul3A_540 = arith.muli %scan3A_458, %mul3A_539 : i32
            %add3A_541 = arith.addi %mul3A_538, %mul3A_540 : i32
            %add3A_542 = arith.constant 1 : i32
            %add3A_543 = arith.addi %add3A_541, %add3A_542 : i32
            %add3A_544 = arith.constant 0 : i32
            %add3A_545 = arith.addi %add3A_544, %select_n3A_378 : i32
            %get3A_546 = arith.index_cast %add3A_545 : i32 to index
            %get3A_547 = arith.index_cast %add3A_543 : i32 to index
            %get3A_548 = arith.constant 0 : index
            %get3A_549 = tpu.vector_load %arg6[%get3A_546, %get3A_547, %get3A_548] {strides = array<i32>} : memref<6x128x128xf32, #tpu.memory_space<vmem>>, vector<1x1x16xf32>,
            %get3A_550 = vector.shape_cast %get3A_549 : vector<1x1x16xf32> to vector<16xf32>
            %add3A_551 = arith.addf %add3A_480, %get3A_550 : vector<16xf32>
            %add3A_552 = arith.constant 0 : i32
            %add3A_553 = arith.addi %add3A_552, %select_n3A_378 : i32
            %get3A_554 = arith.index_cast %add3A_553 : i32 to index
            %get3A_555 = arith.index_cast %add3A_543 : i32 to index
            %get3A_556 = arith.constant 16 : index
            %get3A_557 = tpu.vector_load %arg6[%get3A_554, %get3A_555, %get3A_556] {strides = array<i32>} : memref<6x128x128xf32, #tpu.memory_space<vmem>>, vector<1x1x16xf32>,
            %get3A_558 = vector.shape_cast %get3A_557 : vector<1x1x16xf32> to vector<16xf32>
            %add3A_559 = arith.addf %add3A_488, %get3A_558 : vector<16xf32>
            %add3A_560 = arith.constant 0 : i32
            %add3A_561 = arith.addi %add3A_560, %select_n3A_378 : i32
            %get3A_562 = arith.index_cast %add3A_561 : i32 to index
            %get3A_563 = arith.index_cast %add3A_543 : i32 to index
            %get3A_564 = arith.constant 32 : index
            %get3A_565 = tpu.vector_load %arg6[%get3A_562, %get3A_563, %get3A_564] {strides = array<i32>} : memref<6x128x128xf32, #tpu.memory_space<vmem>>, vector<1x1x16xf32>,
            %get3A_566 = vector.shape_cast %get3A_565 : vector<1x1x16xf32> to vector<16xf32>
            %add3A_567 = arith.addf %add3A_496, %get3A_566 : vector<16xf32>
            %add3A_568 = arith.constant 0 : i32
            %add3A_569 = arith.addi %add3A_568, %select_n3A_378 : i32
            %get3A_570 = arith.index_cast %add3A_569 : i32 to index
            %get3A_571 = arith.index_cast %add3A_543 : i32 to index
            %get3A_572 = arith.constant 48 : index
            %get3A_573 = tpu.vector_load %arg6[%get3A_570, %get3A_571, %get3A_572] {strides = array<i32>} : memref<6x128x128xf32, #tpu.memory_space<vmem>>, vector<1x1x16xf32>,
            %get3A_574 = vector.shape_cast %get3A_573 : vector<1x1x16xf32> to vector<16xf32>
            %add3A_575 = arith.addf %add3A_504, %get3A_574 : vector<16xf32>
            %add3A_576 = arith.constant 0 : i32
            %add3A_577 = arith.addi %add3A_576, %select_n3A_378 : i32
            %get3A_578 = arith.index_cast %add3A_577 : i32 to index
            %get3A_579 = arith.index_cast %add3A_543 : i32 to index
            %get3A_580 = arith.constant 64 : index
            %get3A_581 = tpu.vector_load %arg6[%get3A_578, %get3A_579, %get3A_580] {strides = array<i32>} : memref<6x128x128xf32, #tpu.memory_space<vmem>>, vector<1x1x16xf32>,
            %get3A_582 = vector.shape_cast %get3A_581 : vector<1x1x16xf32> to vector<16xf32>
            %add3A_583 = arith.addf %add3A_512, %get3A_582 : vector<16xf32>
            %add3A_584 = arith.constant 0 : i32
            %add3A_585 = arith.addi %add3A_584, %select_n3A_378 : i32
            %get3A_586 = arith.index_cast %add3A_585 : i32 to index
            %get3A_587 = arith.index_cast %add3A_543 : i32 to index
            %get3A_588 = arith.constant 80 : index
            %get3A_589 = tpu.vector_load %arg6[%get3A_586, %get3A_587, %get3A_588] {strides = array<i32>} : memref<6x128x128xf32, #tpu.memory_space<vmem>>, vector<1x1x16xf32>,
            %get3A_590 = vector.shape_cast %get3A_589 : vector<1x1x16xf32> to vector<16xf32>
            %add3A_591 = arith.addf %add3A_520, %get3A_590 : vector<16xf32>
            %add3A_592 = arith.constant 0 : i32
            %add3A_593 = arith.addi %add3A_592, %select_n3A_378 : i32
            %get3A_594 = arith.index_cast %add3A_593 : i32 to index
            %get3A_595 = arith.index_cast %add3A_543 : i32 to index
            %get3A_596 = arith.constant 96 : index
            %get3A_597 = tpu.vector_load %arg6[%get3A_594, %get3A_595, %get3A_596] {strides = array<i32>} : memref<6x128x128xf32, #tpu.memory_space<vmem>>, vector<1x1x16xf32>,
            %get3A_598 = vector.shape_cast %get3A_597 : vector<1x1x16xf32> to vector<16xf32>
            %add3A_599 = arith.addf %add3A_528, %get3A_598 : vector<16xf32>
            %add3A_600 = arith.constant 0 : i32
            %add3A_601 = arith.addi %add3A_600, %select_n3A_378 : i32
            %get3A_602 = arith.index_cast %add3A_601 : i32 to index
            %get3A_603 = arith.index_cast %add3A_543 : i32 to index
            %get3A_604 = arith.constant 112 : index
            %get3A_605 = tpu.vector_load %arg6[%get3A_602, %get3A_603, %get3A_604] {strides = array<i32>} : memref<6x128x128xf32, #tpu.memory_space<vmem>>, vector<1x1x16xf32>,
            %get3A_606 = vector.shape_cast %get3A_605 : vector<1x1x16xf32> to vector<16xf32>
            %add3A_607 = arith.addf %add3A_536, %get3A_606 : vector<16xf32>
            %mul3A_608 = arith.constant 32 : i32
            %mul3A_609 = arith.muli %sub3A_381, %mul3A_608 : i32
            %mul3A_610 = arith.constant 4 : i32
            %mul3A_611 = arith.muli %scan3A_458, %mul3A_610 : i32
            %add3A_612 = arith.addi %mul3A_609, %mul3A_611 : i32
            %add3A_613 = arith.constant 2 : i32
            %add3A_614 = arith.addi %add3A_612, %add3A_613 : i32
            %add3A_615 = arith.constant 0 : i32
            %add3A_616 = arith.addi %add3A_615, %select_n3A_378 : i32
            %get3A_617 = arith.index_cast %add3A_616 : i32 to index
            %get3A_618 = arith.index_cast %add3A_614 : i32 to index
            %get3A_619 = arith.constant 0 : index
            %get3A_620 = tpu.vector_load %arg6[%get3A_617, %get3A_618, %get3A_619] {strides = array<i32>} : memref<6x128x128xf32, #tpu.memory_space<vmem>>, vector<1x1x16xf32>,
            %get3A_621 = vector.shape_cast %get3A_620 : vector<1x1x16xf32> to vector<16xf32>
            %add3A_622 = arith.addf %add3A_551, %get3A_621 : vector<16xf32>
            %add3A_623 = arith.constant 0 : i32
            %add3A_624 = arith.addi %add3A_623, %select_n3A_378 : i32
            %get3A_625 = arith.index_cast %add3A_624 : i32 to index
            %get3A_626 = arith.index_cast %add3A_614 : i32 to index
            %get3A_627 = arith.constant 16 : index
            %get3A_628 = tpu.vector_load %arg6[%get3A_625, %get3A_626, %get3A_627] {strides = array<i32>} : memref<6x128x128xf32, #tpu.memory_space<vmem>>, vector<1x1x16xf32>,
            %get3A_629 = vector.shape_cast %get3A_628 : vector<1x1x16xf32> to vector<16xf32>
            %add3A_630 = arith.addf %add3A_559, %get3A_629 : vector<16xf32>
            %add3A_631 = arith.constant 0 : i32
            %add3A_632 = arith.addi %add3A_631, %select_n3A_378 : i32
            %get3A_633 = arith.index_cast %add3A_632 : i32 to index
            %get3A_634 = arith.index_cast %add3A_614 : i32 to index
            %get3A_635 = arith.constant 32 : index
            %get3A_636 = tpu.vector_load %arg6[%get3A_633, %get3A_634, %get3A_635] {strides = array<i32>} : memref<6x128x128xf32, #tpu.memory_space<vmem>>, vector<1x1x16xf32>,
            %get3A_637 = vector.shape_cast %get3A_636 : vector<1x1x16xf32> to vector<16xf32>
            %add3A_638 = arith.addf %add3A_567, %get3A_637 : vector<16xf32>
            %add3A_639 = arith.constant 0 : i32
            %add3A_640 = arith.addi %add3A_639, %select_n3A_378 : i32
            %get3A_641 = arith.index_cast %add3A_640 : i32 to index
            %get3A_642 = arith.index_cast %add3A_614 : i32 to index
            %get3A_643 = arith.constant 48 : index
            %get3A_644 = tpu.vector_load %arg6[%get3A_641, %get3A_642, %get3A_643] {strides = array<i32>} : memref<6x128x128xf32, #tpu.memory_space<vmem>>, vector<1x1x16xf32>,
            %get3A_645 = vector.shape_cast %get3A_644 : vector<1x1x16xf32> to vector<16xf32>
            %add3A_646 = arith.addf %add3A_575, %get3A_645 : vector<16xf32>
            %add3A_647 = arith.constant 0 : i32
            %add3A_648 = arith.addi %add3A_647, %select_n3A_378 : i32
            %get3A_649 = arith.index_cast %add3A_648 : i32 to index
            %get3A_650 = arith.index_cast %add3A_614 : i32 to index
            %get3A_651 = arith.constant 64 : index
            %get3A_652 = tpu.vector_load %arg6[%get3A_649, %get3A_650, %get3A_651] {strides = array<i32>} : memref<6x128x128xf32, #tpu.memory_space<vmem>>, vector<1x1x16xf32>,
            %get3A_653 = vector.shape_cast %get3A_652 : vector<1x1x16xf32> to vector<16xf32>
            %add3A_654 = arith.addf %add3A_583, %get3A_653 : vector<16xf32>
            %add3A_655 = arith.constant 0 : i32
            %add3A_656 = arith.addi %add3A_655, %select_n3A_378 : i32
            %get3A_657 = arith.index_cast %add3A_656 : i32 to index
            %get3A_658 = arith.index_cast %add3A_614 : i32 to index
            %get3A_659 = arith.constant 80 : index
            %get3A_660 = tpu.vector_load %arg6[%get3A_657, %get3A_658, %get3A_659] {strides = array<i32>} : memref<6x128x128xf32, #tpu.memory_space<vmem>>, vector<1x1x16xf32>,
            %get3A_661 = vector.shape_cast %get3A_660 : vector<1x1x16xf32> to vector<16xf32>
            %add3A_662 = arith.addf %add3A_591, %get3A_661 : vector<16xf32>
            %add3A_663 = arith.constant 0 : i32
            %add3A_664 = arith.addi %add3A_663, %select_n3A_378 : i32
            %get3A_665 = arith.index_cast %add3A_664 : i32 to index
            %get3A_666 = arith.index_cast %add3A_614 : i32 to index
            %get3A_667 = arith.constant 96 : index
            %get3A_668 = tpu.vector_load %arg6[%get3A_665, %get3A_666, %get3A_667] {strides = array<i32>} : memref<6x128x128xf32, #tpu.memory_space<vmem>>, vector<1x1x16xf32>,
            %get3A_669 = vector.shape_cast %get3A_668 : vector<1x1x16xf32> to vector<16xf32>
            %add3A_670 = arith.addf %add3A_599, %get3A_669 : vector<16xf32>
            %add3A_671 = arith.constant 0 : i32
            %add3A_672 = arith.addi %add3A_671, %select_n3A_378 : i32
            %get3A_673 = arith.index_cast %add3A_672 : i32 to index
            %get3A_674 = arith.index_cast %add3A_614 : i32 to index
            %get3A_675 = arith.constant 112 : index
            %get3A_676 = tpu.vector_load %arg6[%get3A_673, %get3A_674, %get3A_675] {strides = array<i32>} : memref<6x128x128xf32, #tpu.memory_space<vmem>>, vector<1x1x16xf32>,
            %get3A_677 = vector.shape_cast %get3A_676 : vector<1x1x16xf32> to vector<16xf32>
            %add3A_678 = arith.addf %add3A_607, %get3A_677 : vector<16xf32>
            %mul3A_679 = arith.constant 32 : i32
            %mul3A_680 = arith.muli %sub3A_381, %mul3A_679 : i32
            %mul3A_681 = arith.constant 4 : i32
            %mul3A_682 = arith.muli %scan3A_458, %mul3A_681 : i32
            %add3A_683 = arith.addi %mul3A_680, %mul3A_682 : i32
            %add3A_684 = arith.constant 3 : i32
            %add3A_685 = arith.addi %add3A_683, %add3A_684 : i32
            %add3A_686 = arith.constant 0 : i32
            %add3A_687 = arith.addi %add3A_686, %select_n3A_378 : i32
            %get3A_688 = arith.index_cast %add3A_687 : i32 to index
            %get3A_689 = arith.index_cast %add3A_685 : i32 to index
            %get3A_690 = arith.constant 0 : index
            %get3A_691 = tpu.vector_load %arg6[%get3A_688, %get3A_689, %get3A_690] {strides = array<i32>} : memref<6x128x128xf32, #tpu.memory_space<vmem>>, vector<1x1x16xf32>,
            %get3A_692 = vector.shape_cast %get3A_691 : vector<1x1x16xf32> to vector<16xf32>
            %add3A_693 = arith.addf %add3A_622, %get3A_692 : vector<16xf32>
            %add3A_694 = arith.constant 0 : i32
            %add3A_695 = arith.addi %add3A_694, %select_n3A_378 : i32
            %get3A_696 = arith.index_cast %add3A_695 : i32 to index
            %get3A_697 = arith.index_cast %add3A_685 : i32 to index
            %get3A_698 = arith.constant 16 : index
            %get3A_699 = tpu.vector_load %arg6[%get3A_696, %get3A_697, %get3A_698] {strides = array<i32>} : memref<6x128x128xf32, #tpu.memory_space<vmem>>, vector<1x1x16xf32>,
            %get3A_700 = vector.shape_cast %get3A_699 : vector<1x1x16xf32> to vector<16xf32>
            %add3A_701 = arith.addf %add3A_630, %get3A_700 : vector<16xf32>
            %add3A_702 = arith.constant 0 : i32
            %add3A_703 = arith.addi %add3A_702, %select_n3A_378 : i32
            %get3A_704 = arith.index_cast %add3A_703 : i32 to index
            %get3A_705 = arith.index_cast %add3A_685 : i32 to index
            %get3A_706 = arith.constant 32 : index
            %get3A_707 = tpu.vector_load %arg6[%get3A_704, %get3A_705, %get3A_706] {strides = array<i32>} : memref<6x128x128xf32, #tpu.memory_space<vmem>>, vector<1x1x16xf32>,
            %get3A_708 = vector.shape_cast %get3A_707 : vector<1x1x16xf32> to vector<16xf32>
            %add3A_709 = arith.addf %add3A_638, %get3A_708 : vector<16xf32>
            %add3A_710 = arith.constant 0 : i32
            %add3A_711 = arith.addi %add3A_710, %select_n3A_378 : i32
            %get3A_712 = arith.index_cast %add3A_711 : i32 to index
            %get3A_713 = arith.index_cast %add3A_685 : i32 to index
            %get3A_714 = arith.constant 48 : index
            %get3A_715 = tpu.vector_load %arg6[%get3A_712, %get3A_713, %get3A_714] {strides = array<i32>} : memref<6x128x128xf32, #tpu.memory_space<vmem>>, vector<1x1x16xf32>,
            %get3A_716 = vector.shape_cast %get3A_715 : vector<1x1x16xf32> to vector<16xf32>
            %add3A_717 = arith.addf %add3A_646, %get3A_716 : vector<16xf32>
            %add3A_718 = arith.constant 0 : i32
            %add3A_719 = arith.addi %add3A_718, %select_n3A_378 : i32
            %get3A_720 = arith.index_cast %add3A_719 : i32 to index
            %get3A_721 = arith.index_cast %add3A_685 : i32 to index
            %get3A_722 = arith.constant 64 : index
            %get3A_723 = tpu.vector_load %arg6[%get3A_720, %get3A_721, %get3A_722] {strides = array<i32>} : memref<6x128x128xf32, #tpu.memory_space<vmem>>, vector<1x1x16xf32>,
            %get3A_724 = vector.shape_cast %get3A_723 : vector<1x1x16xf32> to vector<16xf32>
            %add3A_725 = arith.addf %add3A_654, %get3A_724 : vector<16xf32>
            %add3A_726 = arith.constant 0 : i32
            %add3A_727 = arith.addi %add3A_726, %select_n3A_378 : i32
            %get3A_728 = arith.index_cast %add3A_727 : i32 to index
            %get3A_729 = arith.index_cast %add3A_685 : i32 to index
            %get3A_730 = arith.constant 80 : index
            %get3A_731 = tpu.vector_load %arg6[%get3A_728, %get3A_729, %get3A_730] {strides = array<i32>} : memref<6x128x128xf32, #tpu.memory_space<vmem>>, vector<1x1x16xf32>,
            %get3A_732 = vector.shape_cast %get3A_731 : vector<1x1x16xf32> to vector<16xf32>
            %add3A_733 = arith.addf %add3A_662, %get3A_732 : vector<16xf32>
            %add3A_734 = arith.constant 0 : i32
            %add3A_735 = arith.addi %add3A_734, %select_n3A_378 : i32
            %get3A_736 = arith.index_cast %add3A_735 : i32 to index
            %get3A_737 = arith.index_cast %add3A_685 : i32 to index
            %get3A_738 = arith.constant 96 : index
            %get3A_739 = tpu.vector_load %arg6[%get3A_736, %get3A_737, %get3A_738] {strides = array<i32>} : memref<6x128x128xf32, #tpu.memory_space<vmem>>, vector<1x1x16xf32>,
            %get3A_740 = vector.shape_cast %get3A_739 : vector<1x1x16xf32> to vector<16xf32>
            %add3A_741 = arith.addf %add3A_670, %get3A_740 : vector<16xf32>
            %add3A_742 = arith.constant 0 : i32
            %add3A_743 = arith.addi %add3A_742, %select_n3A_378 : i32
            %get3A_744 = arith.index_cast %add3A_743 : i32 to index
            %get3A_745 = arith.index_cast %add3A_685 : i32 to index
            %get3A_746 = arith.constant 112 : index
            %get3A_747 = tpu.vector_load %arg6[%get3A_744, %get3A_745, %get3A_746] {strides = array<i32>} : memref<6x128x128xf32, #tpu.memory_space<vmem>>, vector<1x1x16xf32>,
            %get3A_748 = vector.shape_cast %get3A_747 : vector<1x1x16xf32> to vector<16xf32>
            %add3A_749 = arith.addf %add3A_678, %get3A_748 : vector<16xf32>
            scf.yield %add3A_693, %add3A_701, %add3A_709, %add3A_717, %add3A_725, %add3A_733, %add3A_741, %add3A_749 : vector<16xf32>, vector<16xf32>, vector<16xf32>, vector<16xf32>, vector<16xf32>, vector<16xf32>, vector<16xf32>, vector<16xf32>
          }
          %scan3A_402 = arith.constant 8 : i32
          %swap3A = arith.constant 0 : i32
          %swap3A_403 = arith.index_cast %swap3A : i32 to index
          %swap3A_404 = arith.index_cast %scan3A_354 : i32 to index
          %swap3A_405 = arith.constant 0 : index
          %swap3A_406 = tpu.vector_load %arg7[%swap3A_403, %swap3A_404, %swap3A_405] {strides = array<i32>} : memref<3x8x128xf32, #tpu.memory_space<vmem>>, vector<1x1x16xf32>,
          %swap3A_407 = vector.shape_cast %swap3A_406 : vector<1x1x16xf32> to vector<16xf32>
          %swap3A_408 = vector.shape_cast %scan3A_401#0 : vector<16xf32> to vector<1x1x16xf32>
          tpu.vector_store %arg7[%swap3A_403, %swap3A_404, %swap3A_405], %swap3A_408 {strides = array<i32>} : memref<3x8x128xf32, #tpu.memory_space<vmem>>, vector<1x1x16xf32>,
          %swap3A_409 = arith.constant 0 : i32
          %swap3A_410 = arith.index_cast %swap3A_409 : i32 to index
          %swap3A_411 = arith.index_cast %scan3A_354 : i32 to index
          %swap3A_412 = arith.constant 16 : index
          %swap3A_413 = tpu.vector_load %arg7[%swap3A_410, %swap3A_411, %swap3A_412] {strides = array<i32>} : memref<3x8x128xf32, #tpu.memory_space<vmem>>, vector<1x1x16xf32>,
          %swap3A_414 = vector.shape_cast %swap3A_413 : vector<1x1x16xf32> to vector<16xf32>
          %swap3A_415 = vector.shape_cast %scan3A_401#1 : vector<16xf32> to vector<1x1x16xf32>
          tpu.vector_store %arg7[%swap3A_410, %swap3A_411, %swap3A_412], %swap3A_415 {strides = array<i32>} : memref<3x8x128xf32, #tpu.memory_space<vmem>>, vector<1x1x16xf32>,
          %swap3A_416 = arith.constant 0 : i32
          %swap3A_417 = arith.index_cast %swap3A_416 : i32 to index
          %swap3A_418 = arith.index_cast %scan3A_354 : i32 to index
          %swap3A_419 = arith.constant 32 : index
          %swap3A_420 = tpu.vector_load %arg7[%swap3A_417, %swap3A_418, %swap3A_419] {strides = array<i32>} : memref<3x8x128xf32, #tpu.memory_space<vmem>>, vector<1x1x16xf32>,
          %swap3A_421 = vector.shape_cast %swap3A_420 : vector<1x1x16xf32> to vector<16xf32>
          %swap3A_422 = vector.shape_cast %scan3A_401#2 : vector<16xf32> to vector<1x1x16xf32>
          tpu.vector_store %arg7[%swap3A_417, %swap3A_418, %swap3A_419], %swap3A_422 {strides = array<i32>} : memref<3x8x128xf32, #tpu.memory_space<vmem>>, vector<1x1x16xf32>,
          %swap3A_423 = arith.constant 0 : i32
          %swap3A_424 = arith.index_cast %swap3A_423 : i32 to index
          %swap3A_425 = arith.index_cast %scan3A_354 : i32 to index
          %swap3A_426 = arith.constant 48 : index
          %swap3A_427 = tpu.vector_load %arg7[%swap3A_424, %swap3A_425, %swap3A_426] {strides = array<i32>} : memref<3x8x128xf32, #tpu.memory_space<vmem>>, vector<1x1x16xf32>,
          %swap3A_428 = vector.shape_cast %swap3A_427 : vector<1x1x16xf32> to vector<16xf32>
          %swap3A_429 = vector.shape_cast %scan3A_401#3 : vector<16xf32> to vector<1x1x16xf32>
          tpu.vector_store %arg7[%swap3A_424, %swap3A_425, %swap3A_426], %swap3A_429 {strides = array<i32>} : memref<3x8x128xf32, #tpu.memory_space<vmem>>, vector<1x1x16xf32>,
          %swap3A_430 = arith.constant 0 : i32
          %swap3A_431 = arith.index_cast %swap3A_430 : i32 to index
          %swap3A_432 = arith.index_cast %scan3A_354 : i32 to index
          %swap3A_433 = arith.constant 64 : index
          %swap3A_434 = tpu.vector_load %arg7[%swap3A_431, %swap3A_432, %swap3A_433] {strides = array<i32>} : memref<3x8x128xf32, #tpu.memory_space<vmem>>, vector<1x1x16xf32>,
          %swap3A_435 = vector.shape_cast %swap3A_434 : vector<1x1x16xf32> to vector<16xf32>
          %swap3A_436 = vector.shape_cast %scan3A_401#4 : vector<16xf32> to vector<1x1x16xf32>
          tpu.vector_store %arg7[%swap3A_431, %swap3A_432, %swap3A_433], %swap3A_436 {strides = array<i32>} : memref<3x8x128xf32, #tpu.memory_space<vmem>>, vector<1x1x16xf32>,
          %swap3A_437 = arith.constant 0 : i32
          %swap3A_438 = arith.index_cast %swap3A_437 : i32 to index
          %swap3A_439 = arith.index_cast %scan3A_354 : i32 to index
          %swap3A_440 = arith.constant 80 : index
          %swap3A_441 = tpu.vector_load %arg7[%swap3A_438, %swap3A_439, %swap3A_440] {strides = array<i32>} : memref<3x8x128xf32, #tpu.memory_space<vmem>>, vector<1x1x16xf32>,
          %swap3A_442 = vector.shape_cast %swap3A_441 : vector<1x1x16xf32> to vector<16xf32>
          %swap3A_443 = vector.shape_cast %scan3A_401#5 : vector<16xf32> to vector<1x1x16xf32>
          tpu.vector_store %arg7[%swap3A_438, %swap3A_439, %swap3A_440], %swap3A_443 {strides = array<i32>} : memref<3x8x128xf32, #tpu.memory_space<vmem>>, vector<1x1x16xf32>,
          %swap3A_444 = arith.constant 0 : i32
          %swap3A_445 = arith.index_cast %swap3A_444 : i32 to index
          %swap3A_446 = arith.index_cast %scan3A_354 : i32 to index
          %swap3A_447 = arith.constant 96 : index
          %swap3A_448 = tpu.vector_load %arg7[%swap3A_445, %swap3A_446, %swap3A_447] {strides = array<i32>} : memref<3x8x128xf32, #tpu.memory_space<vmem>>, vector<1x1x16xf32>,
          %swap3A_449 = vector.shape_cast %swap3A_448 : vector<1x1x16xf32> to vector<16xf32>
          %swap3A_450 = vector.shape_cast %scan3A_401#6 : vector<16xf32> to vector<1x1x16xf32>
          tpu.vector_store %arg7[%swap3A_445, %swap3A_446, %swap3A_447], %swap3A_450 {strides = array<i32>} : memref<3x8x128xf32, #tpu.memory_space<vmem>>, vector<1x1x16xf32>,
          %swap3A_451 = arith.constant 0 : i32
          %swap3A_452 = arith.index_cast %swap3A_451 : i32 to index
          %swap3A_453 = arith.index_cast %scan3A_354 : i32 to index
          %swap3A_454 = arith.constant 112 : index
          %swap3A_455 = tpu.vector_load %arg7[%swap3A_452, %swap3A_453, %swap3A_454] {strides = array<i32>} : memref<3x8x128xf32, #tpu.memory_space<vmem>>, vector<1x1x16xf32>,
          %swap3A_456 = vector.shape_cast %swap3A_455 : vector<1x1x16xf32> to vector<16xf32>
          %swap3A_457 = vector.shape_cast %scan3A_401#7 : vector<16xf32> to vector<1x1x16xf32>
          tpu.vector_store %arg7[%swap3A_452, %swap3A_453, %swap3A_454], %swap3A_457 {strides = array<i32>} : memref<3x8x128xf32, #tpu.memory_space<vmem>>, vector<1x1x16xf32>,
        }
        %scan3A_335 = arith.constant 8 : i32
        %mul3A_336 = arith.constant 32 : i32
        %mul3A_337 = arith.muli %add3A_269, %mul3A_336 : i32
        %add3A_338 = arith.addi %mul3A_337, %add3A : i32
        %mul3A_339 = arith.constant 8 : i32
        %mul3A_340 = arith.muli %add3A_338, %mul3A_339 : i32
        %dma_start3A_341 = arith.constant 0 : i32
        %dma_start3A_342 = arith.constant 0 : i32
        %dma_start3A_343 = arith.constant 0 : i32
        %dma_start3A_344 = tpu.memref_slice %arg7[%dma_start3A_341, %dma_start3A_342, %dma_start3A_343] : memref<3x8x128xf32, #tpu.memory_space<vmem>> -> memref<1x8x128xf32, #tpu.memory_space<vmem>>
        %dma_start3A_345 = tpu.memref_squeeze %dma_start3A_344 : memref<1x8x128xf32, #tpu.memory_space<vmem>> -> memref<8x128xf32, #tpu.memory_space<vmem>>
        %dma_start3A_346 = arith.constant 0 : i32
        %dma_start3A_347 = tpu.memref_slice %arg4[%mul3A_340, %dma_start3A_346] : memref<10000x128xf32, #tpu.memory_space<hbm>> -> memref<8x128xf32, #tpu.memory_space<hbm>>
        %dma_start3A_348 = arith.constant 0 : i32
        %dma_start3A_349 = tpu.memref_slice %arg4[%mul3A_340, %dma_start3A_348] : memref<10000x128xf32, #tpu.memory_space<hbm>> -> memref<8x128xf32, #tpu.memory_space<hbm>>
        %dma_start3A_350 = arith.constant 0 : i32
        %dma_start3A_351 = arith.constant 0 : i32
        %dma_start3A_352 = tpu.memref_slice %arg7[%dma_start3A_341, %dma_start3A_350, %dma_start3A_351] : memref<3x8x128xf32, #tpu.memory_space<vmem>> -> memref<1x8x128xf32, #tpu.memory_space<vmem>>
        %dma_start3A_353 = tpu.memref_squeeze %dma_start3A_352 : memref<1x8x128xf32, #tpu.memory_space<vmem>> -> memref<8x128xf32, #tpu.memory_space<vmem>>
        tpu.enqueue_dma source(%dma_start3A_353 : memref<8x128xf32, #tpu.memory_space<vmem>>) target(%dma_start3A_349 : memref<8x128xf32, #tpu.memory_space<hbm>>) target_semaphore(%arg17 : memref<!tpu.dma_semaphore, #tpu.memory_space<semaphore_mem>>)
      } else {
      }
      %mul3A_272 = arith.constant 3 : i32
      %mul3A_273 = arith.muli %scan3A_265, %mul3A_272 : i32
      %add3A_274 = arith.constant 1 : i32
      %add3A_275 = arith.addi %mul3A_273, %add3A_274 : i32
      %lt3A_276 = arith.cmpi slt, %add3A_275, %select_n3A : i32
      %convert_element_type3A_277 = arith.extui %lt3A_276 : i1 to i32
      %cond3A_278 = arith.constant 0 : i32
      %cond3A_279 = arith.cmpi ne, %convert_element_type3A_277, %cond3A_278 : i32
      scf.if %cond3A_279 {
        %dma_wait3A_288 = arith.constant 2 : i32
        %dma_wait3A_289 = arith.constant 2 : i32
        %dma_wait3A_290 = arith.constant 0 : i32
        %dma_wait3A_291 = arith.constant 0 : i32
        %dma_wait3A_292 = tpu.memref_slice %arg6[%dma_wait3A_289, %dma_wait3A_290, %dma_wait3A_291] : memref<6x128x128xf32, #tpu.memory_space<vmem>> -> memref<1x128x128xf32, #tpu.memory_space<vmem>>
        %dma_wait3A_293 = tpu.memref_squeeze %dma_wait3A_292 : memref<1x128x128xf32, #tpu.memory_space<vmem>> -> memref<128x128xf32, #tpu.memory_space<vmem>>
        %dma_wait3A_294 = arith.constant 0 : i32
        %dma_wait3A_295 = tpu.memref_slice %arg5[%dma_wait3A_288, %dma_wait3A_294] : memref<6x128xi32, #tpu.memory_space<vmem>> -> memref<1x128xi32, #tpu.memory_space<vmem>>
        %dma_wait3A_296 = tpu.memref_squeeze %dma_wait3A_295 : memref<1x128xi32, #tpu.memory_space<vmem>> -> memref<128xi32, #tpu.memory_space<vmem>>
        %dma_wait3A_297 = arith.constant 0 : i32
        %dma_wait3A_298 = arith.constant 0 : i32
        %dma_wait3A_299 = tpu.memref_slice %arg3[%dma_wait3A_297, %dma_wait3A_298] : memref<10000x128xf32, #tpu.memory_space<hbm>> -> memref<10000x128xf32, #tpu.memory_space<hbm>>
        tpu.wait_indirect_dma semaphore(%arg13 : memref<!tpu.dma_semaphore, #tpu.memory_space<semaphore_mem>>) src(%dma_wait3A_299 : memref<10000x128xf32, #tpu.memory_space<hbm>>) dst(%dma_wait3A_293 : memref<128x128xf32, #tpu.memory_space<vmem>>)
        %dma_wait3A_300 = arith.constant 3 : i32
        %dma_wait3A_301 = arith.constant 3 : i32
        %dma_wait3A_302 = arith.constant 0 : i32
        %dma_wait3A_303 = arith.constant 0 : i32
        %dma_wait3A_304 = tpu.memref_slice %arg6[%dma_wait3A_301, %dma_wait3A_302, %dma_wait3A_303] : memref<6x128x128xf32, #tpu.memory_space<vmem>> -> memref<1x128x128xf32, #tpu.memory_space<vmem>>
        %dma_wait3A_305 = tpu.memref_squeeze %dma_wait3A_304 : memref<1x128x128xf32, #tpu.memory_space<vmem>> -> memref<128x128xf32, #tpu.memory_space<vmem>>
        %dma_wait3A_306 = arith.constant 0 : i32
        %dma_wait3A_307 = tpu.memref_slice %arg5[%dma_wait3A_300, %dma_wait3A_306] : memref<6x128xi32, #tpu.memory_space<vmem>> -> memref<1x128xi32, #tpu.memory_space<vmem>>
        %dma_wait3A_308 = tpu.memref_squeeze %dma_wait3A_307 : memref<1x128xi32, #tpu.memory_space<vmem>> -> memref<128xi32, #tpu.memory_space<vmem>>
        %dma_wait3A_309 = arith.constant 0 : i32
        %dma_wait3A_310 = arith.constant 0 : i32
        %dma_wait3A_311 = tpu.memref_slice %arg3[%dma_wait3A_309, %dma_wait3A_310] : memref<10000x128xf32, #tpu.memory_space<hbm>> -> memref<10000x128xf32, #tpu.memory_space<hbm>>
        tpu.wait_indirect_dma semaphore(%arg14 : memref<!tpu.dma_semaphore, #tpu.memory_space<semaphore_mem>>) src(%dma_wait3A_311 : memref<10000x128xf32, #tpu.memory_space<hbm>>) dst(%dma_wait3A_305 : memref<128x128xf32, #tpu.memory_space<vmem>>)
        %add3A_312 = arith.constant 3 : i32
        %add3A_313 = arith.addi %add3A_275, %add3A_312 : i32
        %lt3A_314 = arith.cmpi slt, %add3A_313, %select_n3A : i32
        %convert_element_type3A_315 = arith.extui %lt3A_314 : i1 to i32
        %cond3A_316 = arith.constant 0 : i32
        %cond3A_317 = arith.cmpi ne, %convert_element_type3A_315, %cond3A_316 : i32
        scf.if %cond3A_317 {
          %add3A_354 = arith.constant 3 : i32
          %add3A_355 = arith.addi %add3A_275, %add3A_354 : i32
          %mul3A_356 = arith.constant 32 : i32
          %mul3A_357 = arith.muli %add3A_355, %mul3A_356 : i32
          %add3A_358 = arith.addi %mul3A_357, %add3A : i32
          %mul3A_359 = arith.constant 2 : i32
          %mul3A_360 = arith.muli %add3A_358, %mul3A_359 : i32
          %dma_start3A_361 = arith.constant 2 : i32
          %dma_start3A_362 = arith.constant 0 : i32
          %dma_start3A_363 = tpu.memref_slice %arg5[%dma_start3A_361, %dma_start3A_362] : memref<6x128xi32, #tpu.memory_space<vmem>> -> memref<2x128xi32, #tpu.memory_space<vmem>>
          %dma_start3A_364 = arith.constant 0 : i32
          %dma_start3A_365 = tpu.memref_slice %arg2[%mul3A_360, %dma_start3A_364] : memref<2500x128xi32, #tpu.memory_space<hbm>> -> memref<2x128xi32, #tpu.memory_space<hbm>>
          %dma_start3A_366 = arith.constant 2 : i32
          %dma_start3A_367 = arith.constant 0 : i32
          %dma_start3A_368 = tpu.memref_slice %arg5[%dma_start3A_366, %dma_start3A_367] : memref<6x128xi32, #tpu.memory_space<vmem>> -> memref<2x128xi32, #tpu.memory_space<vmem>>
          %dma_start3A_369 = arith.constant 0 : i32
          %dma_start3A_370 = tpu.memref_slice %arg2[%mul3A_360, %dma_start3A_369] : memref<2500x128xi32, #tpu.memory_space<hbm>> -> memref<2x128xi32, #tpu.memory_space<hbm>>
          tpu.enqueue_dma source(%dma_start3A_370 : memref<2x128xi32, #tpu.memory_space<hbm>>) target(%dma_start3A_368 : memref<2x128xi32, #tpu.memory_space<vmem>>) target_semaphore(%arg9 : memref<!tpu.dma_semaphore, #tpu.memory_space<semaphore_mem>>)
        } else {
        }
        %add3A_318 = arith.constant 3 : i32
        %add3A_319 = arith.addi %add3A_275, %add3A_318 : i32
        %sub3A_320 = arith.constant 1 : i32
        %sub3A_321 = arith.subi %add3A_319, %sub3A_320 : i32
        %lt3A_322 = arith.cmpi slt, %sub3A_321, %select_n3A : i32
        %convert_element_type3A_323 = arith.extui %lt3A_322 : i1 to i32
        %cond3A_324 = arith.constant 0 : i32
        %cond3A_325 = arith.cmpi ne, %convert_element_type3A_323, %cond3A_324 : i32
        scf.if %cond3A_325 {
          %mul3A_354 = arith.constant 32 : i32
          %mul3A_355 = arith.muli %sub3A_321, %mul3A_354 : i32
          %add3A_356 = arith.addi %mul3A_355, %add3A : i32
          %mul3A_357 = arith.constant 2 : i32
          %mul3A_358 = arith.muli %add3A_356, %mul3A_357 : i32
          %dma_wait3A_359 = arith.constant 0 : i32
          %dma_wait3A_360 = arith.constant 0 : i32
          %dma_wait3A_361 = tpu.memref_slice %arg5[%dma_wait3A_359, %dma_wait3A_360] : memref<6x128xi32, #tpu.memory_space<vmem>> -> memref<2x128xi32, #tpu.memory_space<vmem>>
          %dma_wait3A_362 = arith.constant 0 : i32
          %dma_wait3A_363 = tpu.memref_slice %arg2[%mul3A_358, %dma_wait3A_362] : memref<2500x128xi32, #tpu.memory_space<hbm>> -> memref<2x128xi32, #tpu.memory_space<hbm>>
          %dma_wait3A_364 = arith.constant 0 : i32
          %dma_wait3A_365 = arith.constant 0 : i32
          %dma_wait3A_366 = tpu.memref_slice %arg5[%dma_wait3A_364, %dma_wait3A_365] : memref<6x128xi32, #tpu.memory_space<vmem>> -> memref<2x128xi32, #tpu.memory_space<vmem>>
          %dma_wait3A_367 = arith.constant 0 : i32
          %dma_wait3A_368 = tpu.memref_slice %arg2[%mul3A_358, %dma_wait3A_367] : memref<2500x128xi32, #tpu.memory_space<hbm>> -> memref<2x128xi32, #tpu.memory_space<hbm>>
          tpu.wait_dma2 semaphore(%arg8 : memref<!tpu.dma_semaphore, #tpu.memory_space<semaphore_mem>>) src(%dma_wait3A_368 : memref<2x128xi32, #tpu.memory_space<hbm>>) dst(%dma_wait3A_366 : memref<2x128xi32, #tpu.memory_space<vmem>>)
          %dma_start3A_369 = arith.constant 0 : i32
          %dma_start3A_370 = arith.constant 0 : i32
          %dma_start3A_371 = arith.constant 0 : i32
          %dma_start3A_372 = arith.constant 0 : i32
          %dma_start3A_373 = tpu.memref_slice %arg6[%dma_start3A_370, %dma_start3A_371, %dma_start3A_372] : memref<6x128x128xf32, #tpu.memory_space<vmem>> -> memref<1x128x128xf32, #tpu.memory_space<vmem>>
          %dma_start3A_374 = tpu.memref_squeeze %dma_start3A_373 : memref<1x128x128xf32, #tpu.memory_space<vmem>> -> memref<128x128xf32, #tpu.memory_space<vmem>>
          %dma_start3A_375 = arith.constant 0 : i32
          %dma_start3A_376 = tpu.memref_slice %arg5[%dma_start3A_369, %dma_start3A_375] : memref<6x128xi32, #tpu.memory_space<vmem>> -> memref<1x128xi32, #tpu.memory_space<vmem>>
          %dma_start3A_377 = tpu.memref_squeeze %dma_start3A_376 : memref<1x128xi32, #tpu.memory_space<vmem>> -> memref<128xi32, #tpu.memory_space<vmem>>
          %dma_start3A_378 = arith.constant 0 : i32
          %dma_start3A_379 = arith.constant 0 : i32
          %dma_start3A_380 = tpu.memref_slice %arg3[%dma_start3A_378, %dma_start3A_379] : memref<10000x128xf32, #tpu.memory_space<hbm>> -> memref<10000x128xf32, #tpu.memory_space<hbm>>
          tpu.enqueue_indirect_dma source(%dma_start3A_380 : memref<10000x128xf32, #tpu.memory_space<hbm>>) target(%dma_start3A_374 : memref<128x128xf32, #tpu.memory_space<vmem>>) offsets(%dma_start3A_377 : memref<128xi32, #tpu.memory_space<vmem>>) semaphore(%arg11 : memref<!tpu.dma_semaphore, #tpu.memory_space<semaphore_mem>>)
          %dma_start3A_381 = arith.constant 1 : i32
          %dma_start3A_382 = arith.constant 1 : i32
          %dma_start3A_383 = arith.constant 0 : i32
          %dma_start3A_384 = arith.constant 0 : i32
          %dma_start3A_385 = tpu.memref_slice %arg6[%dma_start3A_382, %dma_start3A_383, %dma_start3A_384] : memref<6x128x128xf32, #tpu.memory_space<vmem>> -> memref<1x128x128xf32, #tpu.memory_space<vmem>>
          %dma_start3A_386 = tpu.memref_squeeze %dma_start3A_385 : memref<1x128x128xf32, #tpu.memory_space<vmem>> -> memref<128x128xf32, #tpu.memory_space<vmem>>
          %dma_start3A_387 = arith.constant 0 : i32
          %dma_start3A_388 = tpu.memref_slice %arg5[%dma_start3A_381, %dma_start3A_387] : memref<6x128xi32, #tpu.memory_space<vmem>> -> memref<1x128xi32, #tpu.memory_space<vmem>>
          %dma_start3A_389 = tpu.memref_squeeze %dma_start3A_388 : memref<1x128xi32, #tpu.memory_space<vmem>> -> memref<128xi32, #tpu.memory_space<vmem>>
          %dma_start3A_390 = arith.constant 0 : i32
          %dma_start3A_391 = arith.constant 0 : i32
          %dma_start3A_392 = tpu.memref_slice %arg3[%dma_start3A_390, %dma_start3A_391] : memref<10000x128xf32, #tpu.memory_space<hbm>> -> memref<10000x128xf32, #tpu.memory_space<hbm>>
          tpu.enqueue_indirect_dma source(%dma_start3A_392 : memref<10000x128xf32, #tpu.memory_space<hbm>>) target(%dma_start3A_386 : memref<128x128xf32, #tpu.memory_space<vmem>>) offsets(%dma_start3A_389 : memref<128xi32, #tpu.memory_space<vmem>>) semaphore(%arg12 : memref<!tpu.dma_semaphore, #tpu.memory_space<semaphore_mem>>)
        } else {
        }
        %ge3A = arith.constant 3 : i32
        %ge3A_326 = arith.cmpi sge, %add3A_275, %ge3A : i32
        %convert_element_type3A_327 = arith.extui %ge3A_326 : i1 to i32
        %cond3A_328 = arith.constant 0 : i32
        %cond3A_329 = arith.cmpi ne, %convert_element_type3A_327, %cond3A_328 : i32
        scf.if %cond3A_329 {
          %sub3A_354 = arith.constant 3 : i32
          %sub3A_355 = arith.subi %add3A_275, %sub3A_354 : i32
          %mul3A_356 = arith.constant 32 : i32
          %mul3A_357 = arith.muli %sub3A_355, %mul3A_356 : i32
          %add3A_358 = arith.addi %mul3A_357, %add3A : i32
          %mul3A_359 = arith.constant 8 : i32
          %mul3A_360 = arith.muli %add3A_358, %mul3A_359 : i32
          %dma_wait3A_361 = arith.constant 1 : i32
          %dma_wait3A_362 = arith.constant 0 : i32
          %dma_wait3A_363 = arith.constant 0 : i32
          %dma_wait3A_364 = tpu.memref_slice %arg7[%dma_wait3A_361, %dma_wait3A_362, %dma_wait3A_363] : memref<3x8x128xf32, #tpu.memory_space<vmem>> -> memref<1x8x128xf32, #tpu.memory_space<vmem>>
          %dma_wait3A_365 = tpu.memref_squeeze %dma_wait3A_364 : memref<1x8x128xf32, #tpu.memory_space<vmem>> -> memref<8x128xf32, #tpu.memory_space<vmem>>
          %dma_wait3A_366 = arith.constant 0 : i32
          %dma_wait3A_367 = tpu.memref_slice %arg4[%mul3A_360, %dma_wait3A_366] : memref<10000x128xf32, #tpu.memory_space<hbm>> -> memref<8x128xf32, #tpu.memory_space<hbm>>
          %dma_wait3A_368 = arith.constant 0 : i32
          %dma_wait3A_369 = tpu.memref_slice %arg4[%mul3A_360, %dma_wait3A_368] : memref<10000x128xf32, #tpu.memory_space<hbm>> -> memref<8x128xf32, #tpu.memory_space<hbm>>
          %dma_wait3A_370 = arith.constant 0 : i32
          %dma_wait3A_371 = arith.constant 0 : i32
          %dma_wait3A_372 = tpu.memref_slice %arg7[%dma_wait3A_361, %dma_wait3A_370, %dma_wait3A_371] : memref<3x8x128xf32, #tpu.memory_space<vmem>> -> memref<1x8x128xf32, #tpu.memory_space<vmem>>
          %dma_wait3A_373 = tpu.memref_squeeze %dma_wait3A_372 : memref<1x8x128xf32, #tpu.memory_space<vmem>> -> memref<8x128xf32, #tpu.memory_space<vmem>>
          tpu.wait_dma2 semaphore(%arg18 : memref<!tpu.dma_semaphore, #tpu.memory_space<semaphore_mem>>) src(%dma_wait3A_373 : memref<8x128xf32, #tpu.memory_space<vmem>>) dst(%dma_wait3A_369 : memref<8x128xf32, #tpu.memory_space<hbm>>)
        } else {
        }
        %scan3A_330 = arith.constant 0 : i32
        %scan3A_331 = arith.constant 0 : i32
        %scan3A_332 = arith.constant 8 : i32
        %scan3A_333 = arith.addi %scan3A_331, %scan3A_332 : i32
        %scan3A_334 = arith.constant 1 : i32
        scf.for %scan3A_354 = %scan3A_331 to %scan3A_333 step %scan3A_334  : i32 {
          %jit3A_355 = arith.constant 4 : i32
          %div3A_356 = arith.divsi %scan3A_354, %jit3A_355 : i32
          %sign3A_357 = arith.constant 0 : i32
          %sign3A_358 = arith.cmpi sgt, %scan3A_354, %sign3A_357 : i32
          %sign3A_359 = arith.extui %sign3A_358 : i1 to i32
          %sign3A_360 = arith.constant 0 : i32
          %sign3A_361 = arith.cmpi slt, %scan3A_354, %sign3A_360 : i32
          %sign3A_362 = arith.extui %sign3A_361 : i1 to i32
          %sign3A_363 = arith.subi %sign3A_359, %sign3A_362 : i32
          %sign3A_364 = arith.constant 0 : i32
          %sign3A_365 = arith.cmpi sgt, %jit3A_355, %sign3A_364 : i32
          %sign3A_366 = arith.extui %sign3A_365 : i1 to i32
          %sign3A_367 = arith.constant 0 : i32
          %sign3A_368 = arith.cmpi slt, %jit3A_355, %sign3A_367 : i32
          %sign3A_369 = arith.extui %sign3A_368 : i1 to i32
          %sign3A_370 = arith.subi %sign3A_366, %sign3A_369 : i32
          %ne3A_371 = arith.cmpi ne, %sign3A_363, %sign3A_370 : i32
          %rem3A_372 = arith.remsi %scan3A_354, %jit3A_355 : i32
          %ne3A_373 = arith.constant 0 : i32
          %ne3A_374 = arith.cmpi ne, %rem3A_372, %ne3A_373 : i32
          %and3A_375 = arith.andi %ne3A_371, %ne3A_374 : i1
          %sub3A_376 = arith.constant 1 : i32
          %sub3A_377 = arith.subi %div3A_356, %sub3A_376 : i32
          %select_n3A_378 = arith.select %and3A_375, %sub3A_377, %div3A_356 : i32
          %mul3A_379 = arith.constant 4 : i32
          %mul3A_380 = arith.muli %select_n3A_378, %mul3A_379 : i32
          %sub3A_381 = arith.subi %scan3A_354, %mul3A_380 : i32
          %broadcast_in_dim3A = arith.constant 0.000000e+00 : f32
          %broadcast_in_dim3A_382 = vector.broadcast %broadcast_in_dim3A : f32 to vector<16xf32>
          %broadcast_in_dim3A_383 = arith.constant 0.000000e+00 : f32
          %broadcast_in_dim3A_384 = vector.broadcast %broadcast_in_dim3A_383 : f32 to vector<16xf32>
          %broadcast_in_dim3A_385 = arith.constant 0.000000e+00 : f32
          %broadcast_in_dim3A_386 = vector.broadcast %broadcast_in_dim3A_385 : f32 to vector<16xf32>
          %broadcast_in_dim3A_387 = arith.constant 0.000000e+00 : f32
          %broadcast_in_dim3A_388 = vector.broadcast %broadcast_in_dim3A_387 : f32 to vector<16xf32>
          %broadcast_in_dim3A_389 = arith.constant 0.000000e+00 : f32
          %broadcast_in_dim3A_390 = vector.broadcast %broadcast_in_dim3A_389 : f32 to vector<16xf32>
          %broadcast_in_dim3A_391 = arith.constant 0.000000e+00 : f32
          %broadcast_in_dim3A_392 = vector.broadcast %broadcast_in_dim3A_391 : f32 to vector<16xf32>
          %broadcast_in_dim3A_393 = arith.constant 0.000000e+00 : f32
          %broadcast_in_dim3A_394 = vector.broadcast %broadcast_in_dim3A_393 : f32 to vector<16xf32>
          %broadcast_in_dim3A_395 = arith.constant 0.000000e+00 : f32
          %broadcast_in_dim3A_396 = vector.broadcast %broadcast_in_dim3A_395 : f32 to vector<16xf32>
          %scan3A_397 = arith.constant 0 : i32
          %scan3A_398 = arith.constant 8 : i32
          %scan3A_399 = arith.addi %scan3A_397, %scan3A_398 : i32
          %scan3A_400 = arith.constant 1 : i32
          %scan3A_401:8 = scf.for %scan3A_458 = %scan3A_397 to %scan3A_399 step %scan3A_400 iter_args(%scan3A_459 = %broadcast_in_dim3A_382, %scan3A_460 = %broadcast_in_dim3A_384, %scan3A_461 = %broadcast_in_dim3A_386, %scan3A_462 = %broadcast_in_dim3A_388, %scan3A_463 = %broadcast_in_dim3A_390, %scan3A_464 = %broadcast_in_dim3A_392, %scan3A_465 = %broadcast_in_dim3A_394, %scan3A_466 = %broadcast_in_dim3A_396) -> (vector<16xf32>, vector<16xf32>, vector<16xf32>, vector<16xf32>, vector<16xf32>, vector<16xf32>, vector<16xf32>, vector<16xf32>)  : i32 {
            %mul3A_467 = arith.constant 32 : i32
            %mul3A_468 = arith.muli %sub3A_381, %mul3A_467 : i32
            %mul3A_469 = arith.constant 4 : i32
            %mul3A_470 = arith.muli %scan3A_458, %mul3A_469 : i32
            %add3A_471 = arith.addi %mul3A_468, %mul3A_470 : i32
            %add3A_472 = arith.constant 0 : i32
            %add3A_473 = arith.addi %add3A_471, %add3A_472 : i32
            %add3A_474 = arith.constant 2 : i32
            %add3A_475 = arith.addi %add3A_474, %select_n3A_378 : i32
            %get3A = arith.index_cast %add3A_475 : i32 to index
            %get3A_476 = arith.index_cast %add3A_473 : i32 to index
            %get3A_477 = arith.constant 0 : index
            %get3A_478 = tpu.vector_load %arg6[%get3A, %get3A_476, %get3A_477] {strides = array<i32>} : memref<6x128x128xf32, #tpu.memory_space<vmem>>, vector<1x1x16xf32>,
            %get3A_479 = vector.shape_cast %get3A_478 : vector<1x1x16xf32> to vector<16xf32>
            %add3A_480 = arith.addf %scan3A_459, %get3A_479 : vector<16xf32>
            %add3A_481 = arith.constant 2 : i32
            %add3A_482 = arith.addi %add3A_481, %select_n3A_378 : i32
            %get3A_483 = arith.index_cast %add3A_482 : i32 to index
            %get3A_484 = arith.index_cast %add3A_473 : i32 to index
            %get3A_485 = arith.constant 16 : index
            %get3A_486 = tpu.vector_load %arg6[%get3A_483, %get3A_484, %get3A_485] {strides = array<i32>} : memref<6x128x128xf32, #tpu.memory_space<vmem>>, vector<1x1x16xf32>,
            %get3A_487 = vector.shape_cast %get3A_486 : vector<1x1x16xf32> to vector<16xf32>
            %add3A_488 = arith.addf %scan3A_460, %get3A_487 : vector<16xf32>
            %add3A_489 = arith.constant 2 : i32
            %add3A_490 = arith.addi %add3A_489, %select_n3A_378 : i32
            %get3A_491 = arith.index_cast %add3A_490 : i32 to index
            %get3A_492 = arith.index_cast %add3A_473 : i32 to index
            %get3A_493 = arith.constant 32 : index
            %get3A_494 = tpu.vector_load %arg6[%get3A_491, %get3A_492, %get3A_493] {strides = array<i32>} : memref<6x128x128xf32, #tpu.memory_space<vmem>>, vector<1x1x16xf32>,
            %get3A_495 = vector.shape_cast %get3A_494 : vector<1x1x16xf32> to vector<16xf32>
            %add3A_496 = arith.addf %scan3A_461, %get3A_495 : vector<16xf32>
            %add3A_497 = arith.constant 2 : i32
            %add3A_498 = arith.addi %add3A_497, %select_n3A_378 : i32
            %get3A_499 = arith.index_cast %add3A_498 : i32 to index
            %get3A_500 = arith.index_cast %add3A_473 : i32 to index
            %get3A_501 = arith.constant 48 : index
            %get3A_502 = tpu.vector_load %arg6[%get3A_499, %get3A_500, %get3A_501] {strides = array<i32>} : memref<6x128x128xf32, #tpu.memory_space<vmem>>, vector<1x1x16xf32>,
            %get3A_503 = vector.shape_cast %get3A_502 : vector<1x1x16xf32> to vector<16xf32>
            %add3A_504 = arith.addf %scan3A_462, %get3A_503 : vector<16xf32>
            %add3A_505 = arith.constant 2 : i32
            %add3A_506 = arith.addi %add3A_505, %select_n3A_378 : i32
            %get3A_507 = arith.index_cast %add3A_506 : i32 to index
            %get3A_508 = arith.index_cast %add3A_473 : i32 to index
            %get3A_509 = arith.constant 64 : index
            %get3A_510 = tpu.vector_load %arg6[%get3A_507, %get3A_508, %get3A_509] {strides = array<i32>} : memref<6x128x128xf32, #tpu.memory_space<vmem>>, vector<1x1x16xf32>,
            %get3A_511 = vector.shape_cast %get3A_510 : vector<1x1x16xf32> to vector<16xf32>
            %add3A_512 = arith.addf %scan3A_463, %get3A_511 : vector<16xf32>
            %add3A_513 = arith.constant 2 : i32
            %add3A_514 = arith.addi %add3A_513, %select_n3A_378 : i32
            %get3A_515 = arith.index_cast %add3A_514 : i32 to index
            %get3A_516 = arith.index_cast %add3A_473 : i32 to index
            %get3A_517 = arith.constant 80 : index
            %get3A_518 = tpu.vector_load %arg6[%get3A_515, %get3A_516, %get3A_517] {strides = array<i32>} : memref<6x128x128xf32, #tpu.memory_space<vmem>>, vector<1x1x16xf32>,
            %get3A_519 = vector.shape_cast %get3A_518 : vector<1x1x16xf32> to vector<16xf32>
            %add3A_520 = arith.addf %scan3A_464, %get3A_519 : vector<16xf32>
            %add3A_521 = arith.constant 2 : i32
            %add3A_522 = arith.addi %add3A_521, %select_n3A_378 : i32
            %get3A_523 = arith.index_cast %add3A_522 : i32 to index
            %get3A_524 = arith.index_cast %add3A_473 : i32 to index
            %get3A_525 = arith.constant 96 : index
            %get3A_526 = tpu.vector_load %arg6[%get3A_523, %get3A_524, %get3A_525] {strides = array<i32>} : memref<6x128x128xf32, #tpu.memory_space<vmem>>, vector<1x1x16xf32>,
            %get3A_527 = vector.shape_cast %get3A_526 : vector<1x1x16xf32> to vector<16xf32>
            %add3A_528 = arith.addf %scan3A_465, %get3A_527 : vector<16xf32>
            %add3A_529 = arith.constant 2 : i32
            %add3A_530 = arith.addi %add3A_529, %select_n3A_378 : i32
            %get3A_531 = arith.index_cast %add3A_530 : i32 to index
            %get3A_532 = arith.index_cast %add3A_473 : i32 to index
            %get3A_533 = arith.constant 112 : index
            %get3A_534 = tpu.vector_load %arg6[%get3A_531, %get3A_532, %get3A_533] {strides = array<i32>} : memref<6x128x128xf32, #tpu.memory_space<vmem>>, vector<1x1x16xf32>,
            %get3A_535 = vector.shape_cast %get3A_534 : vector<1x1x16xf32> to vector<16xf32>
            %add3A_536 = arith.addf %scan3A_466, %get3A_535 : vector<16xf32>
            %mul3A_537 = arith.constant 32 : i32
            %mul3A_538 = arith.muli %sub3A_381, %mul3A_537 : i32
            %mul3A_539 = arith.constant 4 : i32
            %mul3A_540 = arith.muli %scan3A_458, %mul3A_539 : i32
            %add3A_541 = arith.addi %mul3A_538, %mul3A_540 : i32
            %add3A_542 = arith.constant 1 : i32
            %add3A_543 = arith.addi %add3A_541, %add3A_542 : i32
            %add3A_544 = arith.constant 2 : i32
            %add3A_545 = arith.addi %add3A_544, %select_n3A_378 : i32
            %get3A_546 = arith.index_cast %add3A_545 : i32 to index
            %get3A_547 = arith.index_cast %add3A_543 : i32 to index
            %get3A_548 = arith.constant 0 : index
            %get3A_549 = tpu.vector_load %arg6[%get3A_546, %get3A_547, %get3A_548] {strides = array<i32>} : memref<6x128x128xf32, #tpu.memory_space<vmem>>, vector<1x1x16xf32>,
            %get3A_550 = vector.shape_cast %get3A_549 : vector<1x1x16xf32> to vector<16xf32>
            %add3A_551 = arith.addf %add3A_480, %get3A_550 : vector<16xf32>
            %add3A_552 = arith.constant 2 : i32
            %add3A_553 = arith.addi %add3A_552, %select_n3A_378 : i32
            %get3A_554 = arith.index_cast %add3A_553 : i32 to index
            %get3A_555 = arith.index_cast %add3A_543 : i32 to index
            %get3A_556 = arith.constant 16 : index
            %get3A_557 = tpu.vector_load %arg6[%get3A_554, %get3A_555, %get3A_556] {strides = array<i32>} : memref<6x128x128xf32, #tpu.memory_space<vmem>>, vector<1x1x16xf32>,
            %get3A_558 = vector.shape_cast %get3A_557 : vector<1x1x16xf32> to vector<16xf32>
            %add3A_559 = arith.addf %add3A_488, %get3A_558 : vector<16xf32>
            %add3A_560 = arith.constant 2 : i32
            %add3A_561 = arith.addi %add3A_560, %select_n3A_378 : i32
            %get3A_562 = arith.index_cast %add3A_561 : i32 to index
            %get3A_563 = arith.index_cast %add3A_543 : i32 to index
            %get3A_564 = arith.constant 32 : index
            %get3A_565 = tpu.vector_load %arg6[%get3A_562, %get3A_563, %get3A_564] {strides = array<i32>} : memref<6x128x128xf32, #tpu.memory_space<vmem>>, vector<1x1x16xf32>,
            %get3A_566 = vector.shape_cast %get3A_565 : vector<1x1x16xf32> to vector<16xf32>
            %add3A_567 = arith.addf %add3A_496, %get3A_566 : vector<16xf32>
            %add3A_568 = arith.constant 2 : i32
            %add3A_569 = arith.addi %add3A_568, %select_n3A_378 : i32
            %get3A_570 = arith.index_cast %add3A_569 : i32 to index
            %get3A_571 = arith.index_cast %add3A_543 : i32 to index
            %get3A_572 = arith.constant 48 : index
            %get3A_573 = tpu.vector_load %arg6[%get3A_570, %get3A_571, %get3A_572] {strides = array<i32>} : memref<6x128x128xf32, #tpu.memory_space<vmem>>, vector<1x1x16xf32>,
            %get3A_574 = vector.shape_cast %get3A_573 : vector<1x1x16xf32> to vector<16xf32>
            %add3A_575 = arith.addf %add3A_504, %get3A_574 : vector<16xf32>
            %add3A_576 = arith.constant 2 : i32
            %add3A_577 = arith.addi %add3A_576, %select_n3A_378 : i32
            %get3A_578 = arith.index_cast %add3A_577 : i32 to index
            %get3A_579 = arith.index_cast %add3A_543 : i32 to index
            %get3A_580 = arith.constant 64 : index
            %get3A_581 = tpu.vector_load %arg6[%get3A_578, %get3A_579, %get3A_580] {strides = array<i32>} : memref<6x128x128xf32, #tpu.memory_space<vmem>>, vector<1x1x16xf32>,
            %get3A_582 = vector.shape_cast %get3A_581 : vector<1x1x16xf32> to vector<16xf32>
            %add3A_583 = arith.addf %add3A_512, %get3A_582 : vector<16xf32>
            %add3A_584 = arith.constant 2 : i32
            %add3A_585 = arith.addi %add3A_584, %select_n3A_378 : i32
            %get3A_586 = arith.index_cast %add3A_585 : i32 to index
            %get3A_587 = arith.index_cast %add3A_543 : i32 to index
            %get3A_588 = arith.constant 80 : index
            %get3A_589 = tpu.vector_load %arg6[%get3A_586, %get3A_587, %get3A_588] {strides = array<i32>} : memref<6x128x128xf32, #tpu.memory_space<vmem>>, vector<1x1x16xf32>,
            %get3A_590 = vector.shape_cast %get3A_589 : vector<1x1x16xf32> to vector<16xf32>
            %add3A_591 = arith.addf %add3A_520, %get3A_590 : vector<16xf32>
            %add3A_592 = arith.constant 2 : i32
            %add3A_593 = arith.addi %add3A_592, %select_n3A_378 : i32
            %get3A_594 = arith.index_cast %add3A_593 : i32 to index
            %get3A_595 = arith.index_cast %add3A_543 : i32 to index
            %get3A_596 = arith.constant 96 : index
            %get3A_597 = tpu.vector_load %arg6[%get3A_594, %get3A_595, %get3A_596] {strides = array<i32>} : memref<6x128x128xf32, #tpu.memory_space<vmem>>, vector<1x1x16xf32>,
            %get3A_598 = vector.shape_cast %get3A_597 : vector<1x1x16xf32> to vector<16xf32>
            %add3A_599 = arith.addf %add3A_528, %get3A_598 : vector<16xf32>
            %add3A_600 = arith.constant 2 : i32
            %add3A_601 = arith.addi %add3A_600, %select_n3A_378 : i32
            %get3A_602 = arith.index_cast %add3A_601 : i32 to index
            %get3A_603 = arith.index_cast %add3A_543 : i32 to index
            %get3A_604 = arith.constant 112 : index
            %get3A_605 = tpu.vector_load %arg6[%get3A_602, %get3A_603, %get3A_604] {strides = array<i32>} : memref<6x128x128xf32, #tpu.memory_space<vmem>>, vector<1x1x16xf32>,
            %get3A_606 = vector.shape_cast %get3A_605 : vector<1x1x16xf32> to vector<16xf32>
            %add3A_607 = arith.addf %add3A_536, %get3A_606 : vector<16xf32>
            %mul3A_608 = arith.constant 32 : i32
            %mul3A_609 = arith.muli %sub3A_381, %mul3A_608 : i32
            %mul3A_610 = arith.constant 4 : i32
            %mul3A_611 = arith.muli %scan3A_458, %mul3A_610 : i32
            %add3A_612 = arith.addi %mul3A_609, %mul3A_611 : i32
            %add3A_613 = arith.constant 2 : i32
            %add3A_614 = arith.addi %add3A_612, %add3A_613 : i32
            %add3A_615 = arith.constant 2 : i32
            %add3A_616 = arith.addi %add3A_615, %select_n3A_378 : i32
            %get3A_617 = arith.index_cast %add3A_616 : i32 to index
            %get3A_618 = arith.index_cast %add3A_614 : i32 to index
            %get3A_619 = arith.constant 0 : index
            %get3A_620 = tpu.vector_load %arg6[%get3A_617, %get3A_618, %get3A_619] {strides = array<i32>} : memref<6x128x128xf32, #tpu.memory_space<vmem>>, vector<1x1x16xf32>,
            %get3A_621 = vector.shape_cast %get3A_620 : vector<1x1x16xf32> to vector<16xf32>
            %add3A_622 = arith.addf %add3A_551, %get3A_621 : vector<16xf32>
            %add3A_623 = arith.constant 2 : i32
            %add3A_624 = arith.addi %add3A_623, %select_n3A_378 : i32
            %get3A_625 = arith.index_cast %add3A_624 : i32 to index
            %get3A_626 = arith.index_cast %add3A_614 : i32 to index
            %get3A_627 = arith.constant 16 : index
            %get3A_628 = tpu.vector_load %arg6[%get3A_625, %get3A_626, %get3A_627] {strides = array<i32>} : memref<6x128x128xf32, #tpu.memory_space<vmem>>, vector<1x1x16xf32>,
            %get3A_629 = vector.shape_cast %get3A_628 : vector<1x1x16xf32> to vector<16xf32>
            %add3A_630 = arith.addf %add3A_559, %get3A_629 : vector<16xf32>
            %add3A_631 = arith.constant 2 : i32
            %add3A_632 = arith.addi %add3A_631, %select_n3A_378 : i32
            %get3A_633 = arith.index_cast %add3A_632 : i32 to index
            %get3A_634 = arith.index_cast %add3A_614 : i32 to index
            %get3A_635 = arith.constant 32 : index
            %get3A_636 = tpu.vector_load %arg6[%get3A_633, %get3A_634, %get3A_635] {strides = array<i32>} : memref<6x128x128xf32, #tpu.memory_space<vmem>>, vector<1x1x16xf32>,
            %get3A_637 = vector.shape_cast %get3A_636 : vector<1x1x16xf32> to vector<16xf32>
            %add3A_638 = arith.addf %add3A_567, %get3A_637 : vector<16xf32>
            %add3A_639 = arith.constant 2 : i32
            %add3A_640 = arith.addi %add3A_639, %select_n3A_378 : i32
            %get3A_641 = arith.index_cast %add3A_640 : i32 to index
            %get3A_642 = arith.index_cast %add3A_614 : i32 to index
            %get3A_643 = arith.constant 48 : index
            %get3A_644 = tpu.vector_load %arg6[%get3A_641, %get3A_642, %get3A_643] {strides = array<i32>} : memref<6x128x128xf32, #tpu.memory_space<vmem>>, vector<1x1x16xf32>,
            %get3A_645 = vector.shape_cast %get3A_644 : vector<1x1x16xf32> to vector<16xf32>
            %add3A_646 = arith.addf %add3A_575, %get3A_645 : vector<16xf32>
            %add3A_647 = arith.constant 2 : i32
            %add3A_648 = arith.addi %add3A_647, %select_n3A_378 : i32
            %get3A_649 = arith.index_cast %add3A_648 : i32 to index
            %get3A_650 = arith.index_cast %add3A_614 : i32 to index
            %get3A_651 = arith.constant 64 : index
            %get3A_652 = tpu.vector_load %arg6[%get3A_649, %get3A_650, %get3A_651] {strides = array<i32>} : memref<6x128x128xf32, #tpu.memory_space<vmem>>, vector<1x1x16xf32>,
            %get3A_653 = vector.shape_cast %get3A_652 : vector<1x1x16xf32> to vector<16xf32>
            %add3A_654 = arith.addf %add3A_583, %get3A_653 : vector<16xf32>
            %add3A_655 = arith.constant 2 : i32
            %add3A_656 = arith.addi %add3A_655, %select_n3A_378 : i32
            %get3A_657 = arith.index_cast %add3A_656 : i32 to index
            %get3A_658 = arith.index_cast %add3A_614 : i32 to index
            %get3A_659 = arith.constant 80 : index
            %get3A_660 = tpu.vector_load %arg6[%get3A_657, %get3A_658, %get3A_659] {strides = array<i32>} : memref<6x128x128xf32, #tpu.memory_space<vmem>>, vector<1x1x16xf32>,
            %get3A_661 = vector.shape_cast %get3A_660 : vector<1x1x16xf32> to vector<16xf32>
            %add3A_662 = arith.addf %add3A_591, %get3A_661 : vector<16xf32>
            %add3A_663 = arith.constant 2 : i32
            %add3A_664 = arith.addi %add3A_663, %select_n3A_378 : i32
            %get3A_665 = arith.index_cast %add3A_664 : i32 to index
            %get3A_666 = arith.index_cast %add3A_614 : i32 to index
            %get3A_667 = arith.constant 96 : index
            %get3A_668 = tpu.vector_load %arg6[%get3A_665, %get3A_666, %get3A_667] {strides = array<i32>} : memref<6x128x128xf32, #tpu.memory_space<vmem>>, vector<1x1x16xf32>,
            %get3A_669 = vector.shape_cast %get3A_668 : vector<1x1x16xf32> to vector<16xf32>
            %add3A_670 = arith.addf %add3A_599, %get3A_669 : vector<16xf32>
            %add3A_671 = arith.constant 2 : i32
            %add3A_672 = arith.addi %add3A_671, %select_n3A_378 : i32
            %get3A_673 = arith.index_cast %add3A_672 : i32 to index
            %get3A_674 = arith.index_cast %add3A_614 : i32 to index
            %get3A_675 = arith.constant 112 : index
            %get3A_676 = tpu.vector_load %arg6[%get3A_673, %get3A_674, %get3A_675] {strides = array<i32>} : memref<6x128x128xf32, #tpu.memory_space<vmem>>, vector<1x1x16xf32>,
            %get3A_677 = vector.shape_cast %get3A_676 : vector<1x1x16xf32> to vector<16xf32>
            %add3A_678 = arith.addf %add3A_607, %get3A_677 : vector<16xf32>
            %mul3A_679 = arith.constant 32 : i32
            %mul3A_680 = arith.muli %sub3A_381, %mul3A_679 : i32
            %mul3A_681 = arith.constant 4 : i32
            %mul3A_682 = arith.muli %scan3A_458, %mul3A_681 : i32
            %add3A_683 = arith.addi %mul3A_680, %mul3A_682 : i32
            %add3A_684 = arith.constant 3 : i32
            %add3A_685 = arith.addi %add3A_683, %add3A_684 : i32
            %add3A_686 = arith.constant 2 : i32
            %add3A_687 = arith.addi %add3A_686, %select_n3A_378 : i32
            %get3A_688 = arith.index_cast %add3A_687 : i32 to index
            %get3A_689 = arith.index_cast %add3A_685 : i32 to index
            %get3A_690 = arith.constant 0 : index
            %get3A_691 = tpu.vector_load %arg6[%get3A_688, %get3A_689, %get3A_690] {strides = array<i32>} : memref<6x128x128xf32, #tpu.memory_space<vmem>>, vector<1x1x16xf32>,
            %get3A_692 = vector.shape_cast %get3A_691 : vector<1x1x16xf32> to vector<16xf32>
            %add3A_693 = arith.addf %add3A_622, %get3A_692 : vector<16xf32>
            %add3A_694 = arith.constant 2 : i32
            %add3A_695 = arith.addi %add3A_694, %select_n3A_378 : i32
            %get3A_696 = arith.index_cast %add3A_695 : i32 to index
            %get3A_697 = arith.index_cast %add3A_685 : i32 to index
            %get3A_698 = arith.constant 16 : index
            %get3A_699 = tpu.vector_load %arg6[%get3A_696, %get3A_697, %get3A_698] {strides = array<i32>} : memref<6x128x128xf32, #tpu.memory_space<vmem>>, vector<1x1x16xf32>,
            %get3A_700 = vector.shape_cast %get3A_699 : vector<1x1x16xf32> to vector<16xf32>
            %add3A_701 = arith.addf %add3A_630, %get3A_700 : vector<16xf32>
            %add3A_702 = arith.constant 2 : i32
            %add3A_703 = arith.addi %add3A_702, %select_n3A_378 : i32
            %get3A_704 = arith.index_cast %add3A_703 : i32 to index
            %get3A_705 = arith.index_cast %add3A_685 : i32 to index
            %get3A_706 = arith.constant 32 : index
            %get3A_707 = tpu.vector_load %arg6[%get3A_704, %get3A_705, %get3A_706] {strides = array<i32>} : memref<6x128x128xf32, #tpu.memory_space<vmem>>, vector<1x1x16xf32>,
            %get3A_708 = vector.shape_cast %get3A_707 : vector<1x1x16xf32> to vector<16xf32>
            %add3A_709 = arith.addf %add3A_638, %get3A_708 : vector<16xf32>
            %add3A_710 = arith.constant 2 : i32
            %add3A_711 = arith.addi %add3A_710, %select_n3A_378 : i32
            %get3A_712 = arith.index_cast %add3A_711 : i32 to index
            %get3A_713 = arith.index_cast %add3A_685 : i32 to index
            %get3A_714 = arith.constant 48 : index
            %get3A_715 = tpu.vector_load %arg6[%get3A_712, %get3A_713, %get3A_714] {strides = array<i32>} : memref<6x128x128xf32, #tpu.memory_space<vmem>>, vector<1x1x16xf32>,
            %get3A_716 = vector.shape_cast %get3A_715 : vector<1x1x16xf32> to vector<16xf32>
            %add3A_717 = arith.addf %add3A_646, %get3A_716 : vector<16xf32>
            %add3A_718 = arith.constant 2 : i32
            %add3A_719 = arith.addi %add3A_718, %select_n3A_378 : i32
            %get3A_720 = arith.index_cast %add3A_719 : i32 to index
            %get3A_721 = arith.index_cast %add3A_685 : i32 to index
            %get3A_722 = arith.constant 64 : index
            %get3A_723 = tpu.vector_load %arg6[%get3A_720, %get3A_721, %get3A_722] {strides = array<i32>} : memref<6x128x128xf32, #tpu.memory_space<vmem>>, vector<1x1x16xf32>,
            %get3A_724 = vector.shape_cast %get3A_723 : vector<1x1x16xf32> to vector<16xf32>
            %add3A_725 = arith.addf %add3A_654, %get3A_724 : vector<16xf32>
            %add3A_726 = arith.constant 2 : i32
            %add3A_727 = arith.addi %add3A_726, %select_n3A_378 : i32
            %get3A_728 = arith.index_cast %add3A_727 : i32 to index
            %get3A_729 = arith.index_cast %add3A_685 : i32 to index
            %get3A_730 = arith.constant 80 : index
            %get3A_731 = tpu.vector_load %arg6[%get3A_728, %get3A_729, %get3A_730] {strides = array<i32>} : memref<6x128x128xf32, #tpu.memory_space<vmem>>, vector<1x1x16xf32>,
            %get3A_732 = vector.shape_cast %get3A_731 : vector<1x1x16xf32> to vector<16xf32>
            %add3A_733 = arith.addf %add3A_662, %get3A_732 : vector<16xf32>
            %add3A_734 = arith.constant 2 : i32
            %add3A_735 = arith.addi %add3A_734, %select_n3A_378 : i32
            %get3A_736 = arith.index_cast %add3A_735 : i32 to index
            %get3A_737 = arith.index_cast %add3A_685 : i32 to index
            %get3A_738 = arith.constant 96 : index
            %get3A_739 = tpu.vector_load %arg6[%get3A_736, %get3A_737, %get3A_738] {strides = array<i32>} : memref<6x128x128xf32, #tpu.memory_space<vmem>>, vector<1x1x16xf32>,
            %get3A_740 = vector.shape_cast %get3A_739 : vector<1x1x16xf32> to vector<16xf32>
            %add3A_741 = arith.addf %add3A_670, %get3A_740 : vector<16xf32>
            %add3A_742 = arith.constant 2 : i32
            %add3A_743 = arith.addi %add3A_742, %select_n3A_378 : i32
            %get3A_744 = arith.index_cast %add3A_743 : i32 to index
            %get3A_745 = arith.index_cast %add3A_685 : i32 to index
            %get3A_746 = arith.constant 112 : index
            %get3A_747 = tpu.vector_load %arg6[%get3A_744, %get3A_745, %get3A_746] {strides = array<i32>} : memref<6x128x128xf32, #tpu.memory_space<vmem>>, vector<1x1x16xf32>,
            %get3A_748 = vector.shape_cast %get3A_747 : vector<1x1x16xf32> to vector<16xf32>
            %add3A_749 = arith.addf %add3A_678, %get3A_748 : vector<16xf32>
            scf.yield %add3A_693, %add3A_701, %add3A_709, %add3A_717, %add3A_725, %add3A_733, %add3A_741, %add3A_749 : vector<16xf32>, vector<16xf32>, vector<16xf32>, vector<16xf32>, vector<16xf32>, vector<16xf32>, vector<16xf32>, vector<16xf32>
          }
          %scan3A_402 = arith.constant 8 : i32
          %swap3A = arith.constant 1 : i32
          %swap3A_403 = arith.index_cast %swap3A : i32 to index
          %swap3A_404 = arith.index_cast %scan3A_354 : i32 to index
          %swap3A_405 = arith.constant 0 : index
          %swap3A_406 = tpu.vector_load %arg7[%swap3A_403, %swap3A_404, %swap3A_405] {strides = array<i32>} : memref<3x8x128xf32, #tpu.memory_space<vmem>>, vector<1x1x16xf32>,
          %swap3A_407 = vector.shape_cast %swap3A_406 : vector<1x1x16xf32> to vector<16xf32>
          %swap3A_408 = vector.shape_cast %scan3A_401#0 : vector<16xf32> to vector<1x1x16xf32>
          tpu.vector_store %arg7[%swap3A_403, %swap3A_404, %swap3A_405], %swap3A_408 {strides = array<i32>} : memref<3x8x128xf32, #tpu.memory_space<vmem>>, vector<1x1x16xf32>,
          %swap3A_409 = arith.constant 1 : i32
          %swap3A_410 = arith.index_cast %swap3A_409 : i32 to index
          %swap3A_411 = arith.index_cast %scan3A_354 : i32 to index
          %swap3A_412 = arith.constant 16 : index
          %swap3A_413 = tpu.vector_load %arg7[%swap3A_410, %swap3A_411, %swap3A_412] {strides = array<i32>} : memref<3x8x128xf32, #tpu.memory_space<vmem>>, vector<1x1x16xf32>,
          %swap3A_414 = vector.shape_cast %swap3A_413 : vector<1x1x16xf32> to vector<16xf32>
          %swap3A_415 = vector.shape_cast %scan3A_401#1 : vector<16xf32> to vector<1x1x16xf32>
          tpu.vector_store %arg7[%swap3A_410, %swap3A_411, %swap3A_412], %swap3A_415 {strides = array<i32>} : memref<3x8x128xf32, #tpu.memory_space<vmem>>, vector<1x1x16xf32>,
          %swap3A_416 = arith.constant 1 : i32
          %swap3A_417 = arith.index_cast %swap3A_416 : i32 to index
          %swap3A_418 = arith.index_cast %scan3A_354 : i32 to index
          %swap3A_419 = arith.constant 32 : index
          %swap3A_420 = tpu.vector_load %arg7[%swap3A_417, %swap3A_418, %swap3A_419] {strides = array<i32>} : memref<3x8x128xf32, #tpu.memory_space<vmem>>, vector<1x1x16xf32>,
          %swap3A_421 = vector.shape_cast %swap3A_420 : vector<1x1x16xf32> to vector<16xf32>
          %swap3A_422 = vector.shape_cast %scan3A_401#2 : vector<16xf32> to vector<1x1x16xf32>
          tpu.vector_store %arg7[%swap3A_417, %swap3A_418, %swap3A_419], %swap3A_422 {strides = array<i32>} : memref<3x8x128xf32, #tpu.memory_space<vmem>>, vector<1x1x16xf32>,
          %swap3A_423 = arith.constant 1 : i32
          %swap3A_424 = arith.index_cast %swap3A_423 : i32 to index
          %swap3A_425 = arith.index_cast %scan3A_354 : i32 to index
          %swap3A_426 = arith.constant 48 : index
          %swap3A_427 = tpu.vector_load %arg7[%swap3A_424, %swap3A_425, %swap3A_426] {strides = array<i32>} : memref<3x8x128xf32, #tpu.memory_space<vmem>>, vector<1x1x16xf32>,
          %swap3A_428 = vector.shape_cast %swap3A_427 : vector<1x1x16xf32> to vector<16xf32>
          %swap3A_429 = vector.shape_cast %scan3A_401#3 : vector<16xf32> to vector<1x1x16xf32>
          tpu.vector_store %arg7[%swap3A_424, %swap3A_425, %swap3A_426], %swap3A_429 {strides = array<i32>} : memref<3x8x128xf32, #tpu.memory_space<vmem>>, vector<1x1x16xf32>,
          %swap3A_430 = arith.constant 1 : i32
          %swap3A_431 = arith.index_cast %swap3A_430 : i32 to index
          %swap3A_432 = arith.index_cast %scan3A_354 : i32 to index
          %swap3A_433 = arith.constant 64 : index
          %swap3A_434 = tpu.vector_load %arg7[%swap3A_431, %swap3A_432, %swap3A_433] {strides = array<i32>} : memref<3x8x128xf32, #tpu.memory_space<vmem>>, vector<1x1x16xf32>,
          %swap3A_435 = vector.shape_cast %swap3A_434 : vector<1x1x16xf32> to vector<16xf32>
          %swap3A_436 = vector.shape_cast %scan3A_401#4 : vector<16xf32> to vector<1x1x16xf32>
          tpu.vector_store %arg7[%swap3A_431, %swap3A_432, %swap3A_433], %swap3A_436 {strides = array<i32>} : memref<3x8x128xf32, #tpu.memory_space<vmem>>, vector<1x1x16xf32>,
          %swap3A_437 = arith.constant 1 : i32
          %swap3A_438 = arith.index_cast %swap3A_437 : i32 to index
          %swap3A_439 = arith.index_cast %scan3A_354 : i32 to index
          %swap3A_440 = arith.constant 80 : index
          %swap3A_441 = tpu.vector_load %arg7[%swap3A_438, %swap3A_439, %swap3A_440] {strides = array<i32>} : memref<3x8x128xf32, #tpu.memory_space<vmem>>, vector<1x1x16xf32>,
          %swap3A_442 = vector.shape_cast %swap3A_441 : vector<1x1x16xf32> to vector<16xf32>
          %swap3A_443 = vector.shape_cast %scan3A_401#5 : vector<16xf32> to vector<1x1x16xf32>
          tpu.vector_store %arg7[%swap3A_438, %swap3A_439, %swap3A_440], %swap3A_443 {strides = array<i32>} : memref<3x8x128xf32, #tpu.memory_space<vmem>>, vector<1x1x16xf32>,
          %swap3A_444 = arith.constant 1 : i32
          %swap3A_445 = arith.index_cast %swap3A_444 : i32 to index
          %swap3A_446 = arith.index_cast %scan3A_354 : i32 to index
          %swap3A_447 = arith.constant 96 : index
          %swap3A_448 = tpu.vector_load %arg7[%swap3A_445, %swap3A_446, %swap3A_447] {strides = array<i32>} : memref<3x8x128xf32, #tpu.memory_space<vmem>>, vector<1x1x16xf32>,
          %swap3A_449 = vector.shape_cast %swap3A_448 : vector<1x1x16xf32> to vector<16xf32>
          %swap3A_450 = vector.shape_cast %scan3A_401#6 : vector<16xf32> to vector<1x1x16xf32>
          tpu.vector_store %arg7[%swap3A_445, %swap3A_446, %swap3A_447], %swap3A_450 {strides = array<i32>} : memref<3x8x128xf32, #tpu.memory_space<vmem>>, vector<1x1x16xf32>,
          %swap3A_451 = arith.constant 1 : i32
          %swap3A_452 = arith.index_cast %swap3A_451 : i32 to index
          %swap3A_453 = arith.index_cast %scan3A_354 : i32 to index
          %swap3A_454 = arith.constant 112 : index
          %swap3A_455 = tpu.vector_load %arg7[%swap3A_452, %swap3A_453, %swap3A_454] {strides = array<i32>} : memref<3x8x128xf32, #tpu.memory_space<vmem>>, vector<1x1x16xf32>,
          %swap3A_456 = vector.shape_cast %swap3A_455 : vector<1x1x16xf32> to vector<16xf32>
          %swap3A_457 = vector.shape_cast %scan3A_401#7 : vector<16xf32> to vector<1x1x16xf32>
          tpu.vector_store %arg7[%swap3A_452, %swap3A_453, %swap3A_454], %swap3A_457 {strides = array<i32>} : memref<3x8x128xf32, #tpu.memory_space<vmem>>, vector<1x1x16xf32>,
        }
        %scan3A_335 = arith.constant 8 : i32
        %mul3A_336 = arith.constant 32 : i32
        %mul3A_337 = arith.muli %add3A_275, %mul3A_336 : i32
        %add3A_338 = arith.addi %mul3A_337, %add3A : i32
        %mul3A_339 = arith.constant 8 : i32
        %mul3A_340 = arith.muli %add3A_338, %mul3A_339 : i32
        %dma_start3A_341 = arith.constant 1 : i32
        %dma_start3A_342 = arith.constant 0 : i32
        %dma_start3A_343 = arith.constant 0 : i32
        %dma_start3A_344 = tpu.memref_slice %arg7[%dma_start3A_341, %dma_start3A_342, %dma_start3A_343] : memref<3x8x128xf32, #tpu.memory_space<vmem>> -> memref<1x8x128xf32, #tpu.memory_space<vmem>>
        %dma_start3A_345 = tpu.memref_squeeze %dma_start3A_344 : memref<1x8x128xf32, #tpu.memory_space<vmem>> -> memref<8x128xf32, #tpu.memory_space<vmem>>
        %dma_start3A_346 = arith.constant 0 : i32
        %dma_start3A_347 = tpu.memref_slice %arg4[%mul3A_340, %dma_start3A_346] : memref<10000x128xf32, #tpu.memory_space<hbm>> -> memref<8x128xf32, #tpu.memory_space<hbm>>
        %dma_start3A_348 = arith.constant 0 : i32
        %dma_start3A_349 = tpu.memref_slice %arg4[%mul3A_340, %dma_start3A_348] : memref<10000x128xf32, #tpu.memory_space<hbm>> -> memref<8x128xf32, #tpu.memory_space<hbm>>
        %dma_start3A_350 = arith.constant 0 : i32
        %dma_start3A_351 = arith.constant 0 : i32
        %dma_start3A_352 = tpu.memref_slice %arg7[%dma_start3A_341, %dma_start3A_350, %dma_start3A_351] : memref<3x8x128xf32, #tpu.memory_space<vmem>> -> memref<1x8x128xf32, #tpu.memory_space<vmem>>
        %dma_start3A_353 = tpu.memref_squeeze %dma_start3A_352 : memref<1x8x128xf32, #tpu.memory_space<vmem>> -> memref<8x128xf32, #tpu.memory_space<vmem>>
        tpu.enqueue_dma source(%dma_start3A_353 : memref<8x128xf32, #tpu.memory_space<vmem>>) target(%dma_start3A_349 : memref<8x128xf32, #tpu.memory_space<hbm>>) target_semaphore(%arg18 : memref<!tpu.dma_semaphore, #tpu.memory_space<semaphore_mem>>)
      } else {
      }
      %mul3A_280 = arith.constant 3 : i32
      %mul3A_281 = arith.muli %scan3A_265, %mul3A_280 : i32
      %add3A_282 = arith.constant 2 : i32
      %add3A_283 = arith.addi %mul3A_281, %add3A_282 : i32
      %lt3A_284 = arith.cmpi slt, %add3A_283, %select_n3A : i32
      %convert_element_type3A_285 = arith.extui %lt3A_284 : i1 to i32
      %cond3A_286 = arith.constant 0 : i32
      %cond3A_287 = arith.cmpi ne, %convert_element_type3A_285, %cond3A_286 : i32
      scf.if %cond3A_287 {
        %dma_wait3A_288 = arith.constant 4 : i32
        %dma_wait3A_289 = arith.constant 4 : i32
        %dma_wait3A_290 = arith.constant 0 : i32
        %dma_wait3A_291 = arith.constant 0 : i32
        %dma_wait3A_292 = tpu.memref_slice %arg6[%dma_wait3A_289, %dma_wait3A_290, %dma_wait3A_291] : memref<6x128x128xf32, #tpu.memory_space<vmem>> -> memref<1x128x128xf32, #tpu.memory_space<vmem>>
        %dma_wait3A_293 = tpu.memref_squeeze %dma_wait3A_292 : memref<1x128x128xf32, #tpu.memory_space<vmem>> -> memref<128x128xf32, #tpu.memory_space<vmem>>
        %dma_wait3A_294 = arith.constant 0 : i32
        %dma_wait3A_295 = tpu.memref_slice %arg5[%dma_wait3A_288, %dma_wait3A_294] : memref<6x128xi32, #tpu.memory_space<vmem>> -> memref<1x128xi32, #tpu.memory_space<vmem>>
        %dma_wait3A_296 = tpu.memref_squeeze %dma_wait3A_295 : memref<1x128xi32, #tpu.memory_space<vmem>> -> memref<128xi32, #tpu.memory_space<vmem>>
        %dma_wait3A_297 = arith.constant 0 : i32
        %dma_wait3A_298 = arith.constant 0 : i32
        %dma_wait3A_299 = tpu.memref_slice %arg3[%dma_wait3A_297, %dma_wait3A_298] : memref<10000x128xf32, #tpu.memory_space<hbm>> -> memref<10000x128xf32, #tpu.memory_space<hbm>>
        tpu.wait_indirect_dma semaphore(%arg15 : memref<!tpu.dma_semaphore, #tpu.memory_space<semaphore_mem>>) src(%dma_wait3A_299 : memref<10000x128xf32, #tpu.memory_space<hbm>>) dst(%dma_wait3A_293 : memref<128x128xf32, #tpu.memory_space<vmem>>)
        %dma_wait3A_300 = arith.constant 5 : i32
        %dma_wait3A_301 = arith.constant 5 : i32
        %dma_wait3A_302 = arith.constant 0 : i32
        %dma_wait3A_303 = arith.constant 0 : i32
        %dma_wait3A_304 = tpu.memref_slice %arg6[%dma_wait3A_301, %dma_wait3A_302, %dma_wait3A_303] : memref<6x128x128xf32, #tpu.memory_space<vmem>> -> memref<1x128x128xf32, #tpu.memory_space<vmem>>
        %dma_wait3A_305 = tpu.memref_squeeze %dma_wait3A_304 : memref<1x128x128xf32, #tpu.memory_space<vmem>> -> memref<128x128xf32, #tpu.memory_space<vmem>>
        %dma_wait3A_306 = arith.constant 0 : i32
        %dma_wait3A_307 = tpu.memref_slice %arg5[%dma_wait3A_300, %dma_wait3A_306] : memref<6x128xi32, #tpu.memory_space<vmem>> -> memref<1x128xi32, #tpu.memory_space<vmem>>
        %dma_wait3A_308 = tpu.memref_squeeze %dma_wait3A_307 : memref<1x128xi32, #tpu.memory_space<vmem>> -> memref<128xi32, #tpu.memory_space<vmem>>
        %dma_wait3A_309 = arith.constant 0 : i32
        %dma_wait3A_310 = arith.constant 0 : i32
        %dma_wait3A_311 = tpu.memref_slice %arg3[%dma_wait3A_309, %dma_wait3A_310] : memref<10000x128xf32, #tpu.memory_space<hbm>> -> memref<10000x128xf32, #tpu.memory_space<hbm>>
        tpu.wait_indirect_dma semaphore(%arg16 : memref<!tpu.dma_semaphore, #tpu.memory_space<semaphore_mem>>) src(%dma_wait3A_311 : memref<10000x128xf32, #tpu.memory_space<hbm>>) dst(%dma_wait3A_305 : memref<128x128xf32, #tpu.memory_space<vmem>>)
        %add3A_312 = arith.constant 3 : i32
        %add3A_313 = arith.addi %add3A_283, %add3A_312 : i32
        %lt3A_314 = arith.cmpi slt, %add3A_313, %select_n3A : i32
        %convert_element_type3A_315 = arith.extui %lt3A_314 : i1 to i32
        %cond3A_316 = arith.constant 0 : i32
        %cond3A_317 = arith.cmpi ne, %convert_element_type3A_315, %cond3A_316 : i32
        scf.if %cond3A_317 {
          %add3A_354 = arith.constant 3 : i32
          %add3A_355 = arith.addi %add3A_283, %add3A_354 : i32
          %mul3A_356 = arith.constant 32 : i32
          %mul3A_357 = arith.muli %add3A_355, %mul3A_356 : i32
          %add3A_358 = arith.addi %mul3A_357, %add3A : i32
          %mul3A_359 = arith.constant 2 : i32
          %mul3A_360 = arith.muli %add3A_358, %mul3A_359 : i32
          %dma_start3A_361 = arith.constant 4 : i32
          %dma_start3A_362 = arith.constant 0 : i32
          %dma_start3A_363 = tpu.memref_slice %arg5[%dma_start3A_361, %dma_start3A_362] : memref<6x128xi32, #tpu.memory_space<vmem>> -> memref<2x128xi32, #tpu.memory_space<vmem>>
          %dma_start3A_364 = arith.constant 0 : i32
          %dma_start3A_365 = tpu.memref_slice %arg2[%mul3A_360, %dma_start3A_364] : memref<2500x128xi32, #tpu.memory_space<hbm>> -> memref<2x128xi32, #tpu.memory_space<hbm>>
          %dma_start3A_366 = arith.constant 4 : i32
          %dma_start3A_367 = arith.constant 0 : i32
          %dma_start3A_368 = tpu.memref_slice %arg5[%dma_start3A_366, %dma_start3A_367] : memref<6x128xi32, #tpu.memory_space<vmem>> -> memref<2x128xi32, #tpu.memory_space<vmem>>
          %dma_start3A_369 = arith.constant 0 : i32
          %dma_start3A_370 = tpu.memref_slice %arg2[%mul3A_360, %dma_start3A_369] : memref<2500x128xi32, #tpu.memory_space<hbm>> -> memref<2x128xi32, #tpu.memory_space<hbm>>
          tpu.enqueue_dma source(%dma_start3A_370 : memref<2x128xi32, #tpu.memory_space<hbm>>) target(%dma_start3A_368 : memref<2x128xi32, #tpu.memory_space<vmem>>) target_semaphore(%arg10 : memref<!tpu.dma_semaphore, #tpu.memory_space<semaphore_mem>>)
        } else {
        }
        %add3A_318 = arith.constant 3 : i32
        %add3A_319 = arith.addi %add3A_283, %add3A_318 : i32
        %sub3A_320 = arith.constant 1 : i32
        %sub3A_321 = arith.subi %add3A_319, %sub3A_320 : i32
        %lt3A_322 = arith.cmpi slt, %sub3A_321, %select_n3A : i32
        %convert_element_type3A_323 = arith.extui %lt3A_322 : i1 to i32
        %cond3A_324 = arith.constant 0 : i32
        %cond3A_325 = arith.cmpi ne, %convert_element_type3A_323, %cond3A_324 : i32
        scf.if %cond3A_325 {
          %mul3A_354 = arith.constant 32 : i32
          %mul3A_355 = arith.muli %sub3A_321, %mul3A_354 : i32
          %add3A_356 = arith.addi %mul3A_355, %add3A : i32
          %mul3A_357 = arith.constant 2 : i32
          %mul3A_358 = arith.muli %add3A_356, %mul3A_357 : i32
          %dma_wait3A_359 = arith.constant 2 : i32
          %dma_wait3A_360 = arith.constant 0 : i32
          %dma_wait3A_361 = tpu.memref_slice %arg5[%dma_wait3A_359, %dma_wait3A_360] : memref<6x128xi32, #tpu.memory_space<vmem>> -> memref<2x128xi32, #tpu.memory_space<vmem>>
          %dma_wait3A_362 = arith.constant 0 : i32
          %dma_wait3A_363 = tpu.memref_slice %arg2[%mul3A_358, %dma_wait3A_362] : memref<2500x128xi32, #tpu.memory_space<hbm>> -> memref<2x128xi32, #tpu.memory_space<hbm>>
          %dma_wait3A_364 = arith.constant 2 : i32
          %dma_wait3A_365 = arith.constant 0 : i32
          %dma_wait3A_366 = tpu.memref_slice %arg5[%dma_wait3A_364, %dma_wait3A_365] : memref<6x128xi32, #tpu.memory_space<vmem>> -> memref<2x128xi32, #tpu.memory_space<vmem>>
          %dma_wait3A_367 = arith.constant 0 : i32
          %dma_wait3A_368 = tpu.memref_slice %arg2[%mul3A_358, %dma_wait3A_367] : memref<2500x128xi32, #tpu.memory_space<hbm>> -> memref<2x128xi32, #tpu.memory_space<hbm>>
          tpu.wait_dma2 semaphore(%arg9 : memref<!tpu.dma_semaphore, #tpu.memory_space<semaphore_mem>>) src(%dma_wait3A_368 : memref<2x128xi32, #tpu.memory_space<hbm>>) dst(%dma_wait3A_366 : memref<2x128xi32, #tpu.memory_space<vmem>>)
          %dma_start3A_369 = arith.constant 2 : i32
          %dma_start3A_370 = arith.constant 2 : i32
          %dma_start3A_371 = arith.constant 0 : i32
          %dma_start3A_372 = arith.constant 0 : i32
          %dma_start3A_373 = tpu.memref_slice %arg6[%dma_start3A_370, %dma_start3A_371, %dma_start3A_372] : memref<6x128x128xf32, #tpu.memory_space<vmem>> -> memref<1x128x128xf32, #tpu.memory_space<vmem>>
          %dma_start3A_374 = tpu.memref_squeeze %dma_start3A_373 : memref<1x128x128xf32, #tpu.memory_space<vmem>> -> memref<128x128xf32, #tpu.memory_space<vmem>>
          %dma_start3A_375 = arith.constant 0 : i32
          %dma_start3A_376 = tpu.memref_slice %arg5[%dma_start3A_369, %dma_start3A_375] : memref<6x128xi32, #tpu.memory_space<vmem>> -> memref<1x128xi32, #tpu.memory_space<vmem>>
          %dma_start3A_377 = tpu.memref_squeeze %dma_start3A_376 : memref<1x128xi32, #tpu.memory_space<vmem>> -> memref<128xi32, #tpu.memory_space<vmem>>
          %dma_start3A_378 = arith.constant 0 : i32
          %dma_start3A_379 = arith.constant 0 : i32
          %dma_start3A_380 = tpu.memref_slice %arg3[%dma_start3A_378, %dma_start3A_379] : memref<10000x128xf32, #tpu.memory_space<hbm>> -> memref<10000x128xf32, #tpu.memory_space<hbm>>
          tpu.enqueue_indirect_dma source(%dma_start3A_380 : memref<10000x128xf32, #tpu.memory_space<hbm>>) target(%dma_start3A_374 : memref<128x128xf32, #tpu.memory_space<vmem>>) offsets(%dma_start3A_377 : memref<128xi32, #tpu.memory_space<vmem>>) semaphore(%arg13 : memref<!tpu.dma_semaphore, #tpu.memory_space<semaphore_mem>>)
          %dma_start3A_381 = arith.constant 3 : i32
          %dma_start3A_382 = arith.constant 3 : i32
          %dma_start3A_383 = arith.constant 0 : i32
          %dma_start3A_384 = arith.constant 0 : i32
          %dma_start3A_385 = tpu.memref_slice %arg6[%dma_start3A_382, %dma_start3A_383, %dma_start3A_384] : memref<6x128x128xf32, #tpu.memory_space<vmem>> -> memref<1x128x128xf32, #tpu.memory_space<vmem>>
          %dma_start3A_386 = tpu.memref_squeeze %dma_start3A_385 : memref<1x128x128xf32, #tpu.memory_space<vmem>> -> memref<128x128xf32, #tpu.memory_space<vmem>>
          %dma_start3A_387 = arith.constant 0 : i32
          %dma_start3A_388 = tpu.memref_slice %arg5[%dma_start3A_381, %dma_start3A_387] : memref<6x128xi32, #tpu.memory_space<vmem>> -> memref<1x128xi32, #tpu.memory_space<vmem>>
          %dma_start3A_389 = tpu.memref_squeeze %dma_start3A_388 : memref<1x128xi32, #tpu.memory_space<vmem>> -> memref<128xi32, #tpu.memory_space<vmem>>
          %dma_start3A_390 = arith.constant 0 : i32
          %dma_start3A_391 = arith.constant 0 : i32
          %dma_start3A_392 = tpu.memref_slice %arg3[%dma_start3A_390, %dma_start3A_391] : memref<10000x128xf32, #tpu.memory_space<hbm>> -> memref<10000x128xf32, #tpu.memory_space<hbm>>
          tpu.enqueue_indirect_dma source(%dma_start3A_392 : memref<10000x128xf32, #tpu.memory_space<hbm>>) target(%dma_start3A_386 : memref<128x128xf32, #tpu.memory_space<vmem>>) offsets(%dma_start3A_389 : memref<128xi32, #tpu.memory_space<vmem>>) semaphore(%arg14 : memref<!tpu.dma_semaphore, #tpu.memory_space<semaphore_mem>>)
        } else {
        }
        %ge3A = arith.constant 3 : i32
        %ge3A_326 = arith.cmpi sge, %add3A_283, %ge3A : i32
        %convert_element_type3A_327 = arith.extui %ge3A_326 : i1 to i32
        %cond3A_328 = arith.constant 0 : i32
        %cond3A_329 = arith.cmpi ne, %convert_element_type3A_327, %cond3A_328 : i32
        scf.if %cond3A_329 {
          %sub3A_354 = arith.constant 3 : i32
          %sub3A_355 = arith.subi %add3A_283, %sub3A_354 : i32
          %mul3A_356 = arith.constant 32 : i32
          %mul3A_357 = arith.muli %sub3A_355, %mul3A_356 : i32
          %add3A_358 = arith.addi %mul3A_357, %add3A : i32
          %mul3A_359 = arith.constant 8 : i32
          %mul3A_360 = arith.muli %add3A_358, %mul3A_359 : i32
          %dma_wait3A_361 = arith.constant 2 : i32
          %dma_wait3A_362 = arith.constant 0 : i32
          %dma_wait3A_363 = arith.constant 0 : i32
          %dma_wait3A_364 = tpu.memref_slice %arg7[%dma_wait3A_361, %dma_wait3A_362, %dma_wait3A_363] : memref<3x8x128xf32, #tpu.memory_space<vmem>> -> memref<1x8x128xf32, #tpu.memory_space<vmem>>
          %dma_wait3A_365 = tpu.memref_squeeze %dma_wait3A_364 : memref<1x8x128xf32, #tpu.memory_space<vmem>> -> memref<8x128xf32, #tpu.memory_space<vmem>>
          %dma_wait3A_366 = arith.constant 0 : i32
          %dma_wait3A_367 = tpu.memref_slice %arg4[%mul3A_360, %dma_wait3A_366] : memref<10000x128xf32, #tpu.memory_space<hbm>> -> memref<8x128xf32, #tpu.memory_space<hbm>>
          %dma_wait3A_368 = arith.constant 0 : i32
          %dma_wait3A_369 = tpu.memref_slice %arg4[%mul3A_360, %dma_wait3A_368] : memref<10000x128xf32, #tpu.memory_space<hbm>> -> memref<8x128xf32, #tpu.memory_space<hbm>>
          %dma_wait3A_370 = arith.constant 0 : i32
          %dma_wait3A_371 = arith.constant 0 : i32
          %dma_wait3A_372 = tpu.memref_slice %arg7[%dma_wait3A_361, %dma_wait3A_370, %dma_wait3A_371] : memref<3x8x128xf32, #tpu.memory_space<vmem>> -> memref<1x8x128xf32, #tpu.memory_space<vmem>>
          %dma_wait3A_373 = tpu.memref_squeeze %dma_wait3A_372 : memref<1x8x128xf32, #tpu.memory_space<vmem>> -> memref<8x128xf32, #tpu.memory_space<vmem>>
          tpu.wait_dma2 semaphore(%arg19 : memref<!tpu.dma_semaphore, #tpu.memory_space<semaphore_mem>>) src(%dma_wait3A_373 : memref<8x128xf32, #tpu.memory_space<vmem>>) dst(%dma_wait3A_369 : memref<8x128xf32, #tpu.memory_space<hbm>>)
        } else {
        }
        %scan3A_330 = arith.constant 0 : i32
        %scan3A_331 = arith.constant 0 : i32
        %scan3A_332 = arith.constant 8 : i32
        %scan3A_333 = arith.addi %scan3A_331, %scan3A_332 : i32
        %scan3A_334 = arith.constant 1 : i32
        scf.for %scan3A_354 = %scan3A_331 to %scan3A_333 step %scan3A_334  : i32 {
          %jit3A_355 = arith.constant 4 : i32
          %div3A_356 = arith.divsi %scan3A_354, %jit3A_355 : i32
          %sign3A_357 = arith.constant 0 : i32
          %sign3A_358 = arith.cmpi sgt, %scan3A_354, %sign3A_357 : i32
          %sign3A_359 = arith.extui %sign3A_358 : i1 to i32
          %sign3A_360 = arith.constant 0 : i32
          %sign3A_361 = arith.cmpi slt, %scan3A_354, %sign3A_360 : i32
          %sign3A_362 = arith.extui %sign3A_361 : i1 to i32
          %sign3A_363 = arith.subi %sign3A_359, %sign3A_362 : i32
          %sign3A_364 = arith.constant 0 : i32
          %sign3A_365 = arith.cmpi sgt, %jit3A_355, %sign3A_364 : i32
          %sign3A_366 = arith.extui %sign3A_365 : i1 to i32
          %sign3A_367 = arith.constant 0 : i32
          %sign3A_368 = arith.cmpi slt, %jit3A_355, %sign3A_367 : i32
          %sign3A_369 = arith.extui %sign3A_368 : i1 to i32
          %sign3A_370 = arith.subi %sign3A_366, %sign3A_369 : i32
          %ne3A_371 = arith.cmpi ne, %sign3A_363, %sign3A_370 : i32
          %rem3A_372 = arith.remsi %scan3A_354, %jit3A_355 : i32
          %ne3A_373 = arith.constant 0 : i32
          %ne3A_374 = arith.cmpi ne, %rem3A_372, %ne3A_373 : i32
          %and3A_375 = arith.andi %ne3A_371, %ne3A_374 : i1
          %sub3A_376 = arith.constant 1 : i32
          %sub3A_377 = arith.subi %div3A_356, %sub3A_376 : i32
          %select_n3A_378 = arith.select %and3A_375, %sub3A_377, %div3A_356 : i32
          %mul3A_379 = arith.constant 4 : i32
          %mul3A_380 = arith.muli %select_n3A_378, %mul3A_379 : i32
          %sub3A_381 = arith.subi %scan3A_354, %mul3A_380 : i32
          %broadcast_in_dim3A = arith.constant 0.000000e+00 : f32
          %broadcast_in_dim3A_382 = vector.broadcast %broadcast_in_dim3A : f32 to vector<16xf32>
          %broadcast_in_dim3A_383 = arith.constant 0.000000e+00 : f32
          %broadcast_in_dim3A_384 = vector.broadcast %broadcast_in_dim3A_383 : f32 to vector<16xf32>
          %broadcast_in_dim3A_385 = arith.constant 0.000000e+00 : f32
          %broadcast_in_dim3A_386 = vector.broadcast %broadcast_in_dim3A_385 : f32 to vector<16xf32>
          %broadcast_in_dim3A_387 = arith.constant 0.000000e+00 : f32
          %broadcast_in_dim3A_388 = vector.broadcast %broadcast_in_dim3A_387 : f32 to vector<16xf32>
          %broadcast_in_dim3A_389 = arith.constant 0.000000e+00 : f32
          %broadcast_in_dim3A_390 = vector.broadcast %broadcast_in_dim3A_389 : f32 to vector<16xf32>
          %broadcast_in_dim3A_391 = arith.constant 0.000000e+00 : f32
          %broadcast_in_dim3A_392 = vector.broadcast %broadcast_in_dim3A_391 : f32 to vector<16xf32>
          %broadcast_in_dim3A_393 = arith.constant 0.000000e+00 : f32
          %broadcast_in_dim3A_394 = vector.broadcast %broadcast_in_dim3A_393 : f32 to vector<16xf32>
          %broadcast_in_dim3A_395 = arith.constant 0.000000e+00 : f32
          %broadcast_in_dim3A_396 = vector.broadcast %broadcast_in_dim3A_395 : f32 to vector<16xf32>
          %scan3A_397 = arith.constant 0 : i32
          %scan3A_398 = arith.constant 8 : i32
          %scan3A_399 = arith.addi %scan3A_397, %scan3A_398 : i32
          %scan3A_400 = arith.constant 1 : i32
          %scan3A_401:8 = scf.for %scan3A_458 = %scan3A_397 to %scan3A_399 step %scan3A_400 iter_args(%scan3A_459 = %broadcast_in_dim3A_382, %scan3A_460 = %broadcast_in_dim3A_384, %scan3A_461 = %broadcast_in_dim3A_386, %scan3A_462 = %broadcast_in_dim3A_388, %scan3A_463 = %broadcast_in_dim3A_390, %scan3A_464 = %broadcast_in_dim3A_392, %scan3A_465 = %broadcast_in_dim3A_394, %scan3A_466 = %broadcast_in_dim3A_396) -> (vector<16xf32>, vector<16xf32>, vector<16xf32>, vector<16xf32>, vector<16xf32>, vector<16xf32>, vector<16xf32>, vector<16xf32>)  : i32 {
            %mul3A_467 = arith.constant 32 : i32
            %mul3A_468 = arith.muli %sub3A_381, %mul3A_467 : i32
            %mul3A_469 = arith.constant 4 : i32
            %mul3A_470 = arith.muli %scan3A_458, %mul3A_469 : i32
            %add3A_471 = arith.addi %mul3A_468, %mul3A_470 : i32
            %add3A_472 = arith.constant 0 : i32
            %add3A_473 = arith.addi %add3A_471, %add3A_472 : i32
            %add3A_474 = arith.constant 4 : i32
            %add3A_475 = arith.addi %add3A_474, %select_n3A_378 : i32
            %get3A = arith.index_cast %add3A_475 : i32 to index
            %get3A_476 = arith.index_cast %add3A_473 : i32 to index
            %get3A_477 = arith.constant 0 : index
            %get3A_478 = tpu.vector_load %arg6[%get3A, %get3A_476, %get3A_477] {strides = array<i32>} : memref<6x128x128xf32, #tpu.memory_space<vmem>>, vector<1x1x16xf32>,
            %get3A_479 = vector.shape_cast %get3A_478 : vector<1x1x16xf32> to vector<16xf32>
            %add3A_480 = arith.addf %scan3A_459, %get3A_479 : vector<16xf32>
            %add3A_481 = arith.constant 4 : i32
            %add3A_482 = arith.addi %add3A_481, %select_n3A_378 : i32
            %get3A_483 = arith.index_cast %add3A_482 : i32 to index
            %get3A_484 = arith.index_cast %add3A_473 : i32 to index
            %get3A_485 = arith.constant 16 : index
            %get3A_486 = tpu.vector_load %arg6[%get3A_483, %get3A_484, %get3A_485] {strides = array<i32>} : memref<6x128x128xf32, #tpu.memory_space<vmem>>, vector<1x1x16xf32>,
            %get3A_487 = vector.shape_cast %get3A_486 : vector<1x1x16xf32> to vector<16xf32>
            %add3A_488 = arith.addf %scan3A_460, %get3A_487 : vector<16xf32>
            %add3A_489 = arith.constant 4 : i32
            %add3A_490 = arith.addi %add3A_489, %select_n3A_378 : i32
            %get3A_491 = arith.index_cast %add3A_490 : i32 to index
            %get3A_492 = arith.index_cast %add3A_473 : i32 to index
            %get3A_493 = arith.constant 32 : index
            %get3A_494 = tpu.vector_load %arg6[%get3A_491, %get3A_492, %get3A_493] {strides = array<i32>} : memref<6x128x128xf32, #tpu.memory_space<vmem>>, vector<1x1x16xf32>,
            %get3A_495 = vector.shape_cast %get3A_494 : vector<1x1x16xf32> to vector<16xf32>
            %add3A_496 = arith.addf %scan3A_461, %get3A_495 : vector<16xf32>
            %add3A_497 = arith.constant 4 : i32
            %add3A_498 = arith.addi %add3A_497, %select_n3A_378 : i32
            %get3A_499 = arith.index_cast %add3A_498 : i32 to index
            %get3A_500 = arith.index_cast %add3A_473 : i32 to index
            %get3A_501 = arith.constant 48 : index
            %get3A_502 = tpu.vector_load %arg6[%get3A_499, %get3A_500, %get3A_501] {strides = array<i32>} : memref<6x128x128xf32, #tpu.memory_space<vmem>>, vector<1x1x16xf32>,
            %get3A_503 = vector.shape_cast %get3A_502 : vector<1x1x16xf32> to vector<16xf32>
            %add3A_504 = arith.addf %scan3A_462, %get3A_503 : vector<16xf32>
            %add3A_505 = arith.constant 4 : i32
            %add3A_506 = arith.addi %add3A_505, %select_n3A_378 : i32
            %get3A_507 = arith.index_cast %add3A_506 : i32 to index
            %get3A_508 = arith.index_cast %add3A_473 : i32 to index
            %get3A_509 = arith.constant 64 : index
            %get3A_510 = tpu.vector_load %arg6[%get3A_507, %get3A_508, %get3A_509] {strides = array<i32>} : memref<6x128x128xf32, #tpu.memory_space<vmem>>, vector<1x1x16xf32>,
            %get3A_511 = vector.shape_cast %get3A_510 : vector<1x1x16xf32> to vector<16xf32>
            %add3A_512 = arith.addf %scan3A_463, %get3A_511 : vector<16xf32>
            %add3A_513 = arith.constant 4 : i32
            %add3A_514 = arith.addi %add3A_513, %select_n3A_378 : i32
            %get3A_515 = arith.index_cast %add3A_514 : i32 to index
            %get3A_516 = arith.index_cast %add3A_473 : i32 to index
            %get3A_517 = arith.constant 80 : index
            %get3A_518 = tpu.vector_load %arg6[%get3A_515, %get3A_516, %get3A_517] {strides = array<i32>} : memref<6x128x128xf32, #tpu.memory_space<vmem>>, vector<1x1x16xf32>,
            %get3A_519 = vector.shape_cast %get3A_518 : vector<1x1x16xf32> to vector<16xf32>
            %add3A_520 = arith.addf %scan3A_464, %get3A_519 : vector<16xf32>
            %add3A_521 = arith.constant 4 : i32
            %add3A_522 = arith.addi %add3A_521, %select_n3A_378 : i32
            %get3A_523 = arith.index_cast %add3A_522 : i32 to index
            %get3A_524 = arith.index_cast %add3A_473 : i32 to index
            %get3A_525 = arith.constant 96 : index
            %get3A_526 = tpu.vector_load %arg6[%get3A_523, %get3A_524, %get3A_525] {strides = array<i32>} : memref<6x128x128xf32, #tpu.memory_space<vmem>>, vector<1x1x16xf32>,
            %get3A_527 = vector.shape_cast %get3A_526 : vector<1x1x16xf32> to vector<16xf32>
            %add3A_528 = arith.addf %scan3A_465, %get3A_527 : vector<16xf32>
            %add3A_529 = arith.constant 4 : i32
            %add3A_530 = arith.addi %add3A_529, %select_n3A_378 : i32
            %get3A_531 = arith.index_cast %add3A_530 : i32 to index
            %get3A_532 = arith.index_cast %add3A_473 : i32 to index
            %get3A_533 = arith.constant 112 : index
            %get3A_534 = tpu.vector_load %arg6[%get3A_531, %get3A_532, %get3A_533] {strides = array<i32>} : memref<6x128x128xf32, #tpu.memory_space<vmem>>, vector<1x1x16xf32>,
            %get3A_535 = vector.shape_cast %get3A_534 : vector<1x1x16xf32> to vector<16xf32>
            %add3A_536 = arith.addf %scan3A_466, %get3A_535 : vector<16xf32>
            %mul3A_537 = arith.constant 32 : i32
            %mul3A_538 = arith.muli %sub3A_381, %mul3A_537 : i32
            %mul3A_539 = arith.constant 4 : i32
            %mul3A_540 = arith.muli %scan3A_458, %mul3A_539 : i32
            %add3A_541 = arith.addi %mul3A_538, %mul3A_540 : i32
            %add3A_542 = arith.constant 1 : i32
            %add3A_543 = arith.addi %add3A_541, %add3A_542 : i32
            %add3A_544 = arith.constant 4 : i32
            %add3A_545 = arith.addi %add3A_544, %select_n3A_378 : i32
            %get3A_546 = arith.index_cast %add3A_545 : i32 to index
            %get3A_547 = arith.index_cast %add3A_543 : i32 to index
            %get3A_548 = arith.constant 0 : index
            %get3A_549 = tpu.vector_load %arg6[%get3A_546, %get3A_547, %get3A_548] {strides = array<i32>} : memref<6x128x128xf32, #tpu.memory_space<vmem>>, vector<1x1x16xf32>,
            %get3A_550 = vector.shape_cast %get3A_549 : vector<1x1x16xf32> to vector<16xf32>
            %add3A_551 = arith.addf %add3A_480, %get3A_550 : vector<16xf32>
            %add3A_552 = arith.constant 4 : i32
            %add3A_553 = arith.addi %add3A_552, %select_n3A_378 : i32
            %get3A_554 = arith.index_cast %add3A_553 : i32 to index
            %get3A_555 = arith.index_cast %add3A_543 : i32 to index
            %get3A_556 = arith.constant 16 : index
            %get3A_557 = tpu.vector_load %arg6[%get3A_554, %get3A_555, %get3A_556] {strides = array<i32>} : memref<6x128x128xf32, #tpu.memory_space<vmem>>, vector<1x1x16xf32>,
            %get3A_558 = vector.shape_cast %get3A_557 : vector<1x1x16xf32> to vector<16xf32>
            %add3A_559 = arith.addf %add3A_488, %get3A_558 : vector<16xf32>
            %add3A_560 = arith.constant 4 : i32
            %add3A_561 = arith.addi %add3A_560, %select_n3A_378 : i32
            %get3A_562 = arith.index_cast %add3A_561 : i32 to index
            %get3A_563 = arith.index_cast %add3A_543 : i32 to index
            %get3A_564 = arith.constant 32 : index
            %get3A_565 = tpu.vector_load %arg6[%get3A_562, %get3A_563, %get3A_564] {strides = array<i32>} : memref<6x128x128xf32, #tpu.memory_space<vmem>>, vector<1x1x16xf32>,
            %get3A_566 = vector.shape_cast %get3A_565 : vector<1x1x16xf32> to vector<16xf32>
            %add3A_567 = arith.addf %add3A_496, %get3A_566 : vector<16xf32>
            %add3A_568 = arith.constant 4 : i32
            %add3A_569 = arith.addi %add3A_568, %select_n3A_378 : i32
            %get3A_570 = arith.index_cast %add3A_569 : i32 to index
            %get3A_571 = arith.index_cast %add3A_543 : i32 to index
            %get3A_572 = arith.constant 48 : index
            %get3A_573 = tpu.vector_load %arg6[%get3A_570, %get3A_571, %get3A_572] {strides = array<i32>} : memref<6x128x128xf32, #tpu.memory_space<vmem>>, vector<1x1x16xf32>,
            %get3A_574 = vector.shape_cast %get3A_573 : vector<1x1x16xf32> to vector<16xf32>
            %add3A_575 = arith.addf %add3A_504, %get3A_574 : vector<16xf32>
            %add3A_576 = arith.constant 4 : i32
            %add3A_577 = arith.addi %add3A_576, %select_n3A_378 : i32
            %get3A_578 = arith.index_cast %add3A_577 : i32 to index
            %get3A_579 = arith.index_cast %add3A_543 : i32 to index
            %get3A_580 = arith.constant 64 : index
            %get3A_581 = tpu.vector_load %arg6[%get3A_578, %get3A_579, %get3A_580] {strides = array<i32>} : memref<6x128x128xf32, #tpu.memory_space<vmem>>, vector<1x1x16xf32>,
            %get3A_582 = vector.shape_cast %get3A_581 : vector<1x1x16xf32> to vector<16xf32>
            %add3A_583 = arith.addf %add3A_512, %get3A_582 : vector<16xf32>
            %add3A_584 = arith.constant 4 : i32
            %add3A_585 = arith.addi %add3A_584, %select_n3A_378 : i32
            %get3A_586 = arith.index_cast %add3A_585 : i32 to index
            %get3A_587 = arith.index_cast %add3A_543 : i32 to index
            %get3A_588 = arith.constant 80 : index
            %get3A_589 = tpu.vector_load %arg6[%get3A_586, %get3A_587, %get3A_588] {strides = array<i32>} : memref<6x128x128xf32, #tpu.memory_space<vmem>>, vector<1x1x16xf32>,
            %get3A_590 = vector.shape_cast %get3A_589 : vector<1x1x16xf32> to vector<16xf32>
            %add3A_591 = arith.addf %add3A_520, %get3A_590 : vector<16xf32>
            %add3A_592 = arith.constant 4 : i32
            %add3A_593 = arith.addi %add3A_592, %select_n3A_378 : i32
            %get3A_594 = arith.index_cast %add3A_593 : i32 to index
            %get3A_595 = arith.index_cast %add3A_543 : i32 to index
            %get3A_596 = arith.constant 96 : index
            %get3A_597 = tpu.vector_load %arg6[%get3A_594, %get3A_595, %get3A_596] {strides = array<i32>} : memref<6x128x128xf32, #tpu.memory_space<vmem>>, vector<1x1x16xf32>,
            %get3A_598 = vector.shape_cast %get3A_597 : vector<1x1x16xf32> to vector<16xf32>
            %add3A_599 = arith.addf %add3A_528, %get3A_598 : vector<16xf32>
            %add3A_600 = arith.constant 4 : i32
            %add3A_601 = arith.addi %add3A_600, %select_n3A_378 : i32
            %get3A_602 = arith.index_cast %add3A_601 : i32 to index
            %get3A_603 = arith.index_cast %add3A_543 : i32 to index
            %get3A_604 = arith.constant 112 : index
            %get3A_605 = tpu.vector_load %arg6[%get3A_602, %get3A_603, %get3A_604] {strides = array<i32>} : memref<6x128x128xf32, #tpu.memory_space<vmem>>, vector<1x1x16xf32>,
            %get3A_606 = vector.shape_cast %get3A_605 : vector<1x1x16xf32> to vector<16xf32>
            %add3A_607 = arith.addf %add3A_536, %get3A_606 : vector<16xf32>
            %mul3A_608 = arith.constant 32 : i32
            %mul3A_609 = arith.muli %sub3A_381, %mul3A_608 : i32
            %mul3A_610 = arith.constant 4 : i32
            %mul3A_611 = arith.muli %scan3A_458, %mul3A_610 : i32
            %add3A_612 = arith.addi %mul3A_609, %mul3A_611 : i32
            %add3A_613 = arith.constant 2 : i32
            %add3A_614 = arith.addi %add3A_612, %add3A_613 : i32
            %add3A_615 = arith.constant 4 : i32
            %add3A_616 = arith.addi %add3A_615, %select_n3A_378 : i32
            %get3A_617 = arith.index_cast %add3A_616 : i32 to index
            %get3A_618 = arith.index_cast %add3A_614 : i32 to index
            %get3A_619 = arith.constant 0 : index
            %get3A_620 = tpu.vector_load %arg6[%get3A_617, %get3A_618, %get3A_619] {strides = array<i32>} : memref<6x128x128xf32, #tpu.memory_space<vmem>>, vector<1x1x16xf32>,
            %get3A_621 = vector.shape_cast %get3A_620 : vector<1x1x16xf32> to vector<16xf32>
            %add3A_622 = arith.addf %add3A_551, %get3A_621 : vector<16xf32>
            %add3A_623 = arith.constant 4 : i32
            %add3A_624 = arith.addi %add3A_623, %select_n3A_378 : i32
            %get3A_625 = arith.index_cast %add3A_624 : i32 to index
            %get3A_626 = arith.index_cast %add3A_614 : i32 to index
            %get3A_627 = arith.constant 16 : index
            %get3A_628 = tpu.vector_load %arg6[%get3A_625, %get3A_626, %get3A_627] {strides = array<i32>} : memref<6x128x128xf32, #tpu.memory_space<vmem>>, vector<1x1x16xf32>,
            %get3A_629 = vector.shape_cast %get3A_628 : vector<1x1x16xf32> to vector<16xf32>
            %add3A_630 = arith.addf %add3A_559, %get3A_629 : vector<16xf32>
            %add3A_631 = arith.constant 4 : i32
            %add3A_632 = arith.addi %add3A_631, %select_n3A_378 : i32
            %get3A_633 = arith.index_cast %add3A_632 : i32 to index
            %get3A_634 = arith.index_cast %add3A_614 : i32 to index
            %get3A_635 = arith.constant 32 : index
            %get3A_636 = tpu.vector_load %arg6[%get3A_633, %get3A_634, %get3A_635] {strides = array<i32>} : memref<6x128x128xf32, #tpu.memory_space<vmem>>, vector<1x1x16xf32>,
            %get3A_637 = vector.shape_cast %get3A_636 : vector<1x1x16xf32> to vector<16xf32>
            %add3A_638 = arith.addf %add3A_567, %get3A_637 : vector<16xf32>
            %add3A_639 = arith.constant 4 : i32
            %add3A_640 = arith.addi %add3A_639, %select_n3A_378 : i32
            %get3A_641 = arith.index_cast %add3A_640 : i32 to index
            %get3A_642 = arith.index_cast %add3A_614 : i32 to index
            %get3A_643 = arith.constant 48 : index
            %get3A_644 = tpu.vector_load %arg6[%get3A_641, %get3A_642, %get3A_643] {strides = array<i32>} : memref<6x128x128xf32, #tpu.memory_space<vmem>>, vector<1x1x16xf32>,
            %get3A_645 = vector.shape_cast %get3A_644 : vector<1x1x16xf32> to vector<16xf32>
            %add3A_646 = arith.addf %add3A_575, %get3A_645 : vector<16xf32>
            %add3A_647 = arith.constant 4 : i32
            %add3A_648 = arith.addi %add3A_647, %select_n3A_378 : i32
            %get3A_649 = arith.index_cast %add3A_648 : i32 to index
            %get3A_650 = arith.index_cast %add3A_614 : i32 to index
            %get3A_651 = arith.constant 64 : index
            %get3A_652 = tpu.vector_load %arg6[%get3A_649, %get3A_650, %get3A_651] {strides = array<i32>} : memref<6x128x128xf32, #tpu.memory_space<vmem>>, vector<1x1x16xf32>,
            %get3A_653 = vector.shape_cast %get3A_652 : vector<1x1x16xf32> to vector<16xf32>
            %add3A_654 = arith.addf %add3A_583, %get3A_653 : vector<16xf32>
            %add3A_655 = arith.constant 4 : i32
            %add3A_656 = arith.addi %add3A_655, %select_n3A_378 : i32
            %get3A_657 = arith.index_cast %add3A_656 : i32 to index
            %get3A_658 = arith.index_cast %add3A_614 : i32 to index
            %get3A_659 = arith.constant 80 : index
            %get3A_660 = tpu.vector_load %arg6[%get3A_657, %get3A_658, %get3A_659] {strides = array<i32>} : memref<6x128x128xf32, #tpu.memory_space<vmem>>, vector<1x1x16xf32>,
            %get3A_661 = vector.shape_cast %get3A_660 : vector<1x1x16xf32> to vector<16xf32>
            %add3A_662 = arith.addf %add3A_591, %get3A_661 : vector<16xf32>
            %add3A_663 = arith.constant 4 : i32
            %add3A_664 = arith.addi %add3A_663, %select_n3A_378 : i32
            %get3A_665 = arith.index_cast %add3A_664 : i32 to index
            %get3A_666 = arith.index_cast %add3A_614 : i32 to index
            %get3A_667 = arith.constant 96 : index
            %get3A_668 = tpu.vector_load %arg6[%get3A_665, %get3A_666, %get3A_667] {strides = array<i32>} : memref<6x128x128xf32, #tpu.memory_space<vmem>>, vector<1x1x16xf32>,
            %get3A_669 = vector.shape_cast %get3A_668 : vector<1x1x16xf32> to vector<16xf32>
            %add3A_670 = arith.addf %add3A_599, %get3A_669 : vector<16xf32>
            %add3A_671 = arith.constant 4 : i32
            %add3A_672 = arith.addi %add3A_671, %select_n3A_378 : i32
            %get3A_673 = arith.index_cast %add3A_672 : i32 to index
            %get3A_674 = arith.index_cast %add3A_614 : i32 to index
            %get3A_675 = arith.constant 112 : index
            %get3A_676 = tpu.vector_load %arg6[%get3A_673, %get3A_674, %get3A_675] {strides = array<i32>} : memref<6x128x128xf32, #tpu.memory_space<vmem>>, vector<1x1x16xf32>,
            %get3A_677 = vector.shape_cast %get3A_676 : vector<1x1x16xf32> to vector<16xf32>
            %add3A_678 = arith.addf %add3A_607, %get3A_677 : vector<16xf32>
            %mul3A_679 = arith.constant 32 : i32
            %mul3A_680 = arith.muli %sub3A_381, %mul3A_679 : i32
            %mul3A_681 = arith.constant 4 : i32
            %mul3A_682 = arith.muli %scan3A_458, %mul3A_681 : i32
            %add3A_683 = arith.addi %mul3A_680, %mul3A_682 : i32
            %add3A_684 = arith.constant 3 : i32
            %add3A_685 = arith.addi %add3A_683, %add3A_684 : i32
            %add3A_686 = arith.constant 4 : i32
            %add3A_687 = arith.addi %add3A_686, %select_n3A_378 : i32
            %get3A_688 = arith.index_cast %add3A_687 : i32 to index
            %get3A_689 = arith.index_cast %add3A_685 : i32 to index
            %get3A_690 = arith.constant 0 : index
            %get3A_691 = tpu.vector_load %arg6[%get3A_688, %get3A_689, %get3A_690] {strides = array<i32>} : memref<6x128x128xf32, #tpu.memory_space<vmem>>, vector<1x1x16xf32>,
            %get3A_692 = vector.shape_cast %get3A_691 : vector<1x1x16xf32> to vector<16xf32>
            %add3A_693 = arith.addf %add3A_622, %get3A_692 : vector<16xf32>
            %add3A_694 = arith.constant 4 : i32
            %add3A_695 = arith.addi %add3A_694, %select_n3A_378 : i32
            %get3A_696 = arith.index_cast %add3A_695 : i32 to index
            %get3A_697 = arith.index_cast %add3A_685 : i32 to index
            %get3A_698 = arith.constant 16 : index
            %get3A_699 = tpu.vector_load %arg6[%get3A_696, %get3A_697, %get3A_698] {strides = array<i32>} : memref<6x128x128xf32, #tpu.memory_space<vmem>>, vector<1x1x16xf32>,
            %get3A_700 = vector.shape_cast %get3A_699 : vector<1x1x16xf32> to vector<16xf32>
            %add3A_701 = arith.addf %add3A_630, %get3A_700 : vector<16xf32>
            %add3A_702 = arith.constant 4 : i32
            %add3A_703 = arith.addi %add3A_702, %select_n3A_378 : i32
            %get3A_704 = arith.index_cast %add3A_703 : i32 to index
            %get3A_705 = arith.index_cast %add3A_685 : i32 to index
            %get3A_706 = arith.constant 32 : index
            %get3A_707 = tpu.vector_load %arg6[%get3A_704, %get3A_705, %get3A_706] {strides = array<i32>} : memref<6x128x128xf32, #tpu.memory_space<vmem>>, vector<1x1x16xf32>,
            %get3A_708 = vector.shape_cast %get3A_707 : vector<1x1x16xf32> to vector<16xf32>
            %add3A_709 = arith.addf %add3A_638, %get3A_708 : vector<16xf32>
            %add3A_710 = arith.constant 4 : i32
            %add3A_711 = arith.addi %add3A_710, %select_n3A_378 : i32
            %get3A_712 = arith.index_cast %add3A_711 : i32 to index
            %get3A_713 = arith.index_cast %add3A_685 : i32 to index
            %get3A_714 = arith.constant 48 : index
            %get3A_715 = tpu.vector_load %arg6[%get3A_712, %get3A_713, %get3A_714] {strides = array<i32>} : memref<6x128x128xf32, #tpu.memory_space<vmem>>, vector<1x1x16xf32>,
            %get3A_716 = vector.shape_cast %get3A_715 : vector<1x1x16xf32> to vector<16xf32>
            %add3A_717 = arith.addf %add3A_646, %get3A_716 : vector<16xf32>
            %add3A_718 = arith.constant 4 : i32
            %add3A_719 = arith.addi %add3A_718, %select_n3A_378 : i32
            %get3A_720 = arith.index_cast %add3A_719 : i32 to index
            %get3A_721 = arith.index_cast %add3A_685 : i32 to index
            %get3A_722 = arith.constant 64 : index
            %get3A_723 = tpu.vector_load %arg6[%get3A_720, %get3A_721, %get3A_722] {strides = array<i32>} : memref<6x128x128xf32, #tpu.memory_space<vmem>>, vector<1x1x16xf32>,
            %get3A_724 = vector.shape_cast %get3A_723 : vector<1x1x16xf32> to vector<16xf32>
            %add3A_725 = arith.addf %add3A_654, %get3A_724 : vector<16xf32>
            %add3A_726 = arith.constant 4 : i32
            %add3A_727 = arith.addi %add3A_726, %select_n3A_378 : i32
            %get3A_728 = arith.index_cast %add3A_727 : i32 to index
            %get3A_729 = arith.index_cast %add3A_685 : i32 to index
            %get3A_730 = arith.constant 80 : index
            %get3A_731 = tpu.vector_load %arg6[%get3A_728, %get3A_729, %get3A_730] {strides = array<i32>} : memref<6x128x128xf32, #tpu.memory_space<vmem>>, vector<1x1x16xf32>,
            %get3A_732 = vector.shape_cast %get3A_731 : vector<1x1x16xf32> to vector<16xf32>
            %add3A_733 = arith.addf %add3A_662, %get3A_732 : vector<16xf32>
            %add3A_734 = arith.constant 4 : i32
            %add3A_735 = arith.addi %add3A_734, %select_n3A_378 : i32
            %get3A_736 = arith.index_cast %add3A_735 : i32 to index
            %get3A_737 = arith.index_cast %add3A_685 : i32 to index
            %get3A_738 = arith.constant 96 : index
            %get3A_739 = tpu.vector_load %arg6[%get3A_736, %get3A_737, %get3A_738] {strides = array<i32>} : memref<6x128x128xf32, #tpu.memory_space<vmem>>, vector<1x1x16xf32>,
            %get3A_740 = vector.shape_cast %get3A_739 : vector<1x1x16xf32> to vector<16xf32>
            %add3A_741 = arith.addf %add3A_670, %get3A_740 : vector<16xf32>
            %add3A_742 = arith.constant 4 : i32
            %add3A_743 = arith.addi %add3A_742, %select_n3A_378 : i32
            %get3A_744 = arith.index_cast %add3A_743 : i32 to index
            %get3A_745 = arith.index_cast %add3A_685 : i32 to index
            %get3A_746 = arith.constant 112 : index
            %get3A_747 = tpu.vector_load %arg6[%get3A_744, %get3A_745, %get3A_746] {strides = array<i32>} : memref<6x128x128xf32, #tpu.memory_space<vmem>>, vector<1x1x16xf32>,
            %get3A_748 = vector.shape_cast %get3A_747 : vector<1x1x16xf32> to vector<16xf32>
            %add3A_749 = arith.addf %add3A_678, %get3A_748 : vector<16xf32>
            scf.yield %add3A_693, %add3A_701, %add3A_709, %add3A_717, %add3A_725, %add3A_733, %add3A_741, %add3A_749 : vector<16xf32>, vector<16xf32>, vector<16xf32>, vector<16xf32>, vector<16xf32>, vector<16xf32>, vector<16xf32>, vector<16xf32>
          }
          %scan3A_402 = arith.constant 8 : i32
          %swap3A = arith.constant 2 : i32
          %swap3A_403 = arith.index_cast %swap3A : i32 to index
          %swap3A_404 = arith.index_cast %scan3A_354 : i32 to index
          %swap3A_405 = arith.constant 0 : index
          %swap3A_406 = tpu.vector_load %arg7[%swap3A_403, %swap3A_404, %swap3A_405] {strides = array<i32>} : memref<3x8x128xf32, #tpu.memory_space<vmem>>, vector<1x1x16xf32>,
          %swap3A_407 = vector.shape_cast %swap3A_406 : vector<1x1x16xf32> to vector<16xf32>
          %swap3A_408 = vector.shape_cast %scan3A_401#0 : vector<16xf32> to vector<1x1x16xf32>
          tpu.vector_store %arg7[%swap3A_403, %swap3A_404, %swap3A_405], %swap3A_408 {strides = array<i32>} : memref<3x8x128xf32, #tpu.memory_space<vmem>>, vector<1x1x16xf32>,
          %swap3A_409 = arith.constant 2 : i32
          %swap3A_410 = arith.index_cast %swap3A_409 : i32 to index
          %swap3A_411 = arith.index_cast %scan3A_354 : i32 to index
          %swap3A_412 = arith.constant 16 : index
          %swap3A_413 = tpu.vector_load %arg7[%swap3A_410, %swap3A_411, %swap3A_412] {strides = array<i32>} : memref<3x8x128xf32, #tpu.memory_space<vmem>>, vector<1x1x16xf32>,
          %swap3A_414 = vector.shape_cast %swap3A_413 : vector<1x1x16xf32> to vector<16xf32>
          %swap3A_415 = vector.shape_cast %scan3A_401#1 : vector<16xf32> to vector<1x1x16xf32>
          tpu.vector_store %arg7[%swap3A_410, %swap3A_411, %swap3A_412], %swap3A_415 {strides = array<i32>} : memref<3x8x128xf32, #tpu.memory_space<vmem>>, vector<1x1x16xf32>,
          %swap3A_416 = arith.constant 2 : i32
          %swap3A_417 = arith.index_cast %swap3A_416 : i32 to index
          %swap3A_418 = arith.index_cast %scan3A_354 : i32 to index
          %swap3A_419 = arith.constant 32 : index
          %swap3A_420 = tpu.vector_load %arg7[%swap3A_417, %swap3A_418, %swap3A_419] {strides = array<i32>} : memref<3x8x128xf32, #tpu.memory_space<vmem>>, vector<1x1x16xf32>,
          %swap3A_421 = vector.shape_cast %swap3A_420 : vector<1x1x16xf32> to vector<16xf32>
          %swap3A_422 = vector.shape_cast %scan3A_401#2 : vector<16xf32> to vector<1x1x16xf32>
          tpu.vector_store %arg7[%swap3A_417, %swap3A_418, %swap3A_419], %swap3A_422 {strides = array<i32>} : memref<3x8x128xf32, #tpu.memory_space<vmem>>, vector<1x1x16xf32>,
          %swap3A_423 = arith.constant 2 : i32
          %swap3A_424 = arith.index_cast %swap3A_423 : i32 to index
          %swap3A_425 = arith.index_cast %scan3A_354 : i32 to index
          %swap3A_426 = arith.constant 48 : index
          %swap3A_427 = tpu.vector_load %arg7[%swap3A_424, %swap3A_425, %swap3A_426] {strides = array<i32>} : memref<3x8x128xf32, #tpu.memory_space<vmem>>, vector<1x1x16xf32>,
          %swap3A_428 = vector.shape_cast %swap3A_427 : vector<1x1x16xf32> to vector<16xf32>
          %swap3A_429 = vector.shape_cast %scan3A_401#3 : vector<16xf32> to vector<1x1x16xf32>
          tpu.vector_store %arg7[%swap3A_424, %swap3A_425, %swap3A_426], %swap3A_429 {strides = array<i32>} : memref<3x8x128xf32, #tpu.memory_space<vmem>>, vector<1x1x16xf32>,
          %swap3A_430 = arith.constant 2 : i32
          %swap3A_431 = arith.index_cast %swap3A_430 : i32 to index
          %swap3A_432 = arith.index_cast %scan3A_354 : i32 to index
          %swap3A_433 = arith.constant 64 : index
          %swap3A_434 = tpu.vector_load %arg7[%swap3A_431, %swap3A_432, %swap3A_433] {strides = array<i32>} : memref<3x8x128xf32, #tpu.memory_space<vmem>>, vector<1x1x16xf32>,
          %swap3A_435 = vector.shape_cast %swap3A_434 : vector<1x1x16xf32> to vector<16xf32>
          %swap3A_436 = vector.shape_cast %scan3A_401#4 : vector<16xf32> to vector<1x1x16xf32>
          tpu.vector_store %arg7[%swap3A_431, %swap3A_432, %swap3A_433], %swap3A_436 {strides = array<i32>} : memref<3x8x128xf32, #tpu.memory_space<vmem>>, vector<1x1x16xf32>,
          %swap3A_437 = arith.constant 2 : i32
          %swap3A_438 = arith.index_cast %swap3A_437 : i32 to index
          %swap3A_439 = arith.index_cast %scan3A_354 : i32 to index
          %swap3A_440 = arith.constant 80 : index
          %swap3A_441 = tpu.vector_load %arg7[%swap3A_438, %swap3A_439, %swap3A_440] {strides = array<i32>} : memref<3x8x128xf32, #tpu.memory_space<vmem>>, vector<1x1x16xf32>,
          %swap3A_442 = vector.shape_cast %swap3A_441 : vector<1x1x16xf32> to vector<16xf32>
          %swap3A_443 = vector.shape_cast %scan3A_401#5 : vector<16xf32> to vector<1x1x16xf32>
          tpu.vector_store %arg7[%swap3A_438, %swap3A_439, %swap3A_440], %swap3A_443 {strides = array<i32>} : memref<3x8x128xf32, #tpu.memory_space<vmem>>, vector<1x1x16xf32>,
          %swap3A_444 = arith.constant 2 : i32
          %swap3A_445 = arith.index_cast %swap3A_444 : i32 to index
          %swap3A_446 = arith.index_cast %scan3A_354 : i32 to index
          %swap3A_447 = arith.constant 96 : index
          %swap3A_448 = tpu.vector_load %arg7[%swap3A_445, %swap3A_446, %swap3A_447] {strides = array<i32>} : memref<3x8x128xf32, #tpu.memory_space<vmem>>, vector<1x1x16xf32>,
          %swap3A_449 = vector.shape_cast %swap3A_448 : vector<1x1x16xf32> to vector<16xf32>
          %swap3A_450 = vector.shape_cast %scan3A_401#6 : vector<16xf32> to vector<1x1x16xf32>
          tpu.vector_store %arg7[%swap3A_445, %swap3A_446, %swap3A_447], %swap3A_450 {strides = array<i32>} : memref<3x8x128xf32, #tpu.memory_space<vmem>>, vector<1x1x16xf32>,
          %swap3A_451 = arith.constant 2 : i32
          %swap3A_452 = arith.index_cast %swap3A_451 : i32 to index
          %swap3A_453 = arith.index_cast %scan3A_354 : i32 to index
          %swap3A_454 = arith.constant 112 : index
          %swap3A_455 = tpu.vector_load %arg7[%swap3A_452, %swap3A_453, %swap3A_454] {strides = array<i32>} : memref<3x8x128xf32, #tpu.memory_space<vmem>>, vector<1x1x16xf32>,
          %swap3A_456 = vector.shape_cast %swap3A_455 : vector<1x1x16xf32> to vector<16xf32>
          %swap3A_457 = vector.shape_cast %scan3A_401#7 : vector<16xf32> to vector<1x1x16xf32>
          tpu.vector_store %arg7[%swap3A_452, %swap3A_453, %swap3A_454], %swap3A_457 {strides = array<i32>} : memref<3x8x128xf32, #tpu.memory_space<vmem>>, vector<1x1x16xf32>,
        }
        %scan3A_335 = arith.constant 8 : i32
        %mul3A_336 = arith.constant 32 : i32
        %mul3A_337 = arith.muli %add3A_283, %mul3A_336 : i32
        %add3A_338 = arith.addi %mul3A_337, %add3A : i32
        %mul3A_339 = arith.constant 8 : i32
        %mul3A_340 = arith.muli %add3A_338, %mul3A_339 : i32
        %dma_start3A_341 = arith.constant 2 : i32
        %dma_start3A_342 = arith.constant 0 : i32
        %dma_start3A_343 = arith.constant 0 : i32
        %dma_start3A_344 = tpu.memref_slice %arg7[%dma_start3A_341, %dma_start3A_342, %dma_start3A_343] : memref<3x8x128xf32, #tpu.memory_space<vmem>> -> memref<1x8x128xf32, #tpu.memory_space<vmem>>
        %dma_start3A_345 = tpu.memref_squeeze %dma_start3A_344 : memref<1x8x128xf32, #tpu.memory_space<vmem>> -> memref<8x128xf32, #tpu.memory_space<vmem>>
        %dma_start3A_346 = arith.constant 0 : i32
        %dma_start3A_347 = tpu.memref_slice %arg4[%mul3A_340, %dma_start3A_346] : memref<10000x128xf32, #tpu.memory_space<hbm>> -> memref<8x128xf32, #tpu.memory_space<hbm>>
        %dma_start3A_348 = arith.constant 0 : i32
        %dma_start3A_349 = tpu.memref_slice %arg4[%mul3A_340, %dma_start3A_348] : memref<10000x128xf32, #tpu.memory_space<hbm>> -> memref<8x128xf32, #tpu.memory_space<hbm>>
        %dma_start3A_350 = arith.constant 0 : i32
        %dma_start3A_351 = arith.constant 0 : i32
        %dma_start3A_352 = tpu.memref_slice %arg7[%dma_start3A_341, %dma_start3A_350, %dma_start3A_351] : memref<3x8x128xf32, #tpu.memory_space<vmem>> -> memref<1x8x128xf32, #tpu.memory_space<vmem>>
        %dma_start3A_353 = tpu.memref_squeeze %dma_start3A_352 : memref<1x8x128xf32, #tpu.memory_space<vmem>> -> memref<8x128xf32, #tpu.memory_space<vmem>>
        tpu.enqueue_dma source(%dma_start3A_353 : memref<8x128xf32, #tpu.memory_space<vmem>>) target(%dma_start3A_349 : memref<8x128xf32, #tpu.memory_space<hbm>>) target_semaphore(%arg19 : memref<!tpu.dma_semaphore, #tpu.memory_space<semaphore_mem>>)
      } else {
      }
    }
    %scan3A_143 = arith.constant 14 : i32
    %sub3A_144 = arith.constant 3 : i32
    %sub3A_145 = arith.subi %select_n3A, %sub3A_144 : i32
    %sub3A_146 = arith.constant 3 : i32
    %sub3A_147 = arith.subi %select_n3A, %sub3A_146 : i32
    %sub3A_148 = arith.constant 0 : i32
    %sub3A_149 = arith.subi %sub3A_148, %sub3A_147 : i32
    %jit3A_150 = arith.constant 3 : i32
    %eq3A = arith.constant 0 : i32
    %eq3A_151 = arith.cmpi eq, %jit3A_150, %eq3A : i32
    %jit3A_152 = arith.constant 1 : i32
    %select_n3A_153 = arith.select %eq3A_151, %jit3A_152, %jit3A_150 : i32
    %rem3A_154 = arith.remsi %sub3A_149, %select_n3A_153 : i32
    %ne3A_155 = arith.constant 0 : i32
    %ne3A_156 = arith.cmpi ne, %rem3A_154, %ne3A_155 : i32
    %lt3A = arith.constant 0 : i32
    %lt3A_157 = arith.cmpi slt, %rem3A_154, %lt3A : i32
    %lt3A_158 = arith.constant 0 : i32
    %lt3A_159 = arith.cmpi slt, %select_n3A_153, %lt3A_158 : i32
    %ne3A_160 = arith.xori %lt3A_157, %lt3A_159 : i1
    %and3A_161 = arith.andi %ne3A_160, %ne3A_156 : i1
    %add3A_162 = arith.addi %rem3A_154, %select_n3A_153 : i32
    %select_n3A_163 = arith.select %and3A_161, %add3A_162, %rem3A_154 : i32
    %add3A_164 = arith.addi %sub3A_145, %select_n3A_163 : i32
    %mul3A_165 = arith.constant 32 : i32
    %mul3A_166 = arith.muli %add3A_164, %mul3A_165 : i32
    %add3A_167 = arith.addi %mul3A_166, %add3A : i32
    %mul3A_168 = arith.constant 8 : i32
    %mul3A_169 = arith.muli %add3A_167, %mul3A_168 : i32
    %dma_wait3A_170 = arith.constant 0 : i32
    %dma_wait3A_171 = arith.constant 0 : i32
    %dma_wait3A_172 = arith.constant 0 : i32
    %dma_wait3A_173 = tpu.memref_slice %arg7[%dma_wait3A_170, %dma_wait3A_171, %dma_wait3A_172] : memref<3x8x128xf32, #tpu.memory_space<vmem>> -> memref<1x8x128xf32, #tpu.memory_space<vmem>>
    %dma_wait3A_174 = tpu.memref_squeeze %dma_wait3A_173 : memref<1x8x128xf32, #tpu.memory_space<vmem>> -> memref<8x128xf32, #tpu.memory_space<vmem>>
    %dma_wait3A_175 = arith.constant 0 : i32
    %dma_wait3A_176 = tpu.memref_slice %arg4[%mul3A_169, %dma_wait3A_175] : memref<10000x128xf32, #tpu.memory_space<hbm>> -> memref<8x128xf32, #tpu.memory_space<hbm>>
    %dma_wait3A_177 = arith.constant 0 : i32
    %dma_wait3A_178 = tpu.memref_slice %arg4[%mul3A_169, %dma_wait3A_177] : memref<10000x128xf32, #tpu.memory_space<hbm>> -> memref<8x128xf32, #tpu.memory_space<hbm>>
    %dma_wait3A_179 = arith.constant 0 : i32
    %dma_wait3A_180 = arith.constant 0 : i32
    %dma_wait3A_181 = tpu.memref_slice %arg7[%dma_wait3A_170, %dma_wait3A_179, %dma_wait3A_180] : memref<3x8x128xf32, #tpu.memory_space<vmem>> -> memref<1x8x128xf32, #tpu.memory_space<vmem>>
    %dma_wait3A_182 = tpu.memref_squeeze %dma_wait3A_181 : memref<1x8x128xf32, #tpu.memory_space<vmem>> -> memref<8x128xf32, #tpu.memory_space<vmem>>
    tpu.wait_dma2 semaphore(%arg17 : memref<!tpu.dma_semaphore, #tpu.memory_space<semaphore_mem>>) src(%dma_wait3A_182 : memref<8x128xf32, #tpu.memory_space<vmem>>) dst(%dma_wait3A_178 : memref<8x128xf32, #tpu.memory_space<hbm>>)
    %sub3A_183 = arith.constant 3 : i32
    %sub3A_184 = arith.subi %select_n3A, %sub3A_183 : i32
    %sub3A_185 = arith.constant 3 : i32
    %sub3A_186 = arith.subi %select_n3A, %sub3A_185 : i32
    %sub3A_187 = arith.constant 1 : i32
    %sub3A_188 = arith.subi %sub3A_187, %sub3A_186 : i32
    %jit3A_189 = arith.constant 3 : i32
    %eq3A_190 = arith.constant 0 : i32
    %eq3A_191 = arith.cmpi eq, %jit3A_189, %eq3A_190 : i32
    %jit3A_192 = arith.constant 1 : i32
    %select_n3A_193 = arith.select %eq3A_191, %jit3A_192, %jit3A_189 : i32
    %rem3A_194 = arith.remsi %sub3A_188, %select_n3A_193 : i32
    %ne3A_195 = arith.constant 0 : i32
    %ne3A_196 = arith.cmpi ne, %rem3A_194, %ne3A_195 : i32
    %lt3A_197 = arith.constant 0 : i32
    %lt3A_198 = arith.cmpi slt, %rem3A_194, %lt3A_197 : i32
    %lt3A_199 = arith.constant 0 : i32
    %lt3A_200 = arith.cmpi slt, %select_n3A_193, %lt3A_199 : i32
    %ne3A_201 = arith.xori %lt3A_198, %lt3A_200 : i1
    %and3A_202 = arith.andi %ne3A_201, %ne3A_196 : i1
    %add3A_203 = arith.addi %rem3A_194, %select_n3A_193 : i32
    %select_n3A_204 = arith.select %and3A_202, %add3A_203, %rem3A_194 : i32
    %add3A_205 = arith.addi %sub3A_184, %select_n3A_204 : i32
    %mul3A_206 = arith.constant 32 : i32
    %mul3A_207 = arith.muli %add3A_205, %mul3A_206 : i32
    %add3A_208 = arith.addi %mul3A_207, %add3A : i32
    %mul3A_209 = arith.constant 8 : i32
    %mul3A_210 = arith.muli %add3A_208, %mul3A_209 : i32
    %dma_wait3A_211 = arith.constant 1 : i32
    %dma_wait3A_212 = arith.constant 0 : i32
    %dma_wait3A_213 = arith.constant 0 : i32
    %dma_wait3A_214 = tpu.memref_slice %arg7[%dma_wait3A_211, %dma_wait3A_212, %dma_wait3A_213] : memref<3x8x128xf32, #tpu.memory_space<vmem>> -> memref<1x8x128xf32, #tpu.memory_space<vmem>>
    %dma_wait3A_215 = tpu.memref_squeeze %dma_wait3A_214 : memref<1x8x128xf32, #tpu.memory_space<vmem>> -> memref<8x128xf32, #tpu.memory_space<vmem>>
    %dma_wait3A_216 = arith.constant 0 : i32
    %dma_wait3A_217 = tpu.memref_slice %arg4[%mul3A_210, %dma_wait3A_216] : memref<10000x128xf32, #tpu.memory_space<hbm>> -> memref<8x128xf32, #tpu.memory_space<hbm>>
    %dma_wait3A_218 = arith.constant 0 : i32
    %dma_wait3A_219 = tpu.memref_slice %arg4[%mul3A_210, %dma_wait3A_218] : memref<10000x128xf32, #tpu.memory_space<hbm>> -> memref<8x128xf32, #tpu.memory_space<hbm>>
    %dma_wait3A_220 = arith.constant 0 : i32
    %dma_wait3A_221 = arith.constant 0 : i32
    %dma_wait3A_222 = tpu.memref_slice %arg7[%dma_wait3A_211, %dma_wait3A_220, %dma_wait3A_221] : memref<3x8x128xf32, #tpu.memory_space<vmem>> -> memref<1x8x128xf32, #tpu.memory_space<vmem>>
    %dma_wait3A_223 = tpu.memref_squeeze %dma_wait3A_222 : memref<1x8x128xf32, #tpu.memory_space<vmem>> -> memref<8x128xf32, #tpu.memory_space<vmem>>
    tpu.wait_dma2 semaphore(%arg18 : memref<!tpu.dma_semaphore, #tpu.memory_space<semaphore_mem>>) src(%dma_wait3A_223 : memref<8x128xf32, #tpu.memory_space<vmem>>) dst(%dma_wait3A_219 : memref<8x128xf32, #tpu.memory_space<hbm>>)
    %sub3A_224 = arith.constant 3 : i32
    %sub3A_225 = arith.subi %select_n3A, %sub3A_224 : i32
    %sub3A_226 = arith.constant 3 : i32
    %sub3A_227 = arith.subi %select_n3A, %sub3A_226 : i32
    %sub3A_228 = arith.constant 2 : i32
    %sub3A_229 = arith.subi %sub3A_228, %sub3A_227 : i32
    %jit3A_230 = arith.constant 3 : i32
    %eq3A_231 = arith.constant 0 : i32
    %eq3A_232 = arith.cmpi eq, %jit3A_230, %eq3A_231 : i32
    %jit3A_233 = arith.constant 1 : i32
    %select_n3A_234 = arith.select %eq3A_232, %jit3A_233, %jit3A_230 : i32
    %rem3A_235 = arith.remsi %sub3A_229, %select_n3A_234 : i32
    %ne3A_236 = arith.constant 0 : i32
    %ne3A_237 = arith.cmpi ne, %rem3A_235, %ne3A_236 : i32
    %lt3A_238 = arith.constant 0 : i32
    %lt3A_239 = arith.cmpi slt, %rem3A_235, %lt3A_238 : i32
    %lt3A_240 = arith.constant 0 : i32
    %lt3A_241 = arith.cmpi slt, %select_n3A_234, %lt3A_240 : i32
    %ne3A_242 = arith.xori %lt3A_239, %lt3A_241 : i1
    %and3A_243 = arith.andi %ne3A_242, %ne3A_237 : i1
    %add3A_244 = arith.addi %rem3A_235, %select_n3A_234 : i32
    %select_n3A_245 = arith.select %and3A_243, %add3A_244, %rem3A_235 : i32
    %add3A_246 = arith.addi %sub3A_225, %select_n3A_245 : i32
    %mul3A_247 = arith.constant 32 : i32
    %mul3A_248 = arith.muli %add3A_246, %mul3A_247 : i32
    %add3A_249 = arith.addi %mul3A_248, %add3A : i32
    %mul3A_250 = arith.constant 8 : i32
    %mul3A_251 = arith.muli %add3A_249, %mul3A_250 : i32
    %dma_wait3A_252 = arith.constant 2 : i32
    %dma_wait3A_253 = arith.constant 0 : i32
    %dma_wait3A_254 = arith.constant 0 : i32
    %dma_wait3A_255 = tpu.memref_slice %arg7[%dma_wait3A_252, %dma_wait3A_253, %dma_wait3A_254] : memref<3x8x128xf32, #tpu.memory_space<vmem>> -> memref<1x8x128xf32, #tpu.memory_space<vmem>>
    %dma_wait3A_256 = tpu.memref_squeeze %dma_wait3A_255 : memref<1x8x128xf32, #tpu.memory_space<vmem>> -> memref<8x128xf32, #tpu.memory_space<vmem>>
    %dma_wait3A_257 = arith.constant 0 : i32
    %dma_wait3A_258 = tpu.memref_slice %arg4[%mul3A_251, %dma_wait3A_257] : memref<10000x128xf32, #tpu.memory_space<hbm>> -> memref<8x128xf32, #tpu.memory_space<hbm>>
    %dma_wait3A_259 = arith.constant 0 : i32
    %dma_wait3A_260 = tpu.memref_slice %arg4[%mul3A_251, %dma_wait3A_259] : memref<10000x128xf32, #tpu.memory_space<hbm>> -> memref<8x128xf32, #tpu.memory_space<hbm>>
    %dma_wait3A_261 = arith.constant 0 : i32
    %dma_wait3A_262 = arith.constant 0 : i32
    %dma_wait3A_263 = tpu.memref_slice %arg7[%dma_wait3A_252, %dma_wait3A_261, %dma_wait3A_262] : memref<3x8x128xf32, #tpu.memory_space<vmem>> -> memref<1x8x128xf32, #tpu.memory_space<vmem>>
    %dma_wait3A_264 = tpu.memref_squeeze %dma_wait3A_263 : memref<1x8x128xf32, #tpu.memory_space<vmem>> -> memref<8x128xf32, #tpu.memory_space<vmem>>
    tpu.wait_dma2 semaphore(%arg19 : memref<!tpu.dma_semaphore, #tpu.memory_space<semaphore_mem>>) src(%dma_wait3A_264 : memref<8x128xf32, #tpu.memory_space<vmem>>) dst(%dma_wait3A_260 : memref<8x128xf32, #tpu.memory_space<hbm>>)
    return
  }
}

module attributes {stable_mosaic.version = 14 : i64} {
  func.func @_linear_body(%arg0: i32, %arg1: memref<5000x128xf32, #tpu.memory_space<vmem>>, %arg2: memref<5000x128xf32, #tpu.memory_space<vmem>>, %arg3: memref<128x256xf32, #tpu.memory_space<vmem>>, %arg4: memref<1x128xf32, #tpu.memory_space<vmem>>, %arg5: memref<5000x128xf32, #tpu.memory_space<vmem>>) attributes {dimension_semantics = [#tpu.dimension_semantics<arbitrary>], iteration_bounds = array<i64: 2>, scalar_prefetch = 0 : i64, scratch_operands = 0 : i64, tpu.core_type = #tpu.core_type<tc>, window_params = [{transform_indices = @transform_0, window_bounds = array<i64: 5000, 128>}, {transform_indices = @transform_1, window_bounds = array<i64: 5000, 128>}, {pipeline_mode = #tpu.pipeline_mode<synchronous>, transform_indices = @transform_2, window_bounds = array<i64: 128, 256>}, {pipeline_mode = #tpu.pipeline_mode<synchronous>, transform_indices = @transform_3, window_bounds = array<i64: 1, 128>}, {transform_indices = @transform_4, window_bounds = array<i64: 5000, 128>}]} {
    %get3A = arith.constant 0 : index
    %get3A_0 = arith.constant 0 : index
    %get3A_1 = vector.load %arg1[%get3A, %get3A_0] : memref<5000x128xf32, #tpu.memory_space<vmem>>, vector<5000x128xf32>
    %get3A_2 = arith.constant 0 : index
    %get3A_3 = arith.constant 0 : index
    %get3A_4 = vector.load %arg3[%get3A_2, %get3A_3] : memref<128x256xf32, #tpu.memory_space<vmem>>, vector<128x128xf32>
    %dot_general3A = arith.constant dense<0.000000e+00> : vector<5000x128xf32>
    %dot_general3A_5 = tpu.matmul %get3A_1, %get3A_4, %dot_general3A {dimension_numbers = #tpu.dot_dimension_numbers<[1], [1], [0], [0], [0, 0, 1, 0], [], []>, transpose_lhs_hint = false} : vector<5000x128xf32>, vector<128x128xf32>, vector<5000x128xf32> -> vector<5000x128xf32>
    %get3A_6 = arith.constant 0 : index
    %get3A_7 = arith.constant 0 : index
    %get3A_8 = vector.load %arg2[%get3A_6, %get3A_7] : memref<5000x128xf32, #tpu.memory_space<vmem>>, vector<5000x128xf32>
    %mul3A = arith.constant 3.125000e-02 : f32
    %mul3A_9 = vector.broadcast %mul3A : f32 to vector<5000x128xf32>
    %mul3A_10 = arith.mulf %get3A_8, %mul3A_9 : vector<5000x128xf32>
    %get3A_11 = arith.constant 0 : index
    %get3A_12 = arith.constant 128 : index
    %get3A_13 = vector.load %arg3[%get3A_11, %get3A_12] : memref<128x256xf32, #tpu.memory_space<vmem>>, vector<128x128xf32>
    %dot_general3A_14 = arith.constant dense<0.000000e+00> : vector<5000x128xf32>
    %dot_general3A_15 = tpu.matmul %mul3A_10, %get3A_13, %dot_general3A_14 {dimension_numbers = #tpu.dot_dimension_numbers<[1], [1], [0], [0], [0, 0, 1, 0], [], []>, transpose_lhs_hint = false} : vector<5000x128xf32>, vector<128x128xf32>, vector<5000x128xf32> -> vector<5000x128xf32>
    %add3A = arith.addf %dot_general3A_5, %dot_general3A_15 : vector<5000x128xf32>
    %get3A_16 = arith.constant 0 : index
    %get3A_17 = arith.constant 0 : index
    %get3A_18 = vector.load %arg4[%get3A_16, %get3A_17] : memref<1x128xf32, #tpu.memory_space<vmem>>, vector<1x128xf32>
    %add3A_19 = vector.broadcast %get3A_18 : vector<1x128xf32> to vector<5000x128xf32>
    %add3A_20 = arith.addf %add3A, %add3A_19 : vector<5000x128xf32>
    %max3A = arith.constant 0.000000e+00 : f32
    %max3A_21 = vector.broadcast %max3A : f32 to vector<5000x128xf32>
    %max3A_22 = arith.maximumf %add3A_20, %max3A_21 : vector<5000x128xf32>
    %swap3A = arith.constant 0 : index
    %swap3A_23 = arith.constant 0 : index
    %swap3A_24 = vector.load %arg5[%swap3A, %swap3A_23] : memref<5000x128xf32, #tpu.memory_space<vmem>>, vector<5000x128xf32>
    tpu.vector_store %arg5[%swap3A, %swap3A_23], %max3A_22 {strides = array<i32>} : memref<5000x128xf32, #tpu.memory_space<vmem>>, vector<5000x128xf32>,
    return
  }
  func.func @transform_0(%arg0: i32) -> (i32, i32) {
    %c0_i32 = arith.constant 0 : i32
    %c0_i32_0 = arith.constant 0 : i32
    return %arg0, %c0_i32 : i32, i32
  }
  func.func @transform_1(%arg0: i32) -> (i32, i32) {
    %c0_i32 = arith.constant 0 : i32
    %c0_i32_0 = arith.constant 0 : i32
    return %arg0, %c0_i32 : i32, i32
  }
  func.func @transform_2(%arg0: i32) -> (i32, i32) {
    %c0_i32 = arith.constant 0 : i32
    %c0_i32_0 = arith.constant 0 : i32
    %c0_i32_1 = arith.constant 0 : i32
    return %c0_i32, %c0_i32_0 : i32, i32
  }
  func.func @transform_3(%arg0: i32) -> (i32, i32) {
    %c0_i32 = arith.constant 0 : i32
    %c0_i32_0 = arith.constant 0 : i32
    %c0_i32_1 = arith.constant 0 : i32
    return %c0_i32, %c0_i32_0 : i32, i32
  }
  func.func @transform_4(%arg0: i32) -> (i32, i32) {
    %c0_i32 = arith.constant 0 : i32
    %c0_i32_0 = arith.constant 0 : i32
    return %arg0, %c0_i32 : i32, i32
  }
}

</mosaic_0001>

<sc_bundles>
// kernel: kernel.4.cloned.1.call-start
scs
__scs_entry_jumppad:
0x0: {  	(pc) =	sbr.rel $0x88, $3  }
0x1: {  	(tag) =	ssettag $0x0;
	lr =	simm.s32 $0x1  }
0x2: {  	[smem:$0x3F9D] =	sst lr;
	_ =	strace $0xD0000000  }
0x3: {  	_ = 	snop  }
0x4: {  	_ = 	snop  }
0x5: {  	_ = 	snop  }
0x6: {  	_ = 	snop  }
0x7: {  	_ = 	snop  }
__scs_overlays_trampoline_lowered:
0x8: {  	[smem:$0x3FAC] =	sst s0  }
0x9: {  	[smem:$0x3FAD] =	sst s1  }
0xa: {  	[smem:$0x3FAE] =	sst s2  }
0xb: {  	[smem:$0x3FAF] =	sst s3  }
0xc: {  	[smem:$0x3FB0] =	sst s4  }
0xd: {  	[smem:$0x3FB1] =	sst s5  }
0xe: {  	[smem:$0x3FB2] =	sst s6  }
0xf: {  	[smem:$0x3FB3] =	sst s7  }
0x10: {  	[smem:$0x3FB4] =	sst s8  }
0x11: {  	[smem:$0x3FB5] =	sst s9;
	s0 =	simm.s32 @!p0 $0x0  }
0x12: {  	s1 =	sld [smem:$0x3F9B];
	s0 =	simm.s32 @p0 $0x1  }
0x13: {  	[smem:$0x3FB6] =	sst s0;
	s0 =	simm.s32 @!p1 $0x0  }
0x14: {  	s2 =	sld [smem:$0x3F9A];
	s0 =	simm.s32 @p1 $0x1  }
0x15: {  	[smem:$0x3FB7] =	sst s0;
	s0 =	simm.s32 @!p2 $0x0  }
0x16: {  	s3 =	sld [smem:$0x3FDB];
	s0 =	simm.s32 @p2 $0x1  }
0x17: {  	s4 =	simm.s32 $0x1BF5;
	[smem:$0x3FB9] =	sst s0  }
0x18: {  	s0 =	sld [smem:$0x3F9C];
	_ =	swait.ge [sflag:s4], $0x0  }
0x19: {  	s7 =	sld [smem:$0x3F9D]  }
0x1a: {  	s8 =	sadd.s32 $0xFFFFE003, lr  }
0x1b: {  	s9 =	sadd.s32 $0xFFFFFEF7, lr;
	s5 =	simm.s32 $0xFFFFFFFF;
	p2 =	slt.u32 s8, $0xFFFFF086  }
0x1c: {  	p1 =	slt.u32 s9, $0xF7A;
	s5 =	simm.s32 @!p2 $0x0  }
0x1d: {  	s5 =	simm.s32 @p1 $0x1;
	p0 =	seq.s32 s7, s2  }
0x1e: {  	s7 =	smul.u32 @!p0 $0xF7A, s2;
	p2 =	seq.s32 @!p0 s5, $0x0  }
0x1f: {  	s9 =	smul.u32 $0xF7A, s1;
	s8 =	simm.s32 @!p0 $0x1BF5;
	p2 =	por !p2, p0  }
0x20: {  	[sflag:s8] =	ssyncset.s32 @!p0 $0xFFFFF086;
	s6 =	sadd.s32 @!p0 s3, s7;
	s7 =	simm.s32 @!p0 $0x108  }
0x21: {  	s3 =	sadd.s32 s3, s9;
	s6 =	sadd.s32 @!p0 $0x88, s6;
	s7 =	simm.s32 @p2 $0x1082  }
0x22: {  	[simem:s7], [sflag:s8] =	dma.local @!p0 [hbm:s6], $0xF7A  }
0x23: {  	s9 =	sor.u32 $0xD0000000, s2;
	s6 =	simm.s32 $0x108;
	_ =	swait.ge @!p0 [sflag:s8], $0x0  }
0x24: {  	s3 =	sadd.s32 $0x88, s3;
	s6 =	simm.s32 @!p1 $0x1082;
	[sflag:s4] =	ssyncset.s32 $0xFFFFF086  }
0x25: {  	[simem:s6], [sflag:s4] =	dma.local [hbm:s3], $0xF7A  }
0x26: {  	[smem:$0x3F9D] =	sst s1;
	(tag) =	ssettag s2;
	_ =	strace s9  }
0x27: {  	s1 =	sld [smem:$0x3FAD]  }
0x28: {  	s2 =	sld [smem:$0x3FAE]  }
0x29: {  	s4 =	sld [smem:$0x3FB0]  }
0x2a: {  	p0 =	seq.s32 s5, $0x0;
	s5 =	sld [smem:$0x3FB1]  }
0x2b: {  	s6 =	sld [smem:$0x3FB2]  }
0x2c: {  	s7 =	sld [smem:$0x3FB3]  }
0x2d: {  	s3 =	simm.s32 $0x108;
	s8 =	sld [smem:$0x3FB4]  }
0x2e: {  	s3 =	simm.s32 @!p0 $0x1082;
	s9 =	sld [smem:$0x3FB5]  }
0x2f: {  	lr =	sadd.s32 s0, s3;
	s0 =	sld [smem:$0x3FAC]  }
0x30: {  	s3 =	sld [smem:$0x3FAF]  }
0x31: {  	[smem:$0x3FB8] =	sst s10  }
0x32: {  	s10 =	sld [smem:$0x3FB6];
	_ =	sdelay $0x3  }
0x33: {  	p0 =	seq.s32 s10, $0x1;
	s10 =	sld [smem:$0x3FB8];
	_ =	sdelay $0x3  }
0x34: {  	[smem:$0x3FB8] =	sst s10  }
0x35: {  	s10 =	sld [smem:$0x3FB7];
	_ =	sdelay $0x3  }
0x36: {  	p1 =	seq.s32 s10, $0x1;
	s10 =	sld [smem:$0x3FB8];
	_ =	sdelay $0x3  }
0x37: {  	[smem:$0x3FB8] =	sst s10  }
0x38: {  	s10 =	sld [smem:$0x3FB9]  }
0x39: {  	_ = 	snop;
	(pc) =	sbr.ind lr, $3  }
0x3a: {  	_ = 	snop  }
0x3b: {  	_ = 	snop  }
0x3c: {  	p2 =	seq.s32 s10, $0x1;
	s10 =	sld [smem:$0x3FB8]  }
0x3d: {  	_ =	shalt  }
0x3e: {  	_ =	shalt  }
0x3f: {  	_ =	shalt  }
0x40: {  	_ =	shalt  }
0x41: {  	_ =	shalt  }
0x42: {  	_ =	shalt  }
0x43: {  	_ =	shalt  }
0x44: {  	_ =	shalt  }
0x45: {  	_ =	shalt  }
0x46: {  	_ =	shalt  }
0x47: {  	_ =	shalt  }
0x48: {  	_ =	shalt  }
0x49: {  	_ =	shalt  }
0x4a: {  	_ =	shalt  }
0x4b: {  	_ =	shalt  }
0x4c: {  	_ =	shalt  }
0x4d: {  	_ =	shalt  }
0x4e: {  	_ =	shalt  }
0x4f: {  	_ =	shalt  }
0x50: {  	_ =	shalt  }
0x51: {  	_ =	shalt  }
0x52: {  	_ =	shalt  }
0x53: {  	_ =	shalt  }
0x54: {  	_ =	shalt  }
0x55: {  	_ =	shalt  }
0x56: {  	_ =	shalt  }
0x57: {  	_ =	shalt  }
0x58: {  	_ =	shalt  }
0x59: {  	_ =	shalt  }
0x5a: {  	_ =	shalt  }
0x5b: {  	_ =	shalt  }
0x5c: {  	_ =	shalt  }
0x5d: {  	_ =	shalt  }
0x5e: {  	_ =	shalt  }
0x5f: {  	_ =	shalt  }
0x60: {  	_ =	shalt  }
0x61: {  	_ =	shalt  }
0x62: {  	_ =	shalt  }
0x63: {  	_ =	shalt  }
0x64: {  	_ =	shalt  }
0x65: {  	_ =	shalt  }
0x66: {  	_ =	shalt  }
0x67: {  	_ =	shalt  }
0x68: {  	_ =	shalt  }
0x69: {  	_ =	shalt  }
0x6a: {  	_ =	shalt  }
0x6b: {  	_ =	shalt  }
0x6c: {  	_ =	shalt  }
0x6d: {  	_ =	shalt  }
0x6e: {  	_ =	shalt  }
0x6f: {  	_ =	shalt  }
0x70: {  	_ =	shalt  }
0x71: {  	_ =	shalt  }
0x72: {  	_ =	shalt  }
0x73: {  	_ =	shalt  }
0x74: {  	_ =	shalt  }
0x75: {  	_ =	shalt  }
0x76: {  	_ =	shalt  }
0x77: {  	_ =	shalt  }
0x78: {  	_ =	shalt  }
0x79: {  	_ =	shalt  }
0x7a: {  	_ =	shalt  }
0x7b: {  	_ =	shalt  }
0x7c: {  	_ =	shalt  }
0x7d: {  	_ =	shalt  }
0x7e: {  	_ =	shalt  }
0x7f: {  	_ =	shalt  }
0x80: {  	_ =	shalt  }
0x81: {  	_ =	shalt  }
0x82: {  	_ =	shalt  }
0x83: {  	_ =	shalt  }
0x84: {  	_ =	shalt  }
0x85: {  	_ =	shalt  }
0x86: {  	_ =	shalt  }
0x87: {  	_ =	shalt  }
.Lfunc_end0:
.L_simem_size_0:
called_computation_lowered:
.L_overlay_start_0:
0x88: {  	s2 =	sld [smem:$0x3FD9]  }
0x89: {  	s3 =	sld [smem:$0x3FFE];
	_ =	sdelay $0x1  }
0x8a: {  	s1 =	srdreg.scid  }
0x8b: {  	s0 =	sand.u32 $0x1, s1  }
0x8c: {  	s17 =	sshll.u32 s0, $0xA;
	s2 =	sadd.s32 s3, s2  }
0x8d: {  	s2 =	sadd.s32 s2, s17  }
0x8e: {  	[smem:$0x3FC4] =	sst s2  }
0x8f: {  	_ = 	snop  }
0x90: {  	s2 =	sld [smem:$0x3FC9]  }
0x91: {  	s18 =	sld [smem:$0x3FD0];
	(tm) =	ssettm $0x1  }
0x92: {  	s4 =	sld [smem:$0x3FFB];
	_ =	sdelay $0x3  }
0x93: {  	_ =	strace s4  }
0x94: {  	s4 =	sld [smem:$0x3FFC];
	_ =	sdelay $0x3  }
0x95: {  	_ =	strace s4  }
0x96: {  	s4 =	sld [smem:$0x3FFD];
	_ =	sdelay $0x3  }
0x97: {  	_ =	strace s4  }
0x98: {  	_ =	strace $0x8FFFFFFF  }
0x99: {  	s19 =	sld [smem:$0x3FDB];
	_ =	sdelay $0x1  }
0x9a: {  	s5 =	simm.s32 $_scs_section_size  }
0x9b: {  	s6 =	simm.s32 $_size__tile_overlayer_lowered;
	s7 =	simm.s32 $_tile_overlayer_lowered  }
0x9c: {  	s22 =	simm.s32 $0x1BFF;
	s21 =	sshll.u32 s7, $0x1;
	s4 =	sadd.s32 s5, s19  }
0x9d: {  	s8 =	simm.s32 $0x0;
	s20 =	sshll.u32 s6, $0x1;
	s6 =	sadd.s32 s21, s4  }
0x9e: {  	[timem:s8], [sflag:s22] =	dma.local [hbm:s6], s20  }
0x9f: {  	_ =	swait.ge [sflag:s22], s20  }
0xa0: {  	s5 =	ssub.s32 $0x0, s20;
	[sflag:s22] =	ssyncset.done $0x0  }
0xa1: {  	[sflag:s22] =	ssyncadd.s32 s5;
	_ =	sdelay $0x1  }
0xa2: {  	s23 =	simm.s32 $0x1B8B  }
0xa3: {  	_ =	swait.ge [sflag:s23], $0x1  }
0xa4: {  	[sflag:s23] =	ssyncset.done $0x0  }
0xa5: {  	s25 =	simm.s32 $0x1B8E;
	s24 =	sld [smem:$0x3FFE];
	[sflag:s23] =	ssyncadd.s32 $0xFFFFFFFF  }
0xa6: {  	s26 =	simm.s32 $execute0_lowered;
	[smem:$0x3FD2] =	sst s25  }
0xa7: {  	s6 =	sshll.u32 s26, $0x1;
	_ =	strace $0x80000046;
	[dreg:$0x1] =	wrdreg $0xFFFFFFFF  }
0xa8: {  	s28 =	simm.s32 $_size_execute0_lowered;
	s4 =	sadd.s32 s4, s6;
	[dreg:$0x0] =	wrdreg $0x0  }
0xa9: {  	s6 =	sshll.u32 s28, $0x1;
	[dreg:$0x2] =	wrdreg s4  }
0xaa: {  	[dreg:$0x3] =	wrdreg s6  }
0xab: {  	[dreg:$0x4] =	wrdreg $0xC0  }
0xac: {  	_ =	task [dreg:s8], $0x5FFFF  }
0xad: {  	[dreg:$0x1] =	wrdreg $0xFFFFFFFF  }
0xae: {  	[dreg:$0x0] =	wrdreg $0x60  }
0xaf: {  	[dreg:$0x2] =	wrdreg s24  }
0xb0: {  	[dreg:$0x3] =	wrdreg s2  }
0xb1: {  	[dreg:$0x4] =	wrdreg s18  }
0xb2: {  	[dreg:$0x5] =	wrdreg $0x9  }
0xb3: {  	_ =	task.clear_ibuf [dreg:s8], $0x6FFFF;
	_ =	strace $0x90000046  }
0xb4: {  	s29 =	simm.s32 $0x9;
	_ =	strace $0x80000048  }
0xb5: {  	_ =	swait.ge [sflag:s29], $0x1  }
0xb6: {  	[sflag:s29] =	ssyncadd.s32 $0xFFFFFFFF  }
0xb7: {  	_ =	strace $0x90000048  }
0xb8: {  	_ =	sfence  }
0xb9: {  	s30 =	sld [smem:$0x0];
	_ =	sdelay $0x2  }
0xba: {  	s31 =	sshll.u32 s1, $0xD;
	s1 =	sshrl.u32 s1, $0x2  }
0xbb: {  	s3 =	sand.u32 $0x4000, s31;
	s1 =	sadd.s32 s1, s30  }
0xbc: {  	s0 =	sor.u32 s3, s0;
	s1 =	sshll.u32 s1, $0x11  }
0xbd: {  	s0 =	sor.u32 s1, s0  }
0xbe: {  	s0 =	sadd.s32 $0x8F2B, s0  }
0xbf: {  	[sflag:s0] =	ssyncadd.remote.s32 $0x1  }
0xc0: {  	_ =	sfence.sel $0xFFFF  }
0xc1: {  	[dreg:$0x0] =	wrdreg $0xFFFFFFFF;
	(pc) =	sbr.abs _section_cstart, $3  }
0xc2: {  	[dreg:$0x1] =	wrdreg $0xFFFFFFFF  }
0xc3: {  	_ =	task.clear_ibuf [dreg:s8], $0x2FFFF;
	_ =	strace $0x9FFFFFFF  }
0xc4: {  	(tm) =	ssettm $0x7FFFFFFF  }
0xc5: {  	_ =	shalt  }
tec
execute0_lowered:
.L_overlay_start_1:
0x0: {  	(tag) =	ssettag $0x1  }
0x1: {  	s0 =	rddreg [dreg:$0x0]  }
0x2: {  	s1 =	rddreg [dreg:$0x1]  }
0x3: {  	s2 =	rddreg [dreg:$0x2];
	s4 =	simm.s32 $0x0;
	s3 =	srdreg.scid  }
0x4: {  	s9 =	stileid.u32;
	s19 =	simm.s32 $0x80;
	s28 =	simm.s32 $0x5  }
0x5: {  	s29 =	simm.s32 $0x18400;
	s30 =	simm.s32 $0x6;
	s31 =	simm.s32 $0x7  }
0x6: {  	s17 =	simm.s32 $0x9;
	s20 =	simm.s32 $0x18C00;
	[smem:$0x7FF] =	sst s4  }
0x7: {  	s3 =	sand.u32 $0x1, s3;
	s5 =	sshll.u32 s9, $0x1;
	s0 =	sadd.s32 $0x1200, s0  }
0x8: {  	s24 =	sshll.u32 s9, $0x6;
	s6 =	ssub.s32 $0x2, s3;
	s5 =	sor.u32 s3, s5  }
0x9: {  	_ =	strace $0x80000047;
	s22 =	sshrl.u32 s6, $0x1;
	s7 =	ssub.s32 $0x501, s5  }
0xa: {  	s8 =	sshll.u32 s5, $0x5;
	s25 =	sshll.u32 s5, $0x7;
	s3 =	ssub.s32 s6, s22  }
0xb: {  	s6 =	sshrl.u32 s7, $0x5;
	s23 =	sadd.s32 s0, s8;
	s8 =	sand.u32 $0x60, s8  }
0xc: {  	s14 =	sadd.s32 s2, s25;
	s25 =	simm.s32 $0x0;
	s10 =	sadd.s32 $0x400, s23  }
0xd: {  	[dreg:$0x4] =	wrdreg s23;
	s7 =	sadd.s32 $0x800, s23;
	s11 =	sadd.s32 $0xFFFFFFFD, s6  }
.Ltmp0:
0xe: {  	s12 =	sadd.s32 $0xFFFFFFFC, s6;
	s26 =	smax.u32 s3, $0x1;
	(pc) =	sbr.rel .LBB2_1-.Ltmp0, $4  }
0xf: {  	s3 =	simm.s32 $0x8;
	s23 =	simm.s32 $0xB;
	[dreg:$0x5] =	wrdreg s10  }
0x10: {  	[dreg:$0x6] =	wrdreg s7;
	s10 =	sadd.s32 $0xFFFFFFFE, s6;
	s7 =	sand.u32 $0x380, s24  }
0x11: {  	[dreg:$0x7] =	wrdreg s26;
	s26 =	simm.s32 $0x4;
	s0 =	sadd.s32 s0, s7  }
0x12: {  	s24 =	simm.s32 $0xC;
	s13 =	sadd.s32 s8, s0;
	s0 =	simm.s32 $0x18800  }
.LBB2_21:
0x13: {  	s7 =	simm.s32 $0xA  }
0x14: {  	_ =	swait.ge [sflag:s7], $0x400  }
0x15: {  	[sflag:s7] =	ssyncset.done $0x0  }
0x16: {  	[sflag:s7] =	ssyncadd.s32 $0xFFFFFC00  }
0x17: {  	_ =	swait.ge [sflag:s23], $0x400  }
0x18: {  	[sflag:s23] =	ssyncset.done $0x0  }
0x19: {  	[sflag:s23] =	ssyncadd.s32 $0xFFFFFC00  }
0x1a: {  	_ =	swait.ge [sflag:s24], $0x400  }
0x1b: {  	s25 =	sadd.s32 $0x1, s25;
	s22 =	rddreg [dreg:$0x7]  }
0x1c: {  	p0 =	sne.s32 s25, s22  }
.Ltmp1:
0x1d: {  	_ = 	snop;
	(pc) =	sbr.rel @!p0 .LBB2_22-.Ltmp1, $3  }
0x1e: {  	_ =	sdelay $0x1  }
0x1f: {  	[sflag:s24] =	ssyncset.done $0x0  }
0x20: {  	[sflag:s24] =	ssyncadd.s32 $0xFFFFFC00  }
.LBB2_1:
0x21: {  	s7 =	rddreg [dreg:$0x4]  }
0x22: {  	[tilespmem:s4], [sflag:$0x1] =	stream.linear.gather [hbm4b:s7+s4], $0x100, $0x38;
	[tilespmem:$0x19000] =	vst v63  }
0x23: {  	s18 =	rddreg [dreg:$0x5];
	s8 =	simm.s32 $0x100  }
0x24: {  	[tilespmem:s8], [sflag:$0x2] =	stream.linear.gather [hbm4b:s18+s4], $0x100, $0x38;
	[tilespmem:$0x19000] =	vst v63  }
0x25: {  	s21 =	rddreg [dreg:$0x6];
	s9 =	simm.s32 $0x200;
	s22 =	simm.s32 $0x1  }
0x26: {  	[tilespmem:s9], [sflag:$0x3] =	stream.linear.gather [hbm4b:s21+s4], $0x100, $0x38;
	[tilespmem:$0x19000] =	vst v63  }
0x27: {  	_ =	swait.ge [sflag:s22], $0x100  }
0x28: {  	[sflag:s22] =	ssyncset.done $0x0  }
0x29: {  	s9 =	simm.s32 $0x400;
	[sflag:s22] =	ssyncadd.s32 $0xFFFFFF00  }
0x2a: {  	[tilespmem:s9], [sflag:$0x4] =	stream.indirect.gather [hbm4b:s1+s19], $0x80, s4, s19, $0xb8;
	[tilespmem:$0x19000] =	vst v63  }
0x2b: {  	s15 =	simm.s32 $0x4400;
	s16 =	simm.s32 $0x2  }
0x2c: {  	[tilespmem:s15], [sflag:$0x5] =	stream.indirect.gather [hbm4b:s1+s19], $0x80, s19, s19, $0xb8;
	[tilespmem:$0x19000] =	vst v63  }
0x2d: {  	_ =	swait.ge [sflag:s16], $0x100  }
.Ltmp2:
0x2e: {  	[sflag:s16] =	ssyncset.done $0x0;
	(pc) =	sbr.rel .LBB2_2-.Ltmp2, $4  }
0x2f: {  	s18 =	simm.s32 $0x8400;
	[sflag:s16] =	ssyncadd.s32 $0xFFFFFF00  }
0x30: {  	[tilespmem:s18], [sflag:$0x6] =	stream.indirect.gather [hbm4b:s1+s19], $0x80, s8, s19, $0xb8;
	[tilespmem:$0x19000] =	vst v63  }
0x31: {  	s21 =	simm.s32 $0x180;
	s22 =	simm.s32 $0xC400;
	s8 =	simm.s32 $0x0  }
0x32: {  	[tilespmem:s22], [sflag:$0x7] =	stream.indirect.gather [hbm4b:s1+s19], $0x80, s21, s19, $0xb8;
	[tilespmem:$0x19000] =	vst v63  }
.LBB2_20:
0x33: {  	s8 =	sadd.s32 $0x1, s8  }
0x34: {  	p0 =	sne.s32 s8, $0xE  }
.Ltmp3:
0x35: {  	_ = 	snop;
	(pc) =	sbr.rel @!p0 .LBB2_21-.Ltmp3, $1  }
0x36: {  	_ =	sdelay $0x3  }
.LBB2_2:
0x37: {  	s16 =	smul.u32 $0x3, s8;
	_ =	sdelay $0x1  }
0x38: {  	p0 =	sge.u32 s16, s6  }
.Ltmp4:
0x39: {  	_ = 	snop;
	(pc) =	sbr.rel @p0 .LBB2_8-.Ltmp4, $1  }
0x3a: {  	_ =	sdelay $0x3  }
0x3b: {  	_ =	swait.ge [sflag:s26], $0x4000  }
0x3c: {  	[sflag:s26] =	ssyncset.done $0x0  }
0x3d: {  	s7 =	sadd.s32 $0x3, s16;
	[sflag:s26] =	ssyncadd.s32 $0xFFFFC000  }
0x3e: {  	p0 =	sge.u32 s7, s6;
	_ =	swait.ge [sflag:s28], $0x4000  }
0x3f: {  	s7 =	sshll.u32 @!p0 s7, $0xA;
	[sflag:s28] =	ssyncset.done $0x0  }
0x40: {  	s9 =	simm.s32 @!p0 $0x0;
	s7 =	sadd.s32 @!p0 s7, s13;
	[sflag:s28] =	ssyncadd.s32 $0xFFFFC000  }
0x41: {  	[tilespmem:s9], [sflag:$0x1] =	stream.linear.gather @!p0 [hbm4b:s7+s9], $0x100, $0x38;
	[tilespmem:$0x19000] =	vst v63  }
0x42: {  	p0 =	sge.u32 s16, s10  }
0x43: {  	s7 =	simm.s32 @!p0 $0x3  }
0x44: {  	_ =	swait.ge @!p0 [sflag:s7], $0x100  }
0x45: {  	s9 =	simm.s32 @!p0 $0x200;
	[sflag:s7] =	ssyncset.done @!p0 $0x0  }
0x46: {  	s15 =	simm.s32 @!p0 $0x10400;
	[sflag:s7] =	ssyncadd.s32 @!p0 $0xFFFFFF00;
	s7 =	simm.s32 @!p0 $0x80  }
0x47: {  	[tilespmem:s15], [sflag:$0x8] =	stream.indirect.gather @!p0 [hbm4b:s1+s7], $0x80, s9, s7, $0xb8;
	[tilespmem:$0x19000] =	vst v63  }
0x48: {  	s9 =	simm.s32 @!p0 $0x280;
	s15 =	simm.s32 @!p0 $0x14400  }
0x49: {  	[tilespmem:s15], [sflag:$0x9] =	stream.indirect.gather @!p0 [hbm4b:s1+s7], $0x80, s9, s7, $0xb8;
	[tilespmem:$0x19000] =	vst v63  }
0x4a: {  	p0 =	seq.s32 s8, $0x0  }
0x4b: {  	s7 =	simm.s32 @!p0 $0xA  }
0x4c: {  	_ =	swait.ge @!p0 [sflag:s7], $0x400  }
0x4d: {  	[sflag:s7] =	ssyncset.done @!p0 $0x0  }
0x4e: {  	s9 =	simm.s32 $0x5F0;
	[sflag:s7] =	ssyncadd.s32 @!p0 $0xFFFFFC00;
	s7 =	simm.s32 $0x0  }
.LBB2_4:
0x4f: {  	v2 =	vmov s9;
	_ =	sdelay $0x3  }
0x50: {  	s15 =	simm.s32 $0x0  }
0x51: {  	v4 =	vld.idx.msk [tilespmem:v2+s15+$0xFFFFFF90 ss:$0x1], $0xffff  }
0x52: {  	v6 =	vld.idx.msk [tilespmem:v2+s15+$0xFFFFFFA0 ss:$0x1], $0xffff  }
0x53: {  	v7 =	vld.idx.msk [tilespmem:v2+s15+$0xFFFFFFB0 ss:$0x1], $0xffff  }
0x54: {  	v8 =	vld.idx.msk [tilespmem:v2+s15+$0xFFFFFFC0 ss:$0x1], $0xffff  }
0x55: {  	v1 =	vld.idx.msk [tilespmem:v2+s15+$0xFFFFFFD0 ss:$0x1], $0xffff  }
0x56: {  	v0 =	vld.idx.msk [tilespmem:v2+s15+$0xFFFFFFE0 ss:$0x1], $0xffff  }
0x57: {  	v14 =	vld.idx.msk [tilespmem:v2+s15+$0xFFFFFF10 ss:$0x1], $0xffff  }
0x58: {  	v17 =	vld.idx.msk [tilespmem:v2+s15+$0xFFFFFF20 ss:$0x1], $0xffff  }
0x59: {  	v13 =	vld.idx.msk [tilespmem:v2+s15+$0xFFFFFF30 ss:$0x1], $0xffff  }
0x5a: {  	v15 =	vld.idx.msk [tilespmem:v2+s15+$0xFFFFFF40 ss:$0x1], $0xffff  }
0x5b: {  	v5 =	vld.idx.msk [tilespmem:v2+s15+$0xFFFFFF50 ss:$0x1], $0xffff  }
0x5c: {  	v3 =	vld.idx.msk [tilespmem:v2+s15+$0xFFFFFF60 ss:$0x1], $0xffff  }
0x5d: {  	v10 =	vld.idx.msk [tilespmem:v2+s15+$0xFFFFFE90 ss:$0x1], $0xffff  }
0x5e: {  	v11 =	vld.idx.msk [tilespmem:v2+s15+$0xFFFFFEA0 ss:$0x1], $0xffff  }
0x5f: {  	v12 =	vld.idx.msk [tilespmem:v2+s15+$0xFFFFFE10 ss:$0x1], $0xffff  }
0x60: {  	v19 =	vld.idx.msk [tilespmem:v2+s15+$0xFFFFFE20 ss:$0x1], $0xffff  }
0x61: {  	v20 =	vld.idx.msk [tilespmem:v2+s15+$0xFFFFFE30 ss:$0x1], $0xffff  }
0x62: {  	v21 =	vld.idx.msk [tilespmem:v2+s15+$0xFFFFFE40 ss:$0x1], $0xffff  }
0x63: {  	v22 =	vld.idx.msk [tilespmem:v2+s15+$0xFFFFFEB0 ss:$0x1], $0xffff  }
0x64: {  	v23 =	vld.idx.msk [tilespmem:v2+s15+$0xFFFFFEC0 ss:$0x1], $0xffff  }
0x65: {  	v9 =	vimm.f32 $0.0e+00;
	v18 =	vld.idx.msk [tilespmem:v2+s15+$0xFFFFFED0 ss:$0x1], $0xffff  }
0x66: {  	v16 =	vld.idx.msk [tilespmem:v2+s15+$0xFFFFFEE0 ss:$0x1], $0xffff;
	v12 =	vadd.f32 v12, v9;
	v27 =	vadd.f32 v19, v9  }
0x67: {  	v19 =	vld.idx.msk [tilespmem:v2+s15+$0xFFFFFE50 ss:$0x1], $0xffff;
	v24 =	vadd.f32 v20, v9;
	v25 =	vadd.f32 v21, v9  }
0x68: {  	v20 =	vld.idx.msk [tilespmem:v2+s15+$0xFFFFFE60 ss:$0x1], $0xffff;
	v26 =	vadd.f32 v10, v12;
	v27 =	vadd.f32 v11, v27  }
0x69: {  	s18 =	simm.s32 $0x800;
	v21 =	vld.idx.msk [tilespmem:v2+s15+$0xFFFFFE70 ss:$0x1], $0xffff;
	v12 =	vimm.f32 $0.0e+00;
	v11 =	vimm.f32 $0.0e+00;
	v10 =	vimm.f32 $0.0e+00  }
.LBB2_5:
0x6a: {  	p0 =	sne.s32 s18, $0x3800;
	v28 =	vld.idx.msk [tilespmem:v2+s15+$0xFFFFFE80 ss:$0x1], $0xffff;
	v22 =	vadd.f32 v22, v24;
	v23 =	vadd.f32 v23, v25  }
0x6b: {  	v24 =	vld.idx.msk [tilespmem:v2+s15+$0xFFFFFEF0 ss:$0x1], $0xffff;
	v14 =	vadd.f32 v14, v26;
	v17 =	vadd.f32 v17, v27  }
0x6c: {  	v25 =	vld.idx.msk [tilespmem:v2+s15+$0xFFFFFF00 ss:$0x1], $0xffff;
	v13 =	vadd.f32 v13, v22;
	v15 =	vadd.f32 v15, v23  }
0x6d: {  	v22 =	vld.idx.msk [tilespmem:v2+s15+$0xFFFFFF70 ss:$0x1], $0xffff;
	v26 =	vadd.f32 v4, v14;
	v27 =	vadd.f32 v6, v17  }
0x6e: {  	v14 =	vld.idx.msk [tilespmem:v2+s15+$0xFFFFFF80 ss:$0x1], $0xffff;
	v29 =	vadd.f32 v7, v13;
	v30 =	vadd.f32 v8, v15  }
0x6f: {  	v6 =	vadd.f32 v19, v9;
	v7 =	vadd.f32 v20, v12;
	v13 =	vld.idx.msk [tilespmem:v2+s15+$0xFFFFFFF0 ss:$0x1], $0xffff  }
0x70: {  	v8 =	vadd.f32 v21, v11;
	v9 =	vadd.f32 v28, v10;
	v10 =	vld.idx.msk [tilespmem:v2+s15+$0x0 ss:$0x1], $0xffff;
	s15 =	sshra.s32 s18, $0x2  }
0x71: {  	v11 =	vadd.f32 v18, v6;
	v12 =	vadd.f32 v16, v7;
	v4 =	vld.idx.msk [tilespmem:v2+s15+$0xFFFFFF90 ss:$0x1], $0xffff  }
0x72: {  	v15 =	vadd.f32 v24, v8;
	v9 =	vadd.f32 v25, v9;
	v6 =	vld.idx.msk [tilespmem:v2+s15+$0xFFFFFFA0 ss:$0x1], $0xffff  }
0x73: {  	v5 =	vadd.f32 v5, v11;
	v3 =	vadd.f32 v3, v12;
	v7 =	vld.idx.msk [tilespmem:v2+s15+$0xFFFFFFB0 ss:$0x1], $0xffff  }
0x74: {  	v11 =	vadd.f32 v22, v15;
	v14 =	vadd.f32 v14, v9;
	v8 =	vld.idx.msk [tilespmem:v2+s15+$0xFFFFFFC0 ss:$0x1], $0xffff  }
0x75: {  	v9 =	vadd.f32 v1, v5;
	v12 =	vadd.f32 v0, v3;
	v1 =	vld.idx.msk [tilespmem:v2+s15+$0xFFFFFFD0 ss:$0x1], $0xffff  }
0x76: {  	v11 =	vadd.f32 v13, v11;
	v10 =	vadd.f32 v10, v14;
	v0 =	vld.idx.msk [tilespmem:v2+s15+$0xFFFFFFE0 ss:$0x1], $0xffff  }
0x77: {  	v14 =	vld.idx.msk [tilespmem:v2+s15+$0xFFFFFF10 ss:$0x1], $0xffff  }
0x78: {  	v17 =	vld.idx.msk [tilespmem:v2+s15+$0xFFFFFF20 ss:$0x1], $0xffff  }
0x79: {  	v13 =	vld.idx.msk [tilespmem:v2+s15+$0xFFFFFF30 ss:$0x1], $0xffff  }
0x7a: {  	v15 =	vld.idx.msk [tilespmem:v2+s15+$0xFFFFFF40 ss:$0x1], $0xffff  }
0x7b: {  	v5 =	vld.idx.msk [tilespmem:v2+s15+$0xFFFFFF50 ss:$0x1], $0xffff  }
0x7c: {  	v3 =	vld.idx.msk [tilespmem:v2+s15+$0xFFFFFF60 ss:$0x1], $0xffff  }
0x7d: {  	v28 =	vld.idx.msk [tilespmem:v2+s15+$0xFFFFFE90 ss:$0x1], $0xffff  }
0x7e: {  	v31 =	vld.idx.msk [tilespmem:v2+s15+$0xFFFFFEA0 ss:$0x1], $0xffff  }
0x7f: {  	v19 =	vld.idx.msk [tilespmem:v2+s15+$0xFFFFFE10 ss:$0x1], $0xffff  }
0x80: {  	v20 =	vld.idx.msk [tilespmem:v2+s15+$0xFFFFFE20 ss:$0x1], $0xffff  }
0x81: {  	v21 =	vld.idx.msk [tilespmem:v2+s15+$0xFFFFFE30 ss:$0x1], $0xffff  }
0x82: {  	v25 =	vld.idx.msk [tilespmem:v2+s15+$0xFFFFFE40 ss:$0x1], $0xffff  }
0x83: {  	v22 =	vld.idx.msk [tilespmem:v2+s15+$0xFFFFFEB0 ss:$0x1], $0xffff  }
0x84: {  	v23 =	vld.idx.msk [tilespmem:v2+s15+$0xFFFFFEC0 ss:$0x1], $0xffff  }
.Ltmp5:
0x85: {  	v18 =	vld.idx.msk [tilespmem:v2+s15+$0xFFFFFED0 ss:$0x1], $0xffff;
	(pc) =	sbr.rel @p0 .LBB2_5-.Ltmp5, $4  }
0x86: {  	v16 =	vld.idx.msk [tilespmem:v2+s15+$0xFFFFFEE0 ss:$0x1], $0xffff  }
0x87: {  	v26 =	vadd.f32 v19, v26;
	v27 =	vadd.f32 v20, v27;
	v19 =	vld.idx.msk [tilespmem:v2+s15+$0xFFFFFE50 ss:$0x1], $0xffff  }
0x88: {  	v24 =	vadd.f32 v21, v29;
	v25 =	vadd.f32 v25, v30;
	v20 =	vld.idx.msk [tilespmem:v2+s15+$0xFFFFFE60 ss:$0x1], $0xffff  }
0x89: {  	s18 =	sadd.s32 $0x800, s18;
	v26 =	vadd.f32 v28, v26;
	v27 =	vadd.f32 v31, v27;
	v21 =	vld.idx.msk [tilespmem:v2+s15+$0xFFFFFE70 ss:$0x1], $0xffff  }
0x8a: {  	_ =	sdelay $0x1  }
0x8b: {  	v22 =	vadd.f32 v22, v24;
	v23 =	vadd.f32 v23, v25  }
0x8c: {  	v14 =	vadd.f32 v14, v26;
	v17 =	vadd.f32 v17, v27  }
0x8d: {  	v53 =	vld.idx.msk [tilespmem:v2+s15+$0xFFFFFE80 ss:$0x1], $0xffff;
	v13 =	vadd.f32 v13, v22;
	v15 =	vadd.f32 v15, v23  }
0x8e: {  	v54 =	vld.idx.msk [tilespmem:v2+s15+$0xFFFFFEF0 ss:$0x1], $0xffff;
	v9 =	vadd.f32 v19, v9;
	v4 =	vadd.f32 v4, v14  }
0x8f: {  	v55 =	vld.idx.msk [tilespmem:v2+s15+$0xFFFFFF00 ss:$0x1], $0xffff;
	v6 =	vadd.f32 v6, v17;
	v12 =	vadd.f32 v20, v12  }
0x90: {  	v56 =	vld.idx.msk [tilespmem:v2+s15+$0xFFFFFF70 ss:$0x1], $0xffff;
	v7 =	vadd.f32 v7, v13;
	v8 =	vadd.f32 v8, v15  }
0x91: {  	v57 =	vld.idx.msk [tilespmem:v2+s15+$0xFFFFFF80 ss:$0x1], $0xffff;
	s18 =	sshll.u32 s7, $0x7;
	v11 =	vadd.f32 v21, v11;
	v9 =	vadd.f32 v18, v9  }
0x92: {  	v58 =	vld.idx.msk [tilespmem:v2+s15+$0xFFFFFFF0 ss:$0x1], $0xffff;
	s22 =	sand.u32 $0x3FFFFF80, s18;
	v10 =	vadd.f32 v53, v10;
	v12 =	vadd.f32 v16, v12  }
0x93: {  	v59 =	vld.idx.msk [tilespmem:v2+s15+$0x0 ss:$0x1], $0xffff;
	[tilespmem:s22+$0x18400] =	vst v4;
	v11 =	vadd.f32 v54, v11;
	v5 =	vadd.f32 v5, v9  }
0x94: {  	s7 =	sadd.s32 $0x1, s7;
	[tilespmem:s22+$0x18410] =	vst v6;
	v60 =	vadd.f32 v55, v10;
	v3 =	vadd.f32 v3, v12  }
0x95: {  	p0 =	sne.s32 s7, $0x8;
	[tilespmem:s22+$0x18420] =	vst v7;
	v61 =	vadd.f32 v56, v11;
	v1 =	vadd.f32 v1, v5  }
.Ltmp6:
0x96: {  	[tilespmem:s22+$0x18430] =	vst v8;
	v4 =	vadd.f32 v57, v60;
	v0 =	vadd.f32 v0, v3;
	(pc) =	sbr.rel @p0 .LBB2_4-.Ltmp6, $4  }
0x97: {  	v62 =	vadd.f32 v58, v61;
	[tilespmem:s22+$0x18440] =	vst v1  }
0x98: {  	v63 =	vadd.f32 v59, v4;
	[tilespmem:s22+$0x18450] =	vst v0  }
0x99: {  	[tilespmem:s22+$0x18460] =	vst v62  }
0x9a: {  	s9 =	sadd.s32 $0x1000, s9;
	[tilespmem:s22+$0x18470] =	vst v63  }
0x9b: {  	s7 =	smul.u32 $0x60, s8;
	_ =	sdelay $0x1  }
0x9c: {  	s7 =	sor.u32 s5, s7  }
0x9d: {  	s7 =	sshll.u32 s7, $0x7  }
0x9e: {  	s7 =	sadd.s32 s2, s7  }
0x9f: {  	[hbm4b:s7+s4] =	stream.linear.scatter [tilespmem:s29], [sflag:$0xA], $0x400, $0x38;
	[tilespmem:$0x19000] =	vst v63  }
.LBB2_8:
0xa0: {  	s9 =	sadd.s32 $0x1, s16  }
0xa1: {  	p0 =	sge.u32 s9, s6  }
.Ltmp7:
0xa2: {  	_ = 	snop;
	(pc) =	sbr.rel @p0 .LBB2_14-.Ltmp7, $1  }
0xa3: {  	_ =	sdelay $0x3  }
0xa4: {  	_ =	swait.ge [sflag:s30], $0x4000  }
0xa5: {  	[sflag:s30] =	ssyncset.done $0x0  }
0xa6: {  	s7 =	sadd.s32 $0x4, s16;
	[sflag:s30] =	ssyncadd.s32 $0xFFFFC000  }
0xa7: {  	p0 =	sge.u32 s7, s6;
	_ =	swait.ge [sflag:s31], $0x4000  }
0xa8: {  	s7 =	sshll.u32 @!p0 s7, $0xA;
	s15 =	simm.s32 @!p0 $0x0;
	[sflag:s31] =	ssyncset.done $0x0  }
0xa9: {  	s18 =	simm.s32 @!p0 $0x100;
	s7 =	sadd.s32 @!p0 s7, s13;
	[sflag:s31] =	ssyncadd.s32 $0xFFFFC000  }
0xaa: {  	[tilespmem:s18], [sflag:$0x2] =	stream.linear.gather @!p0 [hbm4b:s7+s15], $0x100, $0x38;
	[tilespmem:$0x19000] =	vst v63  }
0xab: {  	p0 =	sge.u32 s16, s11  }
0xac: {  	s7 =	simm.s32 @!p0 $0x1  }
0xad: {  	_ =	swait.ge @!p0 [sflag:s7], $0x100  }
0xae: {  	s15 =	simm.s32 @!p0 $0x0;
	[sflag:s7] =	ssyncset.done @!p0 $0x0  }
0xaf: {  	s18 =	simm.s32 @!p0 $0x400;
	[sflag:s7] =	ssyncadd.s32 @!p0 $0xFFFFFF00;
	s7 =	simm.s32 @!p0 $0x80  }
0xb0: {  	[tilespmem:s18], [sflag:$0x4] =	stream.indirect.gather @!p0 [hbm4b:s1+s7], $0x80, s15, s7, $0xb8;
	[tilespmem:$0x19000] =	vst v63  }
0xb1: {  	s15 =	simm.s32 @!p0 $0x4400  }
0xb2: {  	[tilespmem:s15], [sflag:$0x5] =	stream.indirect.gather @!p0 [hbm4b:s1+s7], $0x80, s7, s7, $0xb8;
	[tilespmem:$0x19000] =	vst v63  }
0xb3: {  	p0 =	seq.s32 s8, $0x0  }
0xb4: {  	s7 =	simm.s32 @!p0 $0xB  }
0xb5: {  	_ =	swait.ge @!p0 [sflag:s7], $0x400  }
0xb6: {  	s18 =	simm.s32 $0x0;
	[sflag:s7] =	ssyncset.done @!p0 $0x0  }
0xb7: {  	s15 =	simm.s32 $0x0;
	[sflag:s7] =	ssyncadd.s32 @!p0 $0xFFFFFC00;
	s7 =	simm.s32 $0x0  }
.LBB2_10:
0xb8: {  	s21 =	sshll.u32 s7, $0x2;
	s22 =	sand.u32 $0x3, s15  }
0xb9: {  	s21 =	sand.u32 $0xFFFF0000, s21;
	s22 =	sshll.u32 s22, $0xE  }
0xba: {  	s21 =	sor.u32 s22, s21  }
0xbb: {  	s21 =	sshrl.u32 s21, $0x2  }
0xbc: {  	s21 =	sor.u32 $0x400, s21  }
0xbd: {  	v2 =	vmov s21;
	_ =	sdelay $0x3  }
0xbe: {  	s22 =	simm.s32 $0x0  }
0xbf: {  	v4 =	vld.idx.msk [tilespmem:v2+s22+$0x8180 ss:$0x1], $0xffff  }
0xc0: {  	v6 =	vld.idx.msk [tilespmem:v2+s22+$0x8190 ss:$0x1], $0xffff  }
0xc1: {  	v7 =	vld.idx.msk [tilespmem:v2+s22+$0x81A0 ss:$0x1], $0xffff  }
0xc2: {  	v8 =	vld.idx.msk [tilespmem:v2+s22+$0x81B0 ss:$0x1], $0xffff  }
0xc3: {  	v1 =	vld.idx.msk [tilespmem:v2+s22+$0x81C0 ss:$0x1], $0xffff  }
0xc4: {  	v0 =	vld.idx.msk [tilespmem:v2+s22+$0x81D0 ss:$0x1], $0xffff  }
0xc5: {  	v14 =	vld.idx.msk [tilespmem:v2+s22+$0x8100 ss:$0x1], $0xffff  }
0xc6: {  	v17 =	vld.idx.msk [tilespmem:v2+s22+$0x8110 ss:$0x1], $0xffff  }
0xc7: {  	v13 =	vld.idx.msk [tilespmem:v2+s22+$0x8120 ss:$0x1], $0xffff  }
0xc8: {  	v15 =	vld.idx.msk [tilespmem:v2+s22+$0x8130 ss:$0x1], $0xffff  }
0xc9: {  	v5 =	vld.idx.msk [tilespmem:v2+s22+$0x8140 ss:$0x1], $0xffff  }
0xca: {  	v3 =	vld.idx.msk [tilespmem:v2+s22+$0x8150 ss:$0x1], $0xffff  }
0xcb: {  	v10 =	vld.idx.msk [tilespmem:v2+s22+$0x8080 ss:$0x1], $0xffff  }
0xcc: {  	v11 =	vld.idx.msk [tilespmem:v2+s22+$0x8090 ss:$0x1], $0xffff  }
0xcd: {  	v12 =	vld.idx.msk [tilespmem:v2+s22+$0x8000 ss:$0x1], $0xffff  }
0xce: {  	v19 =	vld.idx.msk [tilespmem:v2+s22+$0x8010 ss:$0x1], $0xffff  }
0xcf: {  	v20 =	vld.idx.msk [tilespmem:v2+s22+$0x8020 ss:$0x1], $0xffff  }
0xd0: {  	v21 =	vld.idx.msk [tilespmem:v2+s22+$0x8030 ss:$0x1], $0xffff  }
0xd1: {  	v22 =	vld.idx.msk [tilespmem:v2+s22+$0x80A0 ss:$0x1], $0xffff  }
0xd2: {  	v23 =	vld.idx.msk [tilespmem:v2+s22+$0x80B0 ss:$0x1], $0xffff  }
0xd3: {  	v9 =	vimm.f32 $0.0e+00;
	v18 =	vld.idx.msk [tilespmem:v2+s22+$0x80C0 ss:$0x1], $0xffff  }
0xd4: {  	v16 =	vld.idx.msk [tilespmem:v2+s22+$0x80D0 ss:$0x1], $0xffff;
	v12 =	vadd.f32 v12, v9;
	v27 =	vadd.f32 v19, v9  }
0xd5: {  	v19 =	vld.idx.msk [tilespmem:v2+s22+$0x8040 ss:$0x1], $0xffff;
	v24 =	vadd.f32 v20, v9;
	v25 =	vadd.f32 v21, v9  }
0xd6: {  	v20 =	vld.idx.msk [tilespmem:v2+s22+$0x8050 ss:$0x1], $0xffff;
	v26 =	vadd.f32 v10, v12;
	v27 =	vadd.f32 v11, v27  }
0xd7: {  	s21 =	simm.s32 $0x800;
	v21 =	vld.idx.msk [tilespmem:v2+s22+$0x8060 ss:$0x1], $0xffff;
	v12 =	vimm.f32 $0.0e+00;
	v11 =	vimm.f32 $0.0e+00;
	v10 =	vimm.f32 $0.0e+00  }
.LBB2_11:
0xd8: {  	p0 =	sne.s32 s21, $0x3800;
	v28 =	vld.idx.msk [tilespmem:v2+s22+$0x8070 ss:$0x1], $0xffff;
	v22 =	vadd.f32 v22, v24;
	v23 =	vadd.f32 v23, v25  }
0xd9: {  	v24 =	vld.idx.msk [tilespmem:v2+s22+$0x80E0 ss:$0x1], $0xffff;
	v14 =	vadd.f32 v14, v26;
	v17 =	vadd.f32 v17, v27  }
0xda: {  	v25 =	vld.idx.msk [tilespmem:v2+s22+$0x80F0 ss:$0x1], $0xffff;
	v13 =	vadd.f32 v13, v22;
	v15 =	vadd.f32 v15, v23  }
0xdb: {  	v22 =	vld.idx.msk [tilespmem:v2+s22+$0x8160 ss:$0x1], $0xffff;
	v26 =	vadd.f32 v4, v14;
	v27 =	vadd.f32 v6, v17  }
0xdc: {  	v14 =	vld.idx.msk [tilespmem:v2+s22+$0x8170 ss:$0x1], $0xffff;
	v29 =	vadd.f32 v7, v13;
	v30 =	vadd.f32 v8, v15  }
0xdd: {  	v6 =	vadd.f32 v19, v9;
	v7 =	vadd.f32 v20, v12;
	v13 =	vld.idx.msk [tilespmem:v2+s22+$0x81E0 ss:$0x1], $0xffff  }
0xde: {  	v8 =	vadd.f32 v21, v11;
	v9 =	vadd.f32 v28, v10;
	v10 =	vld.idx.msk [tilespmem:v2+s22+$0x81F0 ss:$0x1], $0xffff;
	s22 =	sshra.s32 s21, $0x2  }
0xdf: {  	v11 =	vadd.f32 v18, v6;
	v12 =	vadd.f32 v16, v7;
	v4 =	vld.idx.msk [tilespmem:v2+s22+$0x8180 ss:$0x1], $0xffff  }
0xe0: {  	v15 =	vadd.f32 v24, v8;
	v9 =	vadd.f32 v25, v9;
	v6 =	vld.idx.msk [tilespmem:v2+s22+$0x8190 ss:$0x1], $0xffff  }
0xe1: {  	v5 =	vadd.f32 v5, v11;
	v3 =	vadd.f32 v3, v12;
	v7 =	vld.idx.msk [tilespmem:v2+s22+$0x81A0 ss:$0x1], $0xffff  }
0xe2: {  	v11 =	vadd.f32 v22, v15;
	v14 =	vadd.f32 v14, v9;
	v8 =	vld.idx.msk [tilespmem:v2+s22+$0x81B0 ss:$0x1], $0xffff  }
0xe3: {  	v9 =	vadd.f32 v1, v5;
	v12 =	vadd.f32 v0, v3;
	v1 =	vld.idx.msk [tilespmem:v2+s22+$0x81C0 ss:$0x1], $0xffff  }
0xe4: {  	v11 =	vadd.f32 v13, v11;
	v10 =	vadd.f32 v10, v14;
	v0 =	vld.idx.msk [tilespmem:v2+s22+$0x81D0 ss:$0x1], $0xffff  }
0xe5: {  	v14 =	vld.idx.msk [tilespmem:v2+s22+$0x8100 ss:$0x1], $0xffff  }
0xe6: {  	v17 =	vld.idx.msk [tilespmem:v2+s22+$0x8110 ss:$0x1], $0xffff  }
0xe7: {  	v13 =	vld.idx.msk [tilespmem:v2+s22+$0x8120 ss:$0x1], $0xffff  }
0xe8: {  	v15 =	vld.idx.msk [tilespmem:v2+s22+$0x8130 ss:$0x1], $0xffff  }
0xe9: {  	v5 =	vld.idx.msk [tilespmem:v2+s22+$0x8140 ss:$0x1], $0xffff  }
0xea: {  	v3 =	vld.idx.msk [tilespmem:v2+s22+$0x8150 ss:$0x1], $0xffff  }
0xeb: {  	v28 =	vld.idx.msk [tilespmem:v2+s22+$0x8080 ss:$0x1], $0xffff  }
0xec: {  	v31 =	vld.idx.msk [tilespmem:v2+s22+$0x8090 ss:$0x1], $0xffff  }
0xed: {  	v19 =	vld.idx.msk [tilespmem:v2+s22+$0x8000 ss:$0x1], $0xffff  }
0xee: {  	v20 =	vld.idx.msk [tilespmem:v2+s22+$0x8010 ss:$0x1], $0xffff  }
0xef: {  	v21 =	vld.idx.msk [tilespmem:v2+s22+$0x8020 ss:$0x1], $0xffff  }
0xf0: {  	v25 =	vld.idx.msk [tilespmem:v2+s22+$0x8030 ss:$0x1], $0xffff  }
0xf1: {  	v22 =	vld.idx.msk [tilespmem:v2+s22+$0x80A0 ss:$0x1], $0xffff  }
0xf2: {  	v23 =	vld.idx.msk [tilespmem:v2+s22+$0x80B0 ss:$0x1], $0xffff  }
.Ltmp8:
0xf3: {  	v18 =	vld.idx.msk [tilespmem:v2+s22+$0x80C0 ss:$0x1], $0xffff;
	(pc) =	sbr.rel @p0 .LBB2_11-.Ltmp8, $4  }
0xf4: {  	v16 =	vld.idx.msk [tilespmem:v2+s22+$0x80D0 ss:$0x1], $0xffff  }
0xf5: {  	v26 =	vadd.f32 v19, v26;
	v27 =	vadd.f32 v20, v27;
	v19 =	vld.idx.msk [tilespmem:v2+s22+$0x8040 ss:$0x1], $0xffff  }
0xf6: {  	v24 =	vadd.f32 v21, v29;
	v25 =	vadd.f32 v25, v30;
	v20 =	vld.idx.msk [tilespmem:v2+s22+$0x8050 ss:$0x1], $0xffff  }
0xf7: {  	s21 =	sadd.s32 $0x800, s21;
	v26 =	vadd.f32 v28, v26;
	v27 =	vadd.f32 v31, v27;
	v21 =	vld.idx.msk [tilespmem:v2+s22+$0x8060 ss:$0x1], $0xffff  }
0xf8: {  	_ =	sdelay $0x1  }
0xf9: {  	v22 =	vadd.f32 v22, v24;
	v23 =	vadd.f32 v23, v25  }
0xfa: {  	v14 =	vadd.f32 v14, v26;
	v17 =	vadd.f32 v17, v27  }
0xfb: {  	v53 =	vld.idx.msk [tilespmem:v2+s22+$0x8070 ss:$0x1], $0xffff;
	v13 =	vadd.f32 v13, v22;
	v15 =	vadd.f32 v15, v23  }
0xfc: {  	v54 =	vld.idx.msk [tilespmem:v2+s22+$0x80E0 ss:$0x1], $0xffff;
	v9 =	vadd.f32 v19, v9;
	v4 =	vadd.f32 v4, v14  }
0xfd: {  	v55 =	vld.idx.msk [tilespmem:v2+s22+$0x80F0 ss:$0x1], $0xffff;
	v6 =	vadd.f32 v6, v17;
	v12 =	vadd.f32 v20, v12  }
0xfe: {  	v56 =	vld.idx.msk [tilespmem:v2+s22+$0x8160 ss:$0x1], $0xffff;
	v7 =	vadd.f32 v7, v13;
	v8 =	vadd.f32 v8, v15  }
0xff: {  	v57 =	vld.idx.msk [tilespmem:v2+s22+$0x8170 ss:$0x1], $0xffff;
	s21 =	sshll.u32 s18, $0x7;
	v11 =	vadd.f32 v21, v11;
	v9 =	vadd.f32 v18, v9  }
0x100: {  	v58 =	vld.idx.msk [tilespmem:v2+s22+$0x81E0 ss:$0x1], $0xffff;
	s21 =	sand.u32 $0x3FFFFF80, s21;
	v10 =	vadd.f32 v53, v10;
	v12 =	vadd.f32 v16, v12  }
0x101: {  	v59 =	vld.idx.msk [tilespmem:v2+s22+$0x81F0 ss:$0x1], $0xffff;
	[tilespmem:s21+$0x18800] =	vst v4;
	v11 =	vadd.f32 v54, v11;
	v5 =	vadd.f32 v5, v9  }
0x102: {  	s18 =	sadd.s32 $0x1, s18;
	[tilespmem:s21+$0x18810] =	vst v6;
	v60 =	vadd.f32 v55, v10;
	v3 =	vadd.f32 v3, v12  }
0x103: {  	p0 =	sne.s32 s18, $0x8;
	[tilespmem:s21+$0x18820] =	vst v7;
	v61 =	vadd.f32 v56, v11;
	v1 =	vadd.f32 v1, v5  }
.Ltmp9:
0x104: {  	[tilespmem:s21+$0x18830] =	vst v8;
	v4 =	vadd.f32 v57, v60;
	v0 =	vadd.f32 v0, v3;
	(pc) =	sbr.rel @p0 .LBB2_10-.Ltmp9, $4  }
0x105: {  	v62 =	vadd.f32 v58, v61;
	[tilespmem:s21+$0x18840] =	vst v1  }
0x106: {  	v63 =	vadd.f32 v59, v4;
	[tilespmem:s21+$0x18850] =	vst v0  }
0x107: {  	[tilespmem:s21+$0x18860] =	vst v62  }
0x108: {  	s7 =	sadd.s32 $0x1000, s7;
	s15 =	sadd.s32 $0x1, s15;
	[tilespmem:s21+$0x18870] =	vst v63  }
0x109: {  	s7 =	sshll.u32 s9, $0xC  }
0x10a: {  	s7 =	sadd.s32 s7, s14  }
0x10b: {  	[hbm4b:s7+s4] =	stream.linear.scatter [tilespmem:s0], [sflag:$0xB], $0x400, $0x38;
	[tilespmem:$0x19000] =	vst v63  }
.LBB2_14:
0x10c: {  	s9 =	sadd.s32 $0x2, s16  }
0x10d: {  	p0 =	sge.u32 s9, s6  }
.Ltmp10:
0x10e: {  	_ = 	snop;
	(pc) =	sbr.rel @p0 .LBB2_20-.Ltmp10, $1  }
0x10f: {  	_ =	sdelay $0x3  }
0x110: {  	_ =	swait.ge [sflag:s3], $0x4000  }
0x111: {  	[sflag:s3] =	ssyncset.done $0x0  }
0x112: {  	s7 =	sadd.s32 $0x5, s16;
	[sflag:s3] =	ssyncadd.s32 $0xFFFFC000  }
0x113: {  	p0 =	sge.u32 s7, s6;
	_ =	swait.ge [sflag:s17], $0x4000  }
0x114: {  	s7 =	sshll.u32 @!p0 s7, $0xA;
	s15 =	simm.s32 @!p0 $0x0;
	[sflag:s17] =	ssyncset.done $0x0  }
0x115: {  	s18 =	simm.s32 @!p0 $0x200;
	s7 =	sadd.s32 @!p0 s7, s13;
	[sflag:s17] =	ssyncadd.s32 $0xFFFFC000  }
0x116: {  	[tilespmem:s18], [sflag:$0x3] =	stream.linear.gather @!p0 [hbm4b:s7+s15], $0x100, $0x38;
	[tilespmem:$0x19000] =	vst v63  }
0x117: {  	p0 =	sge.u32 s16, s12  }
0x118: {  	s7 =	simm.s32 @!p0 $0x2  }
0x119: {  	_ =	swait.ge @!p0 [sflag:s7], $0x100  }
0x11a: {  	s15 =	simm.s32 @!p0 $0x100;
	[sflag:s7] =	ssyncset.done @!p0 $0x0  }
0x11b: {  	s16 =	simm.s32 @!p0 $0x8400;
	[sflag:s7] =	ssyncadd.s32 @!p0 $0xFFFFFF00;
	s7 =	simm.s32 @!p0 $0x80  }
0x11c: {  	[tilespmem:s16], [sflag:$0x6] =	stream.indirect.gather @!p0 [hbm4b:s1+s7], $0x80, s15, s7, $0xb8;
	[tilespmem:$0x19000] =	vst v63  }
0x11d: {  	s15 =	simm.s32 @!p0 $0x180;
	s16 =	simm.s32 @!p0 $0xC400  }
0x11e: {  	[tilespmem:s16], [sflag:$0x7] =	stream.indirect.gather @!p0 [hbm4b:s1+s7], $0x80, s15, s7, $0xb8;
	[tilespmem:$0x19000] =	vst v63  }
0x11f: {  	p0 =	seq.s32 s8, $0x0  }
0x120: {  	s7 =	simm.s32 @!p0 $0xC  }
0x121: {  	_ =	swait.ge @!p0 [sflag:s7], $0x400  }
0x122: {  	s15 =	simm.s32 $0x0;
	[sflag:s7] =	ssyncset.done @!p0 $0x0  }
0x123: {  	s16 =	simm.s32 $0x0;
	[sflag:s7] =	ssyncadd.s32 @!p0 $0xFFFFFC00;
	s7 =	simm.s32 $0x0  }
.LBB2_16:
0x124: {  	s18 =	sshll.u32 s7, $0x2;
	s21 =	sand.u32 $0x3, s15  }
0x125: {  	s18 =	sand.u32 $0xFFFF0000, s18;
	s21 =	sshll.u32 s21, $0xE  }
0x126: {  	s18 =	sor.u32 s21, s18  }
0x127: {  	s18 =	sshrl.u32 s18, $0x2  }
0x128: {  	s18 =	sor.u32 $0x400, s18  }
0x129: {  	v2 =	vmov s18;
	_ =	sdelay $0x3  }
0x12a: {  	s18 =	simm.s32 $0x0  }
0x12b: {  	v4 =	vld.idx.msk [tilespmem:v2+s18+$0x10180 ss:$0x1], $0xffff  }
0x12c: {  	v6 =	vld.idx.msk [tilespmem:v2+s18+$0x10190 ss:$0x1], $0xffff  }
0x12d: {  	v7 =	vld.idx.msk [tilespmem:v2+s18+$0x101A0 ss:$0x1], $0xffff  }
0x12e: {  	v8 =	vld.idx.msk [tilespmem:v2+s18+$0x101B0 ss:$0x1], $0xffff  }
0x12f: {  	v1 =	vld.idx.msk [tilespmem:v2+s18+$0x101C0 ss:$0x1], $0xffff  }
0x130: {  	v0 =	vld.idx.msk [tilespmem:v2+s18+$0x101D0 ss:$0x1], $0xffff  }
0x131: {  	v14 =	vld.idx.msk [tilespmem:v2+s18+$0x10100 ss:$0x1], $0xffff  }
0x132: {  	v17 =	vld.idx.msk [tilespmem:v2+s18+$0x10110 ss:$0x1], $0xffff  }
0x133: {  	v13 =	vld.idx.msk [tilespmem:v2+s18+$0x10120 ss:$0x1], $0xffff  }
0x134: {  	v15 =	vld.idx.msk [tilespmem:v2+s18+$0x10130 ss:$0x1], $0xffff  }
0x135: {  	v5 =	vld.idx.msk [tilespmem:v2+s18+$0x10140 ss:$0x1], $0xffff  }
0x136: {  	v3 =	vld.idx.msk [tilespmem:v2+s18+$0x10150 ss:$0x1], $0xffff  }
0x137: {  	v10 =	vld.idx.msk [tilespmem:v2+s18+$0x10080 ss:$0x1], $0xffff  }
0x138: {  	v11 =	vld.idx.msk [tilespmem:v2+s18+$0x10090 ss:$0x1], $0xffff  }
0x139: {  	v12 =	vld.idx.msk [tilespmem:v2+s18+$0x10000 ss:$0x1], $0xffff  }
0x13a: {  	v19 =	vld.idx.msk [tilespmem:v2+s18+$0x10010 ss:$0x1], $0xffff  }
0x13b: {  	v20 =	vld.idx.msk [tilespmem:v2+s18+$0x10020 ss:$0x1], $0xffff  }
0x13c: {  	v21 =	vld.idx.msk [tilespmem:v2+s18+$0x10030 ss:$0x1], $0xffff  }
0x13d: {  	v22 =	vld.idx.msk [tilespmem:v2+s18+$0x100A0 ss:$0x1], $0xffff  }
0x13e: {  	v23 =	vld.idx.msk [tilespmem:v2+s18+$0x100B0 ss:$0x1], $0xffff  }
0x13f: {  	v9 =	vimm.f32 $0.0e+00;
	v18 =	vld.idx.msk [tilespmem:v2+s18+$0x100C0 ss:$0x1], $0xffff  }
0x140: {  	v16 =	vld.idx.msk [tilespmem:v2+s18+$0x100D0 ss:$0x1], $0xffff;
	v12 =	vadd.f32 v12, v9;
	v27 =	vadd.f32 v19, v9  }
0x141: {  	v19 =	vld.idx.msk [tilespmem:v2+s18+$0x10040 ss:$0x1], $0xffff;
	v24 =	vadd.f32 v20, v9;
	v25 =	vadd.f32 v21, v9  }
0x142: {  	v20 =	vld.idx.msk [tilespmem:v2+s18+$0x10050 ss:$0x1], $0xffff;
	v26 =	vadd.f32 v10, v12;
	v27 =	vadd.f32 v11, v27  }
0x143: {  	s21 =	simm.s32 $0x800;
	v21 =	vld.idx.msk [tilespmem:v2+s18+$0x10060 ss:$0x1], $0xffff;
	v12 =	vimm.f32 $0.0e+00;
	v11 =	vimm.f32 $0.0e+00;
	v10 =	vimm.f32 $0.0e+00  }
.LBB2_17:
0x144: {  	p0 =	sne.s32 s21, $0x3800;
	v28 =	vld.idx.msk [tilespmem:v2+s18+$0x10070 ss:$0x1], $0xffff;
	v22 =	vadd.f32 v22, v24;
	v23 =	vadd.f32 v23, v25  }
0x145: {  	v24 =	vld.idx.msk [tilespmem:v2+s18+$0x100E0 ss:$0x1], $0xffff;
	v14 =	vadd.f32 v14, v26;
	v17 =	vadd.f32 v17, v27  }
0x146: {  	v25 =	vld.idx.msk [tilespmem:v2+s18+$0x100F0 ss:$0x1], $0xffff;
	v13 =	vadd.f32 v13, v22;
	v15 =	vadd.f32 v15, v23  }
0x147: {  	v22 =	vld.idx.msk [tilespmem:v2+s18+$0x10160 ss:$0x1], $0xffff;
	v26 =	vadd.f32 v4, v14;
	v27 =	vadd.f32 v6, v17  }
0x148: {  	v14 =	vld.idx.msk [tilespmem:v2+s18+$0x10170 ss:$0x1], $0xffff;
	v29 =	vadd.f32 v7, v13;
	v30 =	vadd.f32 v8, v15  }
0x149: {  	v6 =	vadd.f32 v19, v9;
	v7 =	vadd.f32 v20, v12;
	v13 =	vld.idx.msk [tilespmem:v2+s18+$0x101E0 ss:$0x1], $0xffff  }
0x14a: {  	v8 =	vadd.f32 v21, v11;
	v9 =	vadd.f32 v28, v10;
	v10 =	vld.idx.msk [tilespmem:v2+s18+$0x101F0 ss:$0x1], $0xffff;
	s18 =	sshra.s32 s21, $0x2  }
0x14b: {  	v11 =	vadd.f32 v18, v6;
	v12 =	vadd.f32 v16, v7;
	v4 =	vld.idx.msk [tilespmem:v2+s18+$0x10180 ss:$0x1], $0xffff  }
0x14c: {  	v15 =	vadd.f32 v24, v8;
	v9 =	vadd.f32 v25, v9;
	v6 =	vld.idx.msk [tilespmem:v2+s18+$0x10190 ss:$0x1], $0xffff  }
0x14d: {  	v5 =	vadd.f32 v5, v11;
	v3 =	vadd.f32 v3, v12;
	v7 =	vld.idx.msk [tilespmem:v2+s18+$0x101A0 ss:$0x1], $0xffff  }
0x14e: {  	v11 =	vadd.f32 v22, v15;
	v14 =	vadd.f32 v14, v9;
	v8 =	vld.idx.msk [tilespmem:v2+s18+$0x101B0 ss:$0x1], $0xffff  }
0x14f: {  	v9 =	vadd.f32 v1, v5;
	v12 =	vadd.f32 v0, v3;
	v1 =	vld.idx.msk [tilespmem:v2+s18+$0x101C0 ss:$0x1], $0xffff  }
0x150: {  	v11 =	vadd.f32 v13, v11;
	v10 =	vadd.f32 v10, v14;
	v0 =	vld.idx.msk [tilespmem:v2+s18+$0x101D0 ss:$0x1], $0xffff  }
0x151: {  	v14 =	vld.idx.msk [tilespmem:v2+s18+$0x10100 ss:$0x1], $0xffff  }
0x152: {  	v17 =	vld.idx.msk [tilespmem:v2+s18+$0x10110 ss:$0x1], $0xffff  }
0x153: {  	v13 =	vld.idx.msk [tilespmem:v2+s18+$0x10120 ss:$0x1], $0xffff  }
0x154: {  	v15 =	vld.idx.msk [tilespmem:v2+s18+$0x10130 ss:$0x1], $0xffff  }
0x155: {  	v5 =	vld.idx.msk [tilespmem:v2+s18+$0x10140 ss:$0x1], $0xffff  }
0x156: {  	v3 =	vld.idx.msk [tilespmem:v2+s18+$0x10150 ss:$0x1], $0xffff  }
0x157: {  	v28 =	vld.idx.msk [tilespmem:v2+s18+$0x10080 ss:$0x1], $0xffff  }
0x158: {  	v31 =	vld.idx.msk [tilespmem:v2+s18+$0x10090 ss:$0x1], $0xffff  }
0x159: {  	v19 =	vld.idx.msk [tilespmem:v2+s18+$0x10000 ss:$0x1], $0xffff  }
0x15a: {  	v20 =	vld.idx.msk [tilespmem:v2+s18+$0x10010 ss:$0x1], $0xffff  }
0x15b: {  	v21 =	vld.idx.msk [tilespmem:v2+s18+$0x10020 ss:$0x1], $0xffff  }
0x15c: {  	v25 =	vld.idx.msk [tilespmem:v2+s18+$0x10030 ss:$0x1], $0xffff  }
0x15d: {  	v22 =	vld.idx.msk [tilespmem:v2+s18+$0x100A0 ss:$0x1], $0xffff  }
0x15e: {  	v23 =	vld.idx.msk [tilespmem:v2+s18+$0x100B0 ss:$0x1], $0xffff  }
.Ltmp11:
0x15f: {  	v18 =	vld.idx.msk [tilespmem:v2+s18+$0x100C0 ss:$0x1], $0xffff;
	(pc) =	sbr.rel @p0 .LBB2_17-.Ltmp11, $4  }
0x160: {  	v16 =	vld.idx.msk [tilespmem:v2+s18+$0x100D0 ss:$0x1], $0xffff  }
0x161: {  	v26 =	vadd.f32 v19, v26;
	v27 =	vadd.f32 v20, v27;
	v19 =	vld.idx.msk [tilespmem:v2+s18+$0x10040 ss:$0x1], $0xffff  }
0x162: {  	v24 =	vadd.f32 v21, v29;
	v25 =	vadd.f32 v25, v30;
	v20 =	vld.idx.msk [tilespmem:v2+s18+$0x10050 ss:$0x1], $0xffff  }
0x163: {  	s21 =	sadd.s32 $0x800, s21;
	v26 =	vadd.f32 v28, v26;
	v27 =	vadd.f32 v31, v27;
	v21 =	vld.idx.msk [tilespmem:v2+s18+$0x10060 ss:$0x1], $0xffff  }
0x164: {  	_ =	sdelay $0x1  }
0x165: {  	v22 =	vadd.f32 v22, v24;
	v23 =	vadd.f32 v23, v25  }
0x166: {  	v14 =	vadd.f32 v14, v26;
	v17 =	vadd.f32 v17, v27  }
0x167: {  	v53 =	vld.idx.msk [tilespmem:v2+s18+$0x10070 ss:$0x1], $0xffff;
	v13 =	vadd.f32 v13, v22;
	v15 =	vadd.f32 v15, v23  }
0x168: {  	v54 =	vld.idx.msk [tilespmem:v2+s18+$0x100E0 ss:$0x1], $0xffff;
	v9 =	vadd.f32 v19, v9;
	v4 =	vadd.f32 v4, v14  }
0x169: {  	v55 =	vld.idx.msk [tilespmem:v2+s18+$0x100F0 ss:$0x1], $0xffff;
	v6 =	vadd.f32 v6, v17;
	v12 =	vadd.f32 v20, v12  }
0x16a: {  	v56 =	vld.idx.msk [tilespmem:v2+s18+$0x10160 ss:$0x1], $0xffff;
	v7 =	vadd.f32 v7, v13;
	v8 =	vadd.f32 v8, v15  }
0x16b: {  	v57 =	vld.idx.msk [tilespmem:v2+s18+$0x10170 ss:$0x1], $0xffff;
	s21 =	sshll.u32 s16, $0x7;
	v11 =	vadd.f32 v21, v11;
	v9 =	vadd.f32 v18, v9  }
0x16c: {  	v58 =	vld.idx.msk [tilespmem:v2+s18+$0x101E0 ss:$0x1], $0xffff;
	s22 =	sand.u32 $0x3FFFFF80, s21;
	v10 =	vadd.f32 v53, v10;
	v12 =	vadd.f32 v16, v12  }
0x16d: {  	v59 =	vld.idx.msk [tilespmem:v2+s18+$0x101F0 ss:$0x1], $0xffff;
	[tilespmem:s22+$0x18C00] =	vst v4;
	v11 =	vadd.f32 v54, v11;
	v5 =	vadd.f32 v5, v9  }
0x16e: {  	s16 =	sadd.s32 $0x1, s16;
	[tilespmem:s22+$0x18C10] =	vst v6;
	v60 =	vadd.f32 v55, v10;
	v3 =	vadd.f32 v3, v12  }
0x16f: {  	p0 =	sne.s32 s16, $0x8;
	[tilespmem:s22+$0x18C20] =	vst v7;
	v61 =	vadd.f32 v56, v11;
	v1 =	vadd.f32 v1, v5  }
.Ltmp12:
0x170: {  	[tilespmem:s22+$0x18C30] =	vst v8;
	v4 =	vadd.f32 v57, v60;
	v0 =	vadd.f32 v0, v3;
	(pc) =	sbr.rel @p0 .LBB2_16-.Ltmp12, $4  }
0x171: {  	v62 =	vadd.f32 v58, v61;
	[tilespmem:s22+$0x18C40] =	vst v1  }
0x172: {  	v63 =	vadd.f32 v59, v4;
	[tilespmem:s22+$0x18C50] =	vst v0  }
0x173: {  	[tilespmem:s22+$0x18C60] =	vst v62  }
0x174: {  	s7 =	sadd.s32 $0x1000, s7;
	s15 =	sadd.s32 $0x1, s15;
	[tilespmem:s22+$0x18C70] =	vst v63  }
.Ltmp13:
0x175: {  	(pc) =	sbr.rel .LBB2_20-.Ltmp13, $4  }
0x176: {  	_ = 	snop  }
0x177: {  	s7 =	sshll.u32 s9, $0xC  }
0x178: {  	s7 =	sadd.s32 s7, s14  }
0x179: {  	[hbm4b:s7+s4] =	stream.linear.scatter [tilespmem:s20], [sflag:$0xC], $0x400, $0x38;
	[tilespmem:$0x19000] =	vst v63  }
.LBB2_22:
0x17a: {  	_ =	sfence.sel $0x180000  }
0x17b: {  	[bflag:$0x0] =	sbarrier.arrive $0xFFFF  }
0x17c: {  	_ =	strace $0x90000047  }
0x17d: {  	s0 =	stileid.u32;
	[bflag:$0x2] =	sbarrier.arrive $0xFFFF  }
0x17e: {  	p0 =	sne.s32 s0, $0x0;
	s0 =	rddreg [dreg:$0x3]  }
0x17f: {  	s0 =	sadd.s32 @!p0 $0x100000, s0  }
0x180: {  	[sflag:s0] =	ssyncadd.tile.s32 @!p0 $0x1;
	_ =	shalt  }
.Lfunc_end2:
_tile_overlayer_lowered:
.L_overlay_start_2:
0x181: {  	(tag) =	ssettag $0x2  }
0x182: {  	s0 =	rddreg [dreg:$0x0];
	s2 =	stileid.u32  }
0x183: {  	s1 =	rddreg [dreg:$0x1];
	p0 =	sne.s32 s2, $0x0  }
0x184: {  	s3 =	rddreg [dreg:$0x2];
	[bflag:$0x3] =	sbarrier.arrive $0xFFFF;
	s2 =	simm.s32 @!p0 $0x1C0D  }
0x185: {  	[timem:s3], [sflag:s2] =	dma.local @!p0 [hbm:s0], s1  }
0x186: {  	s0 =	simm.s32 @!p0 $0xD  }
0x187: {  	_ =	swait.ge @!p0 [sflag:s0], s1  }
0x188: {  	s1 =	ssub.s32 @!p0 $0x0, s1;
	[sflag:s0] =	ssyncset.done @!p0 $0x0  }
0x189: {  	[sflag:s0] =	ssyncadd.s32 @!p0 s1  }
0x18a: {  	[bflag:$0x3] =	sbarrier.arrive $0xFFFF  }
0x18b: {  	_ =	shalt  }

</sc_bundles>
